<compile_context>
chip_gen: v7x
topology: tpu7x:2x2x1
jax: 0.10.2.dev20260603
libtpu: 0.0.44.dev20260713+nightly
codegen_flags: <defaults>
</compile_context>

<pallas_src>
import jax
import jax.numpy as jnp
from jax import lax
from jax.experimental import pallas as pl
from jax.experimental.pallas import tpu as pltpu
from jax.experimental.pallas import tpu_sc as plsc

B, S, D = 4, 8192, 768
POOL, LEN, TOPK = 1024, 8, 8

_RB = 64
_NSUB = 8
_OB = _NSUB * _RB
_NSTEP = -(-(TOPK * LEN + S) // _OB)
_NXB = S // _RB
_L = 16


def _copy_score_body(*refs):
    xs = refs[:_NSUB]
    pk, big, sim_out, acc = refs[_NSUB:]
    t = pl.program_id(0)
    for j in range(_NSUB):
        big[:, j * _RB:(j + 1) * _RB, :] = xs[j][...]

    s = jnp.sum(xs[1][...], axis=1)
    for j in range(2, _NSUB):
        s = s + jnp.sum(xs[j][...], axis=1)

    @pl.when(t == 0)
    def _():
        acc[...] = s

    @pl.when((t > 0) & (t < _NSTEP - 1))
    def _():
        acc[...] = acc[...] + s + jnp.sum(xs[0][...], axis=1)

    @pl.when(t == _NSTEP - 1)
    def _():
        acc[...] = acc[...] + jnp.sum(xs[0][...], axis=1)
        xm = acc[...] * (1.0 / S)
        xn = xm / jnp.maximum(
            jnp.sqrt(jnp.sum(xm * xm, axis=1, keepdims=True)), 1e-12)
        pkv = pk[...]
        pk_inv = 1.0 / jnp.maximum(
            jnp.sqrt(jnp.sum(pkv * pkv, axis=1)), 1e-12)
        g = lax.dot_general(xn, pkv, (((1,), (1,)), ((), ())),
                            preferred_element_type=jnp.float32)
        sim_out[...] = g * pk_inv[None, :]


_SEG = POOL // 8


def _sc_topk_gather_body(sim_hbm, prompt_hbm, head_hbm, vals_hbm,
                         seg_v, cval_v, cidx_v, stage_v, stage_i,
                         idx_v, vals_v, rows_v, sh_val, sh_idx, sem):
    c = lax.axis_index("c")
    s = lax.axis_index("s")
    row_local = s // 8
    b = c * 2 + row_local
    seg = s % 8
    lanes = lax.iota(jnp.int32, _L)
    neg = jnp.float32(-jnp.inf)

    pltpu.sync_copy(sim_hbm.at[pl.ds(b * POOL + seg * _SEG, _SEG)], seg_v)
    idxcol = jnp.zeros((_L,), jnp.int32)
    valcol = jnp.full((_L,), neg)
    for k in range(TOPK):
        vacc = jnp.full((_L,), neg)
        iacc = jnp.zeros((_L,), jnp.int32)
        for j in range(_SEG // _L):
            cvec = seg_v[pl.ds(j * _L, _L)]
            ci = lanes + j * _L
            gt = cvec > vacc
            vacc = jnp.where(gt, cvec, vacc)
            iacc = jnp.where(gt, ci, iacc)
        m = jnp.max(vacc)
        wi = jnp.min(jnp.where(vacc == m, iacc, 2 * POOL))
        idxcol = jnp.where(lanes == k, seg * _SEG + wi, idxcol)
        valcol = jnp.where(lanes == k, m, valcol)
        plsc.store_scatter(seg_v, [jnp.full((_L,), wi, jnp.int32)],
                           jnp.full((_L,), neg), mask=lanes == 0)
    stage_v[...] = valcol
    stage_i[...] = idxcol
    off = row_local * 8 * _L + seg * _L
    pltpu.sync_copy(stage_v, sh_val.at[pl.ds(off, _L)])
    pltpu.sync_copy(stage_i, sh_idx.at[pl.ds(off, _L)])
    plsc.subcore_barrier()

    @pl.when(seg == 0)
    def _():
        pltpu.sync_copy(sh_val.at[pl.ds(row_local * 8 * _L, 8 * _L)], cval_v)
        pltpu.sync_copy(sh_idx.at[pl.ds(row_local * 8 * _L, 8 * _L)], cidx_v)
        idxm = jnp.zeros((_L,), jnp.int32)
        valm = jnp.zeros((_L,), jnp.float32)
        for k in range(TOPK):
            vacc = jnp.full((_L,), neg)
            iacc = jnp.zeros((_L,), jnp.int32)
            for j in range(8 * _L // _L):
                cvec = cval_v[pl.ds(j * _L, _L)]
                give = cidx_v[pl.ds(j * _L, _L)]
                gt = cvec > vacc
                vacc = jnp.where(gt, cvec, vacc)
                iacc = jnp.where(gt, give, iacc)
            m = jnp.max(vacc)
            wi = jnp.min(jnp.where(vacc == m, iacc, 2 * POOL))
            idxm = jnp.where(lanes == k, wi, idxm)
            valm = jnp.where(lanes == k, m, valm)
            for j in range(8 * _L // _L):
                cvec = cval_v[pl.ds(j * _L, _L)]
                give = cidx_v[pl.ds(j * _L, _L)]
                cval_v[pl.ds(j * _L, _L)] = jnp.where(give == wi, neg, cvec)
        idx_v[...] = idxm
        vals_v[...] = valm
        pltpu.sync_copy(vals_v, vals_hbm.at[pl.ds(_L * b, _L)])
        pltpu.async_copy(prompt_hbm.at[idx_v.at[pl.ds(0, TOPK)]],
                         rows_v, sem).wait()
        pltpu.sync_copy(rows_v, head_hbm.at[pl.ds(TOPK * b, TOPK)])


def _paste_body(head, vals, big_any, out_blk, rsum):
    del big_any
    out_blk[...] = head[...].reshape(B, TOPK * LEN, D)
    rsum[...] = jnp.reshape(jnp.sum(vals[...]) * (1.0 / B), (1, 1))


def kernel(x_embed, prompt, prompt_key):
    n_out_rows = TOPK * LEN + S

    big, sim = pl.pallas_call(
        _copy_score_body,
        grid=(_NSTEP,),
        in_specs=[
            pl.BlockSpec(
                (B, _RB, D),
                lambda t, j=j: (
                    0, jnp.clip(_NSUB * t + j - 1, 0, _NXB - 1), 0))
            for j in range(_NSUB)
        ] + [
            pl.BlockSpec((POOL, D), lambda t: (0, 0)),
        ],
        out_specs=[
            pl.BlockSpec((B, _OB, D), lambda t: (0, t, 0)),
            pl.BlockSpec((B, POOL), lambda t: (0, 0)),
        ],
        out_shape=[
            jax.ShapeDtypeStruct((B, n_out_rows, D), jnp.float32),
            jax.ShapeDtypeStruct((B, POOL), jnp.float32),
        ],
        scratch_shapes=[pltpu.VMEM((B, D), jnp.float32)],
        compiler_params=pltpu.CompilerParams(
            dimension_semantics=("arbitrary",)),
    )(*([x_embed] * _NSUB), prompt_key)

    sc_stage = pl.kernel(
        _sc_topk_gather_body,
        out_type=[
            jax.ShapeDtypeStruct((B * TOPK, LEN, D), jnp.float32),
            jax.ShapeDtypeStruct((B * _L,), jnp.float32),
        ],
        mesh=plsc.VectorSubcoreMesh(core_axis_name="c", subcore_axis_name="s"),
        scratch_types=[
            pltpu.VMEM((_SEG,), jnp.float32),
            pltpu.VMEM((8 * _L,), jnp.float32),
            pltpu.VMEM((8 * _L,), jnp.int32),
            pltpu.VMEM((_L,), jnp.float32),
            pltpu.VMEM((_L,), jnp.int32),
            pltpu.VMEM((_L,), jnp.int32),
            pltpu.VMEM((_L,), jnp.float32),
            pltpu.VMEM((TOPK, LEN, D), jnp.float32),
            pltpu.VMEM_SHARED((2 * 8 * _L,), jnp.float32),
            pltpu.VMEM_SHARED((2 * 8 * _L,), jnp.int32),
            pltpu.SemaphoreType.DMA,
        ],
        compiler_params=pltpu.CompilerParams(needs_layout_passes=False),
    )
    head, vals = sc_stage(sim.reshape(B * POOL), prompt[0])

    out, rsum = pl.pallas_call(
        _paste_body,
        grid=(1,),
        in_specs=[
            pl.BlockSpec((B * TOPK, LEN, D), lambda t: (0, 0, 0)),
            pl.BlockSpec((1, B * _L), lambda t: (0, 0)),
            pl.BlockSpec(memory_space=pl.ANY),
        ],
        out_specs=[
            pl.BlockSpec((B, TOPK * LEN, D), lambda t: (0, 0, 0)),
            pl.BlockSpec((1, 1), lambda t: (0, 0)),
        ],
        out_shape=[
            jax.ShapeDtypeStruct((B, n_out_rows, D), jnp.float32),
            jax.ShapeDtypeStruct((1, 1), jnp.float32),
        ],
        input_output_aliases={2: 0},
    )(head, vals.reshape(1, B * _L), big)

    return out, rsum[0, 0]

# --- scband reference (transcript-rebuilt; emitter-appended) ---
"""Pipeline reference for scband-prompt-26654567039240 (READ-ONLY COPY).

The authoritative reference and input builder live on the scoring server;
editing this copy changes nothing except your own understanding.
"""

import jax, jax.numpy as jnp
import numpy as np

B, S, D = 4, 8192, 768
POOL, LEN, TOPK, NL = 1024, 8, 8, 1

def _l2norm(x, axis=-1, eps=1e-12):
    n = jnp.sqrt(jnp.sum(x * x, axis=axis, keepdims=True))
    return x / jnp.maximum(n, eps)

def setup_inputs(seed: int = 0) -> dict:
    key = jax.random.key(seed)
    k1, k2, k3 = jax.random.split(key, 3)
    x_embed = jax.random.normal(k1, (B, S, D), dtype=jnp.float32)
    # learned params sized per init_kwargs (prompt_pool=True, no prefix-tune):
    # prompt: (num_layers, pool_size, length, x_embedded_dim)
    prompt = jax.random.uniform(k2, (NL, POOL, LEN, D), dtype=jnp.float32, minval=0.0, maxval=0.01)
    # prompt_key: (pool_size, x_embedded_dim), uniform init
    prompt_key = jax.random.uniform(k3, (POOL, D), dtype=jnp.float32, minval=0.0, maxval=0.01)
    return {"x_embed": x_embed, "prompt": prompt, "prompt_key": prompt_key}

def reference(x_embed, prompt, prompt_key):
    # embedding_key == 'mean'
    x_embed_mean = jnp.mean(x_embed, axis=1)                  # [B, D]
    # F.normalize equivalents
    prompt_key_norm = _l2norm(prompt_key, axis=-1)            # [POOL, D]
    x_embed_norm = _l2norm(x_embed_mean, axis=-1)             # [B, D]
    # cosine similarity between batch keys and prompt keys
    similarity = x_embed_norm @ prompt_key_norm.T             # [B, POOL]
    # top-k prompt selection (prompt_mask=None, batchwise_prompt=False)
    _, idx = jax.lax.top_k(similarity, TOPK)                  # [B, TOPK] int32
    # gather selected prompts: prompt[0] is [POOL, LEN, D]
    batched_prompt_raw = jnp.take(prompt[0], idx, axis=0)     # [B, TOPK, LEN, D]
    batched_prompt = batched_prompt_raw.reshape(B, TOPK * LEN, D)
    # pull-constraint similarity term (reduce_sim)
    batched_key_norm = jnp.take(prompt_key_norm, idx, axis=0) # [B, TOPK, D]
    sim = batched_key_norm * x_embed_norm[:, None, :]
    reduce_sim = jnp.sum(sim) / x_embed.shape[0]
    # prepend prompts to the input embedding
    prompted_embedding = jnp.concatenate([batched_prompt, x_embed], axis=1)  # [B, TOPK*LEN+S, D]
    return prompted_embedding, reduce_sim

if __name__ == "__main__":
    import jax
    _d = setup_inputs()
    print(jax.jit(kernel)(*tuple(_d.values())))

</pallas_src>

<mosaic_0001>
#map = affine_map<(d0, d1) -> (0)>
#map1 = affine_map<(d0, d1) -> (0, 0, 0)>
module attributes {stable_mosaic.version = 14 : i64} {
  func.func @_sc_topk_gather_body(%arg0: i32, %arg1: i32, %arg2: memref<4096xf32, #tpu.memory_space<hbm>>, %arg3: memref<1024x8x768xf32, #tpu.memory_space<hbm>>, %arg4: memref<32x8x768xf32, #tpu.memory_space<hbm>>, %arg5: memref<64xf32, #tpu.memory_space<hbm>>, %arg6: memref<128xf32, #tpu.memory_space<vmem>>, %arg7: memref<128xf32, #tpu.memory_space<vmem>>, %arg8: memref<128xi32, #tpu.memory_space<vmem>>, %arg9: memref<16xf32, #tpu.memory_space<vmem>>, %arg10: memref<16xi32, #tpu.memory_space<vmem>>, %arg11: memref<16xi32, #tpu.memory_space<vmem>>, %arg12: memref<16xf32, #tpu.memory_space<vmem>>, %arg13: memref<8x8x768xf32, #tpu.memory_space<vmem>>, %arg14: memref<256xf32, #tpu.memory_space<vmem_shared>>, %arg15: memref<256xi32, #tpu.memory_space<vmem_shared>>, %arg16: memref<!tpu.dma_semaphore, #tpu.memory_space<semaphore_mem>>) attributes {dimension_semantics = [#tpu.dimension_semantics<core_parallel>, #tpu.dimension_semantics<subcore_parallel>], iteration_bounds = array<i64: 2, 16>, scalar_prefetch = 0 : i64, scratch_operands = 11 : i64, tpu.core_type = #tpu.core_type<sc_vector_subcore>, window_params = [{transform_indices = #map}, {transform_indices = #map1}, {transform_indices = #map1}, {transform_indices = #map}]} {
    %jit3A = arith.constant 8 : i32
    %div3A = arith.divsi %arg1, %jit3A : i32
    %sign3A = arith.constant 0 : i32
    %sign3A_0 = arith.cmpi sgt, %arg1, %sign3A : i32
    %sign3A_1 = arith.extui %sign3A_0 : i1 to i32
    %sign3A_2 = arith.constant 0 : i32
    %sign3A_3 = arith.cmpi slt, %arg1, %sign3A_2 : i32
    %sign3A_4 = arith.extui %sign3A_3 : i1 to i32
    %sign3A_5 = arith.subi %sign3A_1, %sign3A_4 : i32
    %sign3A_6 = arith.constant 0 : i32
    %sign3A_7 = arith.cmpi sgt, %jit3A, %sign3A_6 : i32
    %sign3A_8 = arith.extui %sign3A_7 : i1 to i32
    %sign3A_9 = arith.constant 0 : i32
    %sign3A_10 = arith.cmpi slt, %jit3A, %sign3A_9 : i32
    %sign3A_11 = arith.extui %sign3A_10 : i1 to i32
    %sign3A_12 = arith.subi %sign3A_8, %sign3A_11 : i32
    %ne3A = arith.cmpi ne, %sign3A_5, %sign3A_12 : i32
    %rem3A = arith.remsi %arg1, %jit3A : i32
    %ne3A_13 = arith.constant 0 : i32
    %ne3A_14 = arith.cmpi ne, %rem3A, %ne3A_13 : i32
    %and3A = arith.andi %ne3A, %ne3A_14 : i1
    %sub3A = arith.constant 1 : i32
    %sub3A_15 = arith.subi %div3A, %sub3A : i32
    %select_n3A = arith.select %and3A, %sub3A_15, %div3A : i32
    %mul3A = arith.constant 2 : i32
    %mul3A_16 = arith.muli %arg0, %mul3A : i32
    %add3A = arith.addi %mul3A_16, %select_n3A : i32
    %jit3A_17 = arith.constant 8 : i32
    %eq3A = arith.constant 0 : i32
    %eq3A_18 = arith.cmpi eq, %jit3A_17, %eq3A : i32
    %jit3A_19 = arith.constant 1 : i32
    %select_n3A_20 = arith.select %eq3A_18, %jit3A_19, %jit3A_17 : i32
    %rem3A_21 = arith.remsi %arg1, %select_n3A_20 : i32
    %ne3A_22 = arith.constant 0 : i32
    %ne3A_23 = arith.cmpi ne, %rem3A_21, %ne3A_22 : i32
    %lt3A = arith.constant 0 : i32
    %lt3A_24 = arith.cmpi slt, %rem3A_21, %lt3A : i32
    %lt3A_25 = arith.constant 0 : i32
    %lt3A_26 = arith.cmpi slt, %select_n3A_20, %lt3A_25 : i32
    %ne3A_27 = arith.xori %lt3A_24, %lt3A_26 : i1
    %and3A_28 = arith.andi %ne3A_27, %ne3A_23 : i1
    %add3A_29 = arith.addi %rem3A_21, %select_n3A_20 : i32
    %select_n3A_30 = arith.select %and3A_28, %add3A_29, %rem3A_21 : i32
    %iota3A = tpu.iota {dimensions = array<i32: 0>} : vector<16xi32>
    %mul3A_31 = arith.constant 1024 : i32
    %mul3A_32 = arith.muli %add3A, %mul3A_31 : i32
    %mul3A_33 = arith.constant 128 : i32
    %mul3A_34 = arith.muli %select_n3A_30, %mul3A_33 : i32
    %add3A_35 = arith.addi %mul3A_32, %mul3A_34 : i32
    "tpu.region"() ({
      %run_scoped3A = tpu.sem_alloc : memref<!tpu.dma_semaphore, #tpu.memory_space<semaphore_mem>>
      %dma_start3A = tpu.memref_slice %arg2[%add3A_35] : memref<4096xf32, #tpu.memory_space<hbm>> -> memref<128xf32, #tpu.memory_space<hbm>>
      %dma_start3A_881 = tpu.memref_slice %arg2[%add3A_35] : memref<4096xf32, #tpu.memory_space<hbm>> -> memref<128xf32, #tpu.memory_space<hbm>>
      tpu.enqueue_dma source(%dma_start3A_881 : memref<128xf32, #tpu.memory_space<hbm>>) target(%arg6 : memref<128xf32, #tpu.memory_space<vmem>>) target_semaphore(%run_scoped3A : memref<!tpu.dma_semaphore, #tpu.memory_space<semaphore_mem>>)
      %dma_wait3A = tpu.memref_slice %arg2[%add3A_35] : memref<4096xf32, #tpu.memory_space<hbm>> -> memref<128xf32, #tpu.memory_space<hbm>>
      %dma_wait3A_882 = tpu.memref_slice %arg2[%add3A_35] : memref<4096xf32, #tpu.memory_space<hbm>> -> memref<128xf32, #tpu.memory_space<hbm>>
      tpu.wait_dma2 semaphore(%run_scoped3A : memref<!tpu.dma_semaphore, #tpu.memory_space<semaphore_mem>>) src(%dma_wait3A_882 : memref<128xf32, #tpu.memory_space<hbm>>) dst(%arg6 : memref<128xf32, #tpu.memory_space<vmem>>)
      tpu.yield
    }) : () -> ()
    %broadcast_in_dim3A = arith.constant 0 : i32
    %broadcast_in_dim3A_36 = vector.broadcast %broadcast_in_dim3A : i32 to vector<16xi32>
    %broadcast_in_dim3A_37 = arith.constant 0xFF800000 : f32
    %broadcast_in_dim3A_38 = vector.broadcast %broadcast_in_dim3A_37 : f32 to vector<16xf32>
    %broadcast_in_dim3A_39 = arith.constant 0xFF800000 : f32
    %broadcast_in_dim3A_40 = vector.broadcast %broadcast_in_dim3A_39 : f32 to vector<16xf32>
    %broadcast_in_dim3A_41 = arith.constant 0 : i32
    %broadcast_in_dim3A_42 = vector.broadcast %broadcast_in_dim3A_41 : i32 to vector<16xi32>
    %get3A = arith.constant 0 : index
    %get3A_43 = tpu.vector_load %arg6[%get3A] {strides = array<i32>} : memref<128xf32, #tpu.memory_space<vmem>>, vector<16xf32>,
    %add3A_44 = arith.constant 0 : i32
    %add3A_45 = vector.broadcast %add3A_44 : i32 to vector<16xi32>
    %add3A_46 = arith.addi %iota3A, %add3A_45 : vector<16xi32>
    %gt3A = arith.cmpf ogt, %get3A_43, %broadcast_in_dim3A_40 : vector<16xf32>
    %select_n3A_47 = arith.select %gt3A, %get3A_43, %broadcast_in_dim3A_40 : vector<16xi1>, vector<16xf32>
    %select_n3A_48 = arith.select %gt3A, %add3A_46, %broadcast_in_dim3A_42 : vector<16xi1>, vector<16xi32>
    %get3A_49 = arith.constant 16 : index
    %get3A_50 = tpu.vector_load %arg6[%get3A_49] {strides = array<i32>} : memref<128xf32, #tpu.memory_space<vmem>>, vector<16xf32>,
    %add3A_51 = arith.constant 16 : i32
    %add3A_52 = vector.broadcast %add3A_51 : i32 to vector<16xi32>
    %add3A_53 = arith.addi %iota3A, %add3A_52 : vector<16xi32>
    %gt3A_54 = arith.cmpf ogt, %get3A_50, %select_n3A_47 : vector<16xf32>
    %select_n3A_55 = arith.select %gt3A_54, %get3A_50, %select_n3A_47 : vector<16xi1>, vector<16xf32>
    %select_n3A_56 = arith.select %gt3A_54, %add3A_53, %select_n3A_48 : vector<16xi1>, vector<16xi32>
    %get3A_57 = arith.constant 32 : index
    %get3A_58 = tpu.vector_load %arg6[%get3A_57] {strides = array<i32>} : memref<128xf32, #tpu.memory_space<vmem>>, vector<16xf32>,
    %add3A_59 = arith.constant 32 : i32
    %add3A_60 = vector.broadcast %add3A_59 : i32 to vector<16xi32>
    %add3A_61 = arith.addi %iota3A, %add3A_60 : vector<16xi32>
    %gt3A_62 = arith.cmpf ogt, %get3A_58, %select_n3A_55 : vector<16xf32>
    %select_n3A_63 = arith.select %gt3A_62, %get3A_58, %select_n3A_55 : vector<16xi1>, vector<16xf32>
    %select_n3A_64 = arith.select %gt3A_62, %add3A_61, %select_n3A_56 : vector<16xi1>, vector<16xi32>
    %get3A_65 = arith.constant 48 : index
    %get3A_66 = tpu.vector_load %arg6[%get3A_65] {strides = array<i32>} : memref<128xf32, #tpu.memory_space<vmem>>, vector<16xf32>,
    %add3A_67 = arith.constant 48 : i32
    %add3A_68 = vector.broadcast %add3A_67 : i32 to vector<16xi32>
    %add3A_69 = arith.addi %iota3A, %add3A_68 : vector<16xi32>
    %gt3A_70 = arith.cmpf ogt, %get3A_66, %select_n3A_63 : vector<16xf32>
    %select_n3A_71 = arith.select %gt3A_70, %get3A_66, %select_n3A_63 : vector<16xi1>, vector<16xf32>
    %select_n3A_72 = arith.select %gt3A_70, %add3A_69, %select_n3A_64 : vector<16xi1>, vector<16xi32>
    %get3A_73 = arith.constant 64 : index
    %get3A_74 = tpu.vector_load %arg6[%get3A_73] {strides = array<i32>} : memref<128xf32, #tpu.memory_space<vmem>>, vector<16xf32>,
    %add3A_75 = arith.constant 64 : i32
    %add3A_76 = vector.broadcast %add3A_75 : i32 to vector<16xi32>
    %add3A_77 = arith.addi %iota3A, %add3A_76 : vector<16xi32>
    %gt3A_78 = arith.cmpf ogt, %get3A_74, %select_n3A_71 : vector<16xf32>
    %select_n3A_79 = arith.select %gt3A_78, %get3A_74, %select_n3A_71 : vector<16xi1>, vector<16xf32>
    %select_n3A_80 = arith.select %gt3A_78, %add3A_77, %select_n3A_72 : vector<16xi1>, vector<16xi32>
    %get3A_81 = arith.constant 80 : index
    %get3A_82 = tpu.vector_load %arg6[%get3A_81] {strides = array<i32>} : memref<128xf32, #tpu.memory_space<vmem>>, vector<16xf32>,
    %add3A_83 = arith.constant 80 : i32
    %add3A_84 = vector.broadcast %add3A_83 : i32 to vector<16xi32>
    %add3A_85 = arith.addi %iota3A, %add3A_84 : vector<16xi32>
    %gt3A_86 = arith.cmpf ogt, %get3A_82, %select_n3A_79 : vector<16xf32>
    %select_n3A_87 = arith.select %gt3A_86, %get3A_82, %select_n3A_79 : vector<16xi1>, vector<16xf32>
    %select_n3A_88 = arith.select %gt3A_86, %add3A_85, %select_n3A_80 : vector<16xi1>, vector<16xi32>
    %get3A_89 = arith.constant 96 : index
    %get3A_90 = tpu.vector_load %arg6[%get3A_89] {strides = array<i32>} : memref<128xf32, #tpu.memory_space<vmem>>, vector<16xf32>,
    %add3A_91 = arith.constant 96 : i32
    %add3A_92 = vector.broadcast %add3A_91 : i32 to vector<16xi32>
    %add3A_93 = arith.addi %iota3A, %add3A_92 : vector<16xi32>
    %gt3A_94 = arith.cmpf ogt, %get3A_90, %select_n3A_87 : vector<16xf32>
    %select_n3A_95 = arith.select %gt3A_94, %get3A_90, %select_n3A_87 : vector<16xi1>, vector<16xf32>
    %select_n3A_96 = arith.select %gt3A_94, %add3A_93, %select_n3A_88 : vector<16xi1>, vector<16xi32>
    %get3A_97 = arith.constant 112 : index
    %get3A_98 = tpu.vector_load %arg6[%get3A_97] {strides = array<i32>} : memref<128xf32, #tpu.memory_space<vmem>>, vector<16xf32>,
    %add3A_99 = arith.constant 112 : i32
    %add3A_100 = vector.broadcast %add3A_99 : i32 to vector<16xi32>
    %add3A_101 = arith.addi %iota3A, %add3A_100 : vector<16xi32>
    %gt3A_102 = arith.cmpf ogt, %get3A_98, %select_n3A_95 : vector<16xf32>
    %select_n3A_103 = arith.select %gt3A_102, %get3A_98, %select_n3A_95 : vector<16xi1>, vector<16xf32>
    %select_n3A_104 = arith.select %gt3A_102, %add3A_101, %select_n3A_96 : vector<16xi1>, vector<16xi32>
    %reduce_max3A = arith.constant true
    %reduce_max3A_105 = vector.broadcast %reduce_max3A : i1 to vector<16xi1>
    %reduce_max3A_106 = tpu.scan <max>, %select_n3A_103 masked %reduce_max3A_105 : vector<16xf32>, vector<16xi1> -> vector<16xf32>
    %reduce_max3A_107 = vector.extract %reduce_max3A_106[15] : f32 from vector<16xf32>
    %eq3A_108 = vector.broadcast %reduce_max3A_107 : f32 to vector<16xf32>
    %eq3A_109 = arith.cmpf oeq, %select_n3A_103, %eq3A_108 : vector<16xf32>
    %jit3A_110 = arith.constant 2048 : i32
    %broadcast_in_dim3A_111 = vector.broadcast %jit3A_110 : i32 to vector<16xi32>
    %select_n3A_112 = arith.select %eq3A_109, %select_n3A_104, %broadcast_in_dim3A_111 : vector<16xi1>, vector<16xi32>
    %reduce_min3A = arith.constant true
    %reduce_min3A_113 = vector.broadcast %reduce_min3A : i1 to vector<16xi1>
    %reduce_min3A_114 = arith.constant -2147483648 : i32
    %reduce_min3A_115 = vector.broadcast %reduce_min3A_114 : i32 to vector<16xi32>
    %reduce_min3A_116 = arith.xori %select_n3A_112, %reduce_min3A_115 : vector<16xi32>
    %reduce_min3A_117 = tpu.scan <min>, %reduce_min3A_116 masked %reduce_min3A_113 : vector<16xi32>, vector<16xi1> -> vector<16xi32>
    %reduce_min3A_118 = arith.xori %reduce_min3A_117, %reduce_min3A_115 : vector<16xi32>
    %reduce_min3A_119 = vector.extract %reduce_min3A_118[15] : i32 from vector<16xi32>
    %eq3A_120 = arith.constant 0 : i32
    %eq3A_121 = vector.broadcast %eq3A_120 : i32 to vector<16xi32>
    %eq3A_122 = arith.cmpi eq, %iota3A, %eq3A_121 : vector<16xi32>
    %mul3A_123 = arith.constant 128 : i32
    %mul3A_124 = arith.muli %select_n3A_30, %mul3A_123 : i32
    %add3A_125 = arith.addi %mul3A_124, %reduce_min3A_119 : i32
    %broadcast_in_dim3A_126 = vector.broadcast %add3A_125 : i32 to vector<16xi32>
    %select_n3A_127 = arith.select %eq3A_122, %broadcast_in_dim3A_126, %broadcast_in_dim3A_36 : vector<16xi1>, vector<16xi32>
    %eq3A_128 = arith.constant 0 : i32
    %eq3A_129 = vector.broadcast %eq3A_128 : i32 to vector<16xi32>
    %eq3A_130 = arith.cmpi eq, %iota3A, %eq3A_129 : vector<16xi32>
    %broadcast_in_dim3A_131 = vector.broadcast %reduce_max3A_107 : f32 to vector<16xf32>
    %select_n3A_132 = arith.select %eq3A_130, %broadcast_in_dim3A_131, %broadcast_in_dim3A_38 : vector<16xi1>, vector<16xf32>
    %broadcast_in_dim3A_133 = vector.broadcast %reduce_min3A_119 : i32 to vector<16xi32>
    %broadcast_in_dim3A_134 = arith.constant 0xFF800000 : f32
    %broadcast_in_dim3A_135 = vector.broadcast %broadcast_in_dim3A_134 : f32 to vector<16xf32>
    %eq3A_136 = arith.constant 0 : i32
    %eq3A_137 = vector.broadcast %eq3A_136 : i32 to vector<16xi32>
    %eq3A_138 = arith.cmpi eq, %iota3A, %eq3A_137 : vector<16xi32>
    tpu.vector_store_idx %arg6[%broadcast_in_dim3A_133], %broadcast_in_dim3A_135 masked %eq3A_138 : memref<128xf32, #tpu.memory_space<vmem>>[vector<16xi32>], vector<16xf32>, vector<16xi1>
    %broadcast_in_dim3A_139 = arith.constant 0xFF800000 : f32
    %broadcast_in_dim3A_140 = vector.broadcast %broadcast_in_dim3A_139 : f32 to vector<16xf32>
    %broadcast_in_dim3A_141 = arith.constant 0 : i32
    %broadcast_in_dim3A_142 = vector.broadcast %broadcast_in_dim3A_141 : i32 to vector<16xi32>
    %get3A_143 = arith.constant 0 : index
    %get3A_144 = tpu.vector_load %arg6[%get3A_143] {strides = array<i32>} : memref<128xf32, #tpu.memory_space<vmem>>, vector<16xf32>,
    %add3A_145 = arith.constant 0 : i32
    %add3A_146 = vector.broadcast %add3A_145 : i32 to vector<16xi32>
    %add3A_147 = arith.addi %iota3A, %add3A_146 : vector<16xi32>
    %gt3A_148 = arith.cmpf ogt, %get3A_144, %broadcast_in_dim3A_140 : vector<16xf32>
    %select_n3A_149 = arith.select %gt3A_148, %get3A_144, %broadcast_in_dim3A_140 : vector<16xi1>, vector<16xf32>
    %select_n3A_150 = arith.select %gt3A_148, %add3A_147, %broadcast_in_dim3A_142 : vector<16xi1>, vector<16xi32>
    %get3A_151 = arith.constant 16 : index
    %get3A_152 = tpu.vector_load %arg6[%get3A_151] {strides = array<i32>} : memref<128xf32, #tpu.memory_space<vmem>>, vector<16xf32>,
    %add3A_153 = arith.constant 16 : i32
    %add3A_154 = vector.broadcast %add3A_153 : i32 to vector<16xi32>
    %add3A_155 = arith.addi %iota3A, %add3A_154 : vector<16xi32>
    %gt3A_156 = arith.cmpf ogt, %get3A_152, %select_n3A_149 : vector<16xf32>
    %select_n3A_157 = arith.select %gt3A_156, %get3A_152, %select_n3A_149 : vector<16xi1>, vector<16xf32>
    %select_n3A_158 = arith.select %gt3A_156, %add3A_155, %select_n3A_150 : vector<16xi1>, vector<16xi32>
    %get3A_159 = arith.constant 32 : index
    %get3A_160 = tpu.vector_load %arg6[%get3A_159] {strides = array<i32>} : memref<128xf32, #tpu.memory_space<vmem>>, vector<16xf32>,
    %add3A_161 = arith.constant 32 : i32
    %add3A_162 = vector.broadcast %add3A_161 : i32 to vector<16xi32>
    %add3A_163 = arith.addi %iota3A, %add3A_162 : vector<16xi32>
    %gt3A_164 = arith.cmpf ogt, %get3A_160, %select_n3A_157 : vector<16xf32>
    %select_n3A_165 = arith.select %gt3A_164, %get3A_160, %select_n3A_157 : vector<16xi1>, vector<16xf32>
    %select_n3A_166 = arith.select %gt3A_164, %add3A_163, %select_n3A_158 : vector<16xi1>, vector<16xi32>
    %get3A_167 = arith.constant 48 : index
    %get3A_168 = tpu.vector_load %arg6[%get3A_167] {strides = array<i32>} : memref<128xf32, #tpu.memory_space<vmem>>, vector<16xf32>,
    %add3A_169 = arith.constant 48 : i32
    %add3A_170 = vector.broadcast %add3A_169 : i32 to vector<16xi32>
    %add3A_171 = arith.addi %iota3A, %add3A_170 : vector<16xi32>
    %gt3A_172 = arith.cmpf ogt, %get3A_168, %select_n3A_165 : vector<16xf32>
    %select_n3A_173 = arith.select %gt3A_172, %get3A_168, %select_n3A_165 : vector<16xi1>, vector<16xf32>
    %select_n3A_174 = arith.select %gt3A_172, %add3A_171, %select_n3A_166 : vector<16xi1>, vector<16xi32>
    %get3A_175 = arith.constant 64 : index
    %get3A_176 = tpu.vector_load %arg6[%get3A_175] {strides = array<i32>} : memref<128xf32, #tpu.memory_space<vmem>>, vector<16xf32>,
    %add3A_177 = arith.constant 64 : i32
    %add3A_178 = vector.broadcast %add3A_177 : i32 to vector<16xi32>
    %add3A_179 = arith.addi %iota3A, %add3A_178 : vector<16xi32>
    %gt3A_180 = arith.cmpf ogt, %get3A_176, %select_n3A_173 : vector<16xf32>
    %select_n3A_181 = arith.select %gt3A_180, %get3A_176, %select_n3A_173 : vector<16xi1>, vector<16xf32>
    %select_n3A_182 = arith.select %gt3A_180, %add3A_179, %select_n3A_174 : vector<16xi1>, vector<16xi32>
    %get3A_183 = arith.constant 80 : index
    %get3A_184 = tpu.vector_load %arg6[%get3A_183] {strides = array<i32>} : memref<128xf32, #tpu.memory_space<vmem>>, vector<16xf32>,
    %add3A_185 = arith.constant 80 : i32
    %add3A_186 = vector.broadcast %add3A_185 : i32 to vector<16xi32>
    %add3A_187 = arith.addi %iota3A, %add3A_186 : vector<16xi32>
    %gt3A_188 = arith.cmpf ogt, %get3A_184, %select_n3A_181 : vector<16xf32>
    %select_n3A_189 = arith.select %gt3A_188, %get3A_184, %select_n3A_181 : vector<16xi1>, vector<16xf32>
    %select_n3A_190 = arith.select %gt3A_188, %add3A_187, %select_n3A_182 : vector<16xi1>, vector<16xi32>
    %get3A_191 = arith.constant 96 : index
    %get3A_192 = tpu.vector_load %arg6[%get3A_191] {strides = array<i32>} : memref<128xf32, #tpu.memory_space<vmem>>, vector<16xf32>,
    %add3A_193 = arith.constant 96 : i32
    %add3A_194 = vector.broadcast %add3A_193 : i32 to vector<16xi32>
    %add3A_195 = arith.addi %iota3A, %add3A_194 : vector<16xi32>
    %gt3A_196 = arith.cmpf ogt, %get3A_192, %select_n3A_189 : vector<16xf32>
    %select_n3A_197 = arith.select %gt3A_196, %get3A_192, %select_n3A_189 : vector<16xi1>, vector<16xf32>
    %select_n3A_198 = arith.select %gt3A_196, %add3A_195, %select_n3A_190 : vector<16xi1>, vector<16xi32>
    %get3A_199 = arith.constant 112 : index
    %get3A_200 = tpu.vector_load %arg6[%get3A_199] {strides = array<i32>} : memref<128xf32, #tpu.memory_space<vmem>>, vector<16xf32>,
    %add3A_201 = arith.constant 112 : i32
    %add3A_202 = vector.broadcast %add3A_201 : i32 to vector<16xi32>
    %add3A_203 = arith.addi %iota3A, %add3A_202 : vector<16xi32>
    %gt3A_204 = arith.cmpf ogt, %get3A_200, %select_n3A_197 : vector<16xf32>
    %select_n3A_205 = arith.select %gt3A_204, %get3A_200, %select_n3A_197 : vector<16xi1>, vector<16xf32>
    %select_n3A_206 = arith.select %gt3A_204, %add3A_203, %select_n3A_198 : vector<16xi1>, vector<16xi32>
    %reduce_max3A_207 = arith.constant true
    %reduce_max3A_208 = vector.broadcast %reduce_max3A_207 : i1 to vector<16xi1>
    %reduce_max3A_209 = tpu.scan <max>, %select_n3A_205 masked %reduce_max3A_208 : vector<16xf32>, vector<16xi1> -> vector<16xf32>
    %reduce_max3A_210 = vector.extract %reduce_max3A_209[15] : f32 from vector<16xf32>
    %eq3A_211 = vector.broadcast %reduce_max3A_210 : f32 to vector<16xf32>
    %eq3A_212 = arith.cmpf oeq, %select_n3A_205, %eq3A_211 : vector<16xf32>
    %jit3A_213 = arith.constant 2048 : i32
    %broadcast_in_dim3A_214 = vector.broadcast %jit3A_213 : i32 to vector<16xi32>
    %select_n3A_215 = arith.select %eq3A_212, %select_n3A_206, %broadcast_in_dim3A_214 : vector<16xi1>, vector<16xi32>
    %reduce_min3A_216 = arith.constant true
    %reduce_min3A_217 = vector.broadcast %reduce_min3A_216 : i1 to vector<16xi1>
    %reduce_min3A_218 = arith.constant -2147483648 : i32
    %reduce_min3A_219 = vector.broadcast %reduce_min3A_218 : i32 to vector<16xi32>
    %reduce_min3A_220 = arith.xori %select_n3A_215, %reduce_min3A_219 : vector<16xi32>
    %reduce_min3A_221 = tpu.scan <min>, %reduce_min3A_220 masked %reduce_min3A_217 : vector<16xi32>, vector<16xi1> -> vector<16xi32>
    %reduce_min3A_222 = arith.xori %reduce_min3A_221, %reduce_min3A_219 : vector<16xi32>
    %reduce_min3A_223 = vector.extract %reduce_min3A_222[15] : i32 from vector<16xi32>
    %eq3A_224 = arith.constant 1 : i32
    %eq3A_225 = vector.broadcast %eq3A_224 : i32 to vector<16xi32>
    %eq3A_226 = arith.cmpi eq, %iota3A, %eq3A_225 : vector<16xi32>
    %mul3A_227 = arith.constant 128 : i32
    %mul3A_228 = arith.muli %select_n3A_30, %mul3A_227 : i32
    %add3A_229 = arith.addi %mul3A_228, %reduce_min3A_223 : i32
    %broadcast_in_dim3A_230 = vector.broadcast %add3A_229 : i32 to vector<16xi32>
    %select_n3A_231 = arith.select %eq3A_226, %broadcast_in_dim3A_230, %select_n3A_127 : vector<16xi1>, vector<16xi32>
    %eq3A_232 = arith.constant 1 : i32
    %eq3A_233 = vector.broadcast %eq3A_232 : i32 to vector<16xi32>
    %eq3A_234 = arith.cmpi eq, %iota3A, %eq3A_233 : vector<16xi32>
    %broadcast_in_dim3A_235 = vector.broadcast %reduce_max3A_210 : f32 to vector<16xf32>
    %select_n3A_236 = arith.select %eq3A_234, %broadcast_in_dim3A_235, %select_n3A_132 : vector<16xi1>, vector<16xf32>
    %broadcast_in_dim3A_237 = vector.broadcast %reduce_min3A_223 : i32 to vector<16xi32>
    %broadcast_in_dim3A_238 = arith.constant 0xFF800000 : f32
    %broadcast_in_dim3A_239 = vector.broadcast %broadcast_in_dim3A_238 : f32 to vector<16xf32>
    %eq3A_240 = arith.constant 0 : i32
    %eq3A_241 = vector.broadcast %eq3A_240 : i32 to vector<16xi32>
    %eq3A_242 = arith.cmpi eq, %iota3A, %eq3A_241 : vector<16xi32>
    tpu.vector_store_idx %arg6[%broadcast_in_dim3A_237], %broadcast_in_dim3A_239 masked %eq3A_242 : memref<128xf32, #tpu.memory_space<vmem>>[vector<16xi32>], vector<16xf32>, vector<16xi1>
    %broadcast_in_dim3A_243 = arith.constant 0xFF800000 : f32
    %broadcast_in_dim3A_244 = vector.broadcast %broadcast_in_dim3A_243 : f32 to vector<16xf32>
    %broadcast_in_dim3A_245 = arith.constant 0 : i32
    %broadcast_in_dim3A_246 = vector.broadcast %broadcast_in_dim3A_245 : i32 to vector<16xi32>
    %get3A_247 = arith.constant 0 : index
    %get3A_248 = tpu.vector_load %arg6[%get3A_247] {strides = array<i32>} : memref<128xf32, #tpu.memory_space<vmem>>, vector<16xf32>,
    %add3A_249 = arith.constant 0 : i32
    %add3A_250 = vector.broadcast %add3A_249 : i32 to vector<16xi32>
    %add3A_251 = arith.addi %iota3A, %add3A_250 : vector<16xi32>
    %gt3A_252 = arith.cmpf ogt, %get3A_248, %broadcast_in_dim3A_244 : vector<16xf32>
    %select_n3A_253 = arith.select %gt3A_252, %get3A_248, %broadcast_in_dim3A_244 : vector<16xi1>, vector<16xf32>
    %select_n3A_254 = arith.select %gt3A_252, %add3A_251, %broadcast_in_dim3A_246 : vector<16xi1>, vector<16xi32>
    %get3A_255 = arith.constant 16 : index
    %get3A_256 = tpu.vector_load %arg6[%get3A_255] {strides = array<i32>} : memref<128xf32, #tpu.memory_space<vmem>>, vector<16xf32>,
    %add3A_257 = arith.constant 16 : i32
    %add3A_258 = vector.broadcast %add3A_257 : i32 to vector<16xi32>
    %add3A_259 = arith.addi %iota3A, %add3A_258 : vector<16xi32>
    %gt3A_260 = arith.cmpf ogt, %get3A_256, %select_n3A_253 : vector<16xf32>
    %select_n3A_261 = arith.select %gt3A_260, %get3A_256, %select_n3A_253 : vector<16xi1>, vector<16xf32>
    %select_n3A_262 = arith.select %gt3A_260, %add3A_259, %select_n3A_254 : vector<16xi1>, vector<16xi32>
    %get3A_263 = arith.constant 32 : index
    %get3A_264 = tpu.vector_load %arg6[%get3A_263] {strides = array<i32>} : memref<128xf32, #tpu.memory_space<vmem>>, vector<16xf32>,
    %add3A_265 = arith.constant 32 : i32
    %add3A_266 = vector.broadcast %add3A_265 : i32 to vector<16xi32>
    %add3A_267 = arith.addi %iota3A, %add3A_266 : vector<16xi32>
    %gt3A_268 = arith.cmpf ogt, %get3A_264, %select_n3A_261 : vector<16xf32>
    %select_n3A_269 = arith.select %gt3A_268, %get3A_264, %select_n3A_261 : vector<16xi1>, vector<16xf32>
    %select_n3A_270 = arith.select %gt3A_268, %add3A_267, %select_n3A_262 : vector<16xi1>, vector<16xi32>
    %get3A_271 = arith.constant 48 : index
    %get3A_272 = tpu.vector_load %arg6[%get3A_271] {strides = array<i32>} : memref<128xf32, #tpu.memory_space<vmem>>, vector<16xf32>,
    %add3A_273 = arith.constant 48 : i32
    %add3A_274 = vector.broadcast %add3A_273 : i32 to vector<16xi32>
    %add3A_275 = arith.addi %iota3A, %add3A_274 : vector<16xi32>
    %gt3A_276 = arith.cmpf ogt, %get3A_272, %select_n3A_269 : vector<16xf32>
    %select_n3A_277 = arith.select %gt3A_276, %get3A_272, %select_n3A_269 : vector<16xi1>, vector<16xf32>
    %select_n3A_278 = arith.select %gt3A_276, %add3A_275, %select_n3A_270 : vector<16xi1>, vector<16xi32>
    %get3A_279 = arith.constant 64 : index
    %get3A_280 = tpu.vector_load %arg6[%get3A_279] {strides = array<i32>} : memref<128xf32, #tpu.memory_space<vmem>>, vector<16xf32>,
    %add3A_281 = arith.constant 64 : i32
    %add3A_282 = vector.broadcast %add3A_281 : i32 to vector<16xi32>
    %add3A_283 = arith.addi %iota3A, %add3A_282 : vector<16xi32>
    %gt3A_284 = arith.cmpf ogt, %get3A_280, %select_n3A_277 : vector<16xf32>
    %select_n3A_285 = arith.select %gt3A_284, %get3A_280, %select_n3A_277 : vector<16xi1>, vector<16xf32>
    %select_n3A_286 = arith.select %gt3A_284, %add3A_283, %select_n3A_278 : vector<16xi1>, vector<16xi32>
    %get3A_287 = arith.constant 80 : index
    %get3A_288 = tpu.vector_load %arg6[%get3A_287] {strides = array<i32>} : memref<128xf32, #tpu.memory_space<vmem>>, vector<16xf32>,
    %add3A_289 = arith.constant 80 : i32
    %add3A_290 = vector.broadcast %add3A_289 : i32 to vector<16xi32>
    %add3A_291 = arith.addi %iota3A, %add3A_290 : vector<16xi32>
    %gt3A_292 = arith.cmpf ogt, %get3A_288, %select_n3A_285 : vector<16xf32>
    %select_n3A_293 = arith.select %gt3A_292, %get3A_288, %select_n3A_285 : vector<16xi1>, vector<16xf32>
    %select_n3A_294 = arith.select %gt3A_292, %add3A_291, %select_n3A_286 : vector<16xi1>, vector<16xi32>
    %get3A_295 = arith.constant 96 : index
    %get3A_296 = tpu.vector_load %arg6[%get3A_295] {strides = array<i32>} : memref<128xf32, #tpu.memory_space<vmem>>, vector<16xf32>,
    %add3A_297 = arith.constant 96 : i32
    %add3A_298 = vector.broadcast %add3A_297 : i32 to vector<16xi32>
    %add3A_299 = arith.addi %iota3A, %add3A_298 : vector<16xi32>
    %gt3A_300 = arith.cmpf ogt, %get3A_296, %select_n3A_293 : vector<16xf32>
    %select_n3A_301 = arith.select %gt3A_300, %get3A_296, %select_n3A_293 : vector<16xi1>, vector<16xf32>
    %select_n3A_302 = arith.select %gt3A_300, %add3A_299, %select_n3A_294 : vector<16xi1>, vector<16xi32>
    %get3A_303 = arith.constant 112 : index
    %get3A_304 = tpu.vector_load %arg6[%get3A_303] {strides = array<i32>} : memref<128xf32, #tpu.memory_space<vmem>>, vector<16xf32>,
    %add3A_305 = arith.constant 112 : i32
    %add3A_306 = vector.broadcast %add3A_305 : i32 to vector<16xi32>
    %add3A_307 = arith.addi %iota3A, %add3A_306 : vector<16xi32>
    %gt3A_308 = arith.cmpf ogt, %get3A_304, %select_n3A_301 : vector<16xf32>
    %select_n3A_309 = arith.select %gt3A_308, %get3A_304, %select_n3A_301 : vector<16xi1>, vector<16xf32>
    %select_n3A_310 = arith.select %gt3A_308, %add3A_307, %select_n3A_302 : vector<16xi1>, vector<16xi32>
    %reduce_max3A_311 = arith.constant true
    %reduce_max3A_312 = vector.broadcast %reduce_max3A_311 : i1 to vector<16xi1>
    %reduce_max3A_313 = tpu.scan <max>, %select_n3A_309 masked %reduce_max3A_312 : vector<16xf32>, vector<16xi1> -> vector<16xf32>
    %reduce_max3A_314 = vector.extract %reduce_max3A_313[15] : f32 from vector<16xf32>
    %eq3A_315 = vector.broadcast %reduce_max3A_314 : f32 to vector<16xf32>
    %eq3A_316 = arith.cmpf oeq, %select_n3A_309, %eq3A_315 : vector<16xf32>
    %jit3A_317 = arith.constant 2048 : i32
    %broadcast_in_dim3A_318 = vector.broadcast %jit3A_317 : i32 to vector<16xi32>
    %select_n3A_319 = arith.select %eq3A_316, %select_n3A_310, %broadcast_in_dim3A_318 : vector<16xi1>, vector<16xi32>
    %reduce_min3A_320 = arith.constant true
    %reduce_min3A_321 = vector.broadcast %reduce_min3A_320 : i1 to vector<16xi1>
    %reduce_min3A_322 = arith.constant -2147483648 : i32
    %reduce_min3A_323 = vector.broadcast %reduce_min3A_322 : i32 to vector<16xi32>
    %reduce_min3A_324 = arith.xori %select_n3A_319, %reduce_min3A_323 : vector<16xi32>
    %reduce_min3A_325 = tpu.scan <min>, %reduce_min3A_324 masked %reduce_min3A_321 : vector<16xi32>, vector<16xi1> -> vector<16xi32>
    %reduce_min3A_326 = arith.xori %reduce_min3A_325, %reduce_min3A_323 : vector<16xi32>
    %reduce_min3A_327 = vector.extract %reduce_min3A_326[15] : i32 from vector<16xi32>
    %eq3A_328 = arith.constant 2 : i32
    %eq3A_329 = vector.broadcast %eq3A_328 : i32 to vector<16xi32>
    %eq3A_330 = arith.cmpi eq, %iota3A, %eq3A_329 : vector<16xi32>
    %mul3A_331 = arith.constant 128 : i32
    %mul3A_332 = arith.muli %select_n3A_30, %mul3A_331 : i32
    %add3A_333 = arith.addi %mul3A_332, %reduce_min3A_327 : i32
    %broadcast_in_dim3A_334 = vector.broadcast %add3A_333 : i32 to vector<16xi32>
    %select_n3A_335 = arith.select %eq3A_330, %broadcast_in_dim3A_334, %select_n3A_231 : vector<16xi1>, vector<16xi32>
    %eq3A_336 = arith.constant 2 : i32
    %eq3A_337 = vector.broadcast %eq3A_336 : i32 to vector<16xi32>
    %eq3A_338 = arith.cmpi eq, %iota3A, %eq3A_337 : vector<16xi32>
    %broadcast_in_dim3A_339 = vector.broadcast %reduce_max3A_314 : f32 to vector<16xf32>
    %select_n3A_340 = arith.select %eq3A_338, %broadcast_in_dim3A_339, %select_n3A_236 : vector<16xi1>, vector<16xf32>
    %broadcast_in_dim3A_341 = vector.broadcast %reduce_min3A_327 : i32 to vector<16xi32>
    %broadcast_in_dim3A_342 = arith.constant 0xFF800000 : f32
    %broadcast_in_dim3A_343 = vector.broadcast %broadcast_in_dim3A_342 : f32 to vector<16xf32>
    %eq3A_344 = arith.constant 0 : i32
    %eq3A_345 = vector.broadcast %eq3A_344 : i32 to vector<16xi32>
    %eq3A_346 = arith.cmpi eq, %iota3A, %eq3A_345 : vector<16xi32>
    tpu.vector_store_idx %arg6[%broadcast_in_dim3A_341], %broadcast_in_dim3A_343 masked %eq3A_346 : memref<128xf32, #tpu.memory_space<vmem>>[vector<16xi32>], vector<16xf32>, vector<16xi1>
    %broadcast_in_dim3A_347 = arith.constant 0xFF800000 : f32
    %broadcast_in_dim3A_348 = vector.broadcast %broadcast_in_dim3A_347 : f32 to vector<16xf32>
    %broadcast_in_dim3A_349 = arith.constant 0 : i32
    %broadcast_in_dim3A_350 = vector.broadcast %broadcast_in_dim3A_349 : i32 to vector<16xi32>
    %get3A_351 = arith.constant 0 : index
    %get3A_352 = tpu.vector_load %arg6[%get3A_351] {strides = array<i32>} : memref<128xf32, #tpu.memory_space<vmem>>, vector<16xf32>,
    %add3A_353 = arith.constant 0 : i32
    %add3A_354 = vector.broadcast %add3A_353 : i32 to vector<16xi32>
    %add3A_355 = arith.addi %iota3A, %add3A_354 : vector<16xi32>
    %gt3A_356 = arith.cmpf ogt, %get3A_352, %broadcast_in_dim3A_348 : vector<16xf32>
    %select_n3A_357 = arith.select %gt3A_356, %get3A_352, %broadcast_in_dim3A_348 : vector<16xi1>, vector<16xf32>
    %select_n3A_358 = arith.select %gt3A_356, %add3A_355, %broadcast_in_dim3A_350 : vector<16xi1>, vector<16xi32>
    %get3A_359 = arith.constant 16 : index
    %get3A_360 = tpu.vector_load %arg6[%get3A_359] {strides = array<i32>} : memref<128xf32, #tpu.memory_space<vmem>>, vector<16xf32>,
    %add3A_361 = arith.constant 16 : i32
    %add3A_362 = vector.broadcast %add3A_361 : i32 to vector<16xi32>
    %add3A_363 = arith.addi %iota3A, %add3A_362 : vector<16xi32>
    %gt3A_364 = arith.cmpf ogt, %get3A_360, %select_n3A_357 : vector<16xf32>
    %select_n3A_365 = arith.select %gt3A_364, %get3A_360, %select_n3A_357 : vector<16xi1>, vector<16xf32>
    %select_n3A_366 = arith.select %gt3A_364, %add3A_363, %select_n3A_358 : vector<16xi1>, vector<16xi32>
    %get3A_367 = arith.constant 32 : index
    %get3A_368 = tpu.vector_load %arg6[%get3A_367] {strides = array<i32>} : memref<128xf32, #tpu.memory_space<vmem>>, vector<16xf32>,
    %add3A_369 = arith.constant 32 : i32
    %add3A_370 = vector.broadcast %add3A_369 : i32 to vector<16xi32>
    %add3A_371 = arith.addi %iota3A, %add3A_370 : vector<16xi32>
    %gt3A_372 = arith.cmpf ogt, %get3A_368, %select_n3A_365 : vector<16xf32>
    %select_n3A_373 = arith.select %gt3A_372, %get3A_368, %select_n3A_365 : vector<16xi1>, vector<16xf32>
    %select_n3A_374 = arith.select %gt3A_372, %add3A_371, %select_n3A_366 : vector<16xi1>, vector<16xi32>
    %get3A_375 = arith.constant 48 : index
    %get3A_376 = tpu.vector_load %arg6[%get3A_375] {strides = array<i32>} : memref<128xf32, #tpu.memory_space<vmem>>, vector<16xf32>,
    %add3A_377 = arith.constant 48 : i32
    %add3A_378 = vector.broadcast %add3A_377 : i32 to vector<16xi32>
    %add3A_379 = arith.addi %iota3A, %add3A_378 : vector<16xi32>
    %gt3A_380 = arith.cmpf ogt, %get3A_376, %select_n3A_373 : vector<16xf32>
    %select_n3A_381 = arith.select %gt3A_380, %get3A_376, %select_n3A_373 : vector<16xi1>, vector<16xf32>
    %select_n3A_382 = arith.select %gt3A_380, %add3A_379, %select_n3A_374 : vector<16xi1>, vector<16xi32>
    %get3A_383 = arith.constant 64 : index
    %get3A_384 = tpu.vector_load %arg6[%get3A_383] {strides = array<i32>} : memref<128xf32, #tpu.memory_space<vmem>>, vector<16xf32>,
    %add3A_385 = arith.constant 64 : i32
    %add3A_386 = vector.broadcast %add3A_385 : i32 to vector<16xi32>
    %add3A_387 = arith.addi %iota3A, %add3A_386 : vector<16xi32>
    %gt3A_388 = arith.cmpf ogt, %get3A_384, %select_n3A_381 : vector<16xf32>
    %select_n3A_389 = arith.select %gt3A_388, %get3A_384, %select_n3A_381 : vector<16xi1>, vector<16xf32>
    %select_n3A_390 = arith.select %gt3A_388, %add3A_387, %select_n3A_382 : vector<16xi1>, vector<16xi32>
    %get3A_391 = arith.constant 80 : index
    %get3A_392 = tpu.vector_load %arg6[%get3A_391] {strides = array<i32>} : memref<128xf32, #tpu.memory_space<vmem>>, vector<16xf32>,
    %add3A_393 = arith.constant 80 : i32
    %add3A_394 = vector.broadcast %add3A_393 : i32 to vector<16xi32>
    %add3A_395 = arith.addi %iota3A, %add3A_394 : vector<16xi32>
    %gt3A_396 = arith.cmpf ogt, %get3A_392, %select_n3A_389 : vector<16xf32>
    %select_n3A_397 = arith.select %gt3A_396, %get3A_392, %select_n3A_389 : vector<16xi1>, vector<16xf32>
    %select_n3A_398 = arith.select %gt3A_396, %add3A_395, %select_n3A_390 : vector<16xi1>, vector<16xi32>
    %get3A_399 = arith.constant 96 : index
    %get3A_400 = tpu.vector_load %arg6[%get3A_399] {strides = array<i32>} : memref<128xf32, #tpu.memory_space<vmem>>, vector<16xf32>,
    %add3A_401 = arith.constant 96 : i32
    %add3A_402 = vector.broadcast %add3A_401 : i32 to vector<16xi32>
    %add3A_403 = arith.addi %iota3A, %add3A_402 : vector<16xi32>
    %gt3A_404 = arith.cmpf ogt, %get3A_400, %select_n3A_397 : vector<16xf32>
    %select_n3A_405 = arith.select %gt3A_404, %get3A_400, %select_n3A_397 : vector<16xi1>, vector<16xf32>
    %select_n3A_406 = arith.select %gt3A_404, %add3A_403, %select_n3A_398 : vector<16xi1>, vector<16xi32>
    %get3A_407 = arith.constant 112 : index
    %get3A_408 = tpu.vector_load %arg6[%get3A_407] {strides = array<i32>} : memref<128xf32, #tpu.memory_space<vmem>>, vector<16xf32>,
    %add3A_409 = arith.constant 112 : i32
    %add3A_410 = vector.broadcast %add3A_409 : i32 to vector<16xi32>
    %add3A_411 = arith.addi %iota3A, %add3A_410 : vector<16xi32>
    %gt3A_412 = arith.cmpf ogt, %get3A_408, %select_n3A_405 : vector<16xf32>
    %select_n3A_413 = arith.select %gt3A_412, %get3A_408, %select_n3A_405 : vector<16xi1>, vector<16xf32>
    %select_n3A_414 = arith.select %gt3A_412, %add3A_411, %select_n3A_406 : vector<16xi1>, vector<16xi32>
    %reduce_max3A_415 = arith.constant true
    %reduce_max3A_416 = vector.broadcast %reduce_max3A_415 : i1 to vector<16xi1>
    %reduce_max3A_417 = tpu.scan <max>, %select_n3A_413 masked %reduce_max3A_416 : vector<16xf32>, vector<16xi1> -> vector<16xf32>
    %reduce_max3A_418 = vector.extract %reduce_max3A_417[15] : f32 from vector<16xf32>
    %eq3A_419 = vector.broadcast %reduce_max3A_418 : f32 to vector<16xf32>
    %eq3A_420 = arith.cmpf oeq, %select_n3A_413, %eq3A_419 : vector<16xf32>
    %jit3A_421 = arith.constant 2048 : i32
    %broadcast_in_dim3A_422 = vector.broadcast %jit3A_421 : i32 to vector<16xi32>
    %select_n3A_423 = arith.select %eq3A_420, %select_n3A_414, %broadcast_in_dim3A_422 : vector<16xi1>, vector<16xi32>
    %reduce_min3A_424 = arith.constant true
    %reduce_min3A_425 = vector.broadcast %reduce_min3A_424 : i1 to vector<16xi1>
    %reduce_min3A_426 = arith.constant -2147483648 : i32
    %reduce_min3A_427 = vector.broadcast %reduce_min3A_426 : i32 to vector<16xi32>
    %reduce_min3A_428 = arith.xori %select_n3A_423, %reduce_min3A_427 : vector<16xi32>
    %reduce_min3A_429 = tpu.scan <min>, %reduce_min3A_428 masked %reduce_min3A_425 : vector<16xi32>, vector<16xi1> -> vector<16xi32>
    %reduce_min3A_430 = arith.xori %reduce_min3A_429, %reduce_min3A_427 : vector<16xi32>
    %reduce_min3A_431 = vector.extract %reduce_min3A_430[15] : i32 from vector<16xi32>
    %eq3A_432 = arith.constant 3 : i32
    %eq3A_433 = vector.broadcast %eq3A_432 : i32 to vector<16xi32>
    %eq3A_434 = arith.cmpi eq, %iota3A, %eq3A_433 : vector<16xi32>
    %mul3A_435 = arith.constant 128 : i32
    %mul3A_436 = arith.muli %select_n3A_30, %mul3A_435 : i32
    %add3A_437 = arith.addi %mul3A_436, %reduce_min3A_431 : i32
    %broadcast_in_dim3A_438 = vector.broadcast %add3A_437 : i32 to vector<16xi32>
    %select_n3A_439 = arith.select %eq3A_434, %broadcast_in_dim3A_438, %select_n3A_335 : vector<16xi1>, vector<16xi32>
    %eq3A_440 = arith.constant 3 : i32
    %eq3A_441 = vector.broadcast %eq3A_440 : i32 to vector<16xi32>
    %eq3A_442 = arith.cmpi eq, %iota3A, %eq3A_441 : vector<16xi32>
    %broadcast_in_dim3A_443 = vector.broadcast %reduce_max3A_418 : f32 to vector<16xf32>
    %select_n3A_444 = arith.select %eq3A_442, %broadcast_in_dim3A_443, %select_n3A_340 : vector<16xi1>, vector<16xf32>
    %broadcast_in_dim3A_445 = vector.broadcast %reduce_min3A_431 : i32 to vector<16xi32>
    %broadcast_in_dim3A_446 = arith.constant 0xFF800000 : f32
    %broadcast_in_dim3A_447 = vector.broadcast %broadcast_in_dim3A_446 : f32 to vector<16xf32>
    %eq3A_448 = arith.constant 0 : i32
    %eq3A_449 = vector.broadcast %eq3A_448 : i32 to vector<16xi32>
    %eq3A_450 = arith.cmpi eq, %iota3A, %eq3A_449 : vector<16xi32>
    tpu.vector_store_idx %arg6[%broadcast_in_dim3A_445], %broadcast_in_dim3A_447 masked %eq3A_450 : memref<128xf32, #tpu.memory_space<vmem>>[vector<16xi32>], vector<16xf32>, vector<16xi1>
    %broadcast_in_dim3A_451 = arith.constant 0xFF800000 : f32
    %broadcast_in_dim3A_452 = vector.broadcast %broadcast_in_dim3A_451 : f32 to vector<16xf32>
    %broadcast_in_dim3A_453 = arith.constant 0 : i32
    %broadcast_in_dim3A_454 = vector.broadcast %broadcast_in_dim3A_453 : i32 to vector<16xi32>
    %get3A_455 = arith.constant 0 : index
    %get3A_456 = tpu.vector_load %arg6[%get3A_455] {strides = array<i32>} : memref<128xf32, #tpu.memory_space<vmem>>, vector<16xf32>,
    %add3A_457 = arith.constant 0 : i32
    %add3A_458 = vector.broadcast %add3A_457 : i32 to vector<16xi32>
    %add3A_459 = arith.addi %iota3A, %add3A_458 : vector<16xi32>
    %gt3A_460 = arith.cmpf ogt, %get3A_456, %broadcast_in_dim3A_452 : vector<16xf32>
    %select_n3A_461 = arith.select %gt3A_460, %get3A_456, %broadcast_in_dim3A_452 : vector<16xi1>, vector<16xf32>
    %select_n3A_462 = arith.select %gt3A_460, %add3A_459, %broadcast_in_dim3A_454 : vector<16xi1>, vector<16xi32>
    %get3A_463 = arith.constant 16 : index
    %get3A_464 = tpu.vector_load %arg6[%get3A_463] {strides = array<i32>} : memref<128xf32, #tpu.memory_space<vmem>>, vector<16xf32>,
    %add3A_465 = arith.constant 16 : i32
    %add3A_466 = vector.broadcast %add3A_465 : i32 to vector<16xi32>
    %add3A_467 = arith.addi %iota3A, %add3A_466 : vector<16xi32>
    %gt3A_468 = arith.cmpf ogt, %get3A_464, %select_n3A_461 : vector<16xf32>
    %select_n3A_469 = arith.select %gt3A_468, %get3A_464, %select_n3A_461 : vector<16xi1>, vector<16xf32>
    %select_n3A_470 = arith.select %gt3A_468, %add3A_467, %select_n3A_462 : vector<16xi1>, vector<16xi32>
    %get3A_471 = arith.constant 32 : index
    %get3A_472 = tpu.vector_load %arg6[%get3A_471] {strides = array<i32>} : memref<128xf32, #tpu.memory_space<vmem>>, vector<16xf32>,
    %add3A_473 = arith.constant 32 : i32
    %add3A_474 = vector.broadcast %add3A_473 : i32 to vector<16xi32>
    %add3A_475 = arith.addi %iota3A, %add3A_474 : vector<16xi32>
    %gt3A_476 = arith.cmpf ogt, %get3A_472, %select_n3A_469 : vector<16xf32>
    %select_n3A_477 = arith.select %gt3A_476, %get3A_472, %select_n3A_469 : vector<16xi1>, vector<16xf32>
    %select_n3A_478 = arith.select %gt3A_476, %add3A_475, %select_n3A_470 : vector<16xi1>, vector<16xi32>
    %get3A_479 = arith.constant 48 : index
    %get3A_480 = tpu.vector_load %arg6[%get3A_479] {strides = array<i32>} : memref<128xf32, #tpu.memory_space<vmem>>, vector<16xf32>,
    %add3A_481 = arith.constant 48 : i32
    %add3A_482 = vector.broadcast %add3A_481 : i32 to vector<16xi32>
    %add3A_483 = arith.addi %iota3A, %add3A_482 : vector<16xi32>
    %gt3A_484 = arith.cmpf ogt, %get3A_480, %select_n3A_477 : vector<16xf32>
    %select_n3A_485 = arith.select %gt3A_484, %get3A_480, %select_n3A_477 : vector<16xi1>, vector<16xf32>
    %select_n3A_486 = arith.select %gt3A_484, %add3A_483, %select_n3A_478 : vector<16xi1>, vector<16xi32>
    %get3A_487 = arith.constant 64 : index
    %get3A_488 = tpu.vector_load %arg6[%get3A_487] {strides = array<i32>} : memref<128xf32, #tpu.memory_space<vmem>>, vector<16xf32>,
    %add3A_489 = arith.constant 64 : i32
    %add3A_490 = vector.broadcast %add3A_489 : i32 to vector<16xi32>
    %add3A_491 = arith.addi %iota3A, %add3A_490 : vector<16xi32>
    %gt3A_492 = arith.cmpf ogt, %get3A_488, %select_n3A_485 : vector<16xf32>
    %select_n3A_493 = arith.select %gt3A_492, %get3A_488, %select_n3A_485 : vector<16xi1>, vector<16xf32>
    %select_n3A_494 = arith.select %gt3A_492, %add3A_491, %select_n3A_486 : vector<16xi1>, vector<16xi32>
    %get3A_495 = arith.constant 80 : index
    %get3A_496 = tpu.vector_load %arg6[%get3A_495] {strides = array<i32>} : memref<128xf32, #tpu.memory_space<vmem>>, vector<16xf32>,
    %add3A_497 = arith.constant 80 : i32
    %add3A_498 = vector.broadcast %add3A_497 : i32 to vector<16xi32>
    %add3A_499 = arith.addi %iota3A, %add3A_498 : vector<16xi32>
    %gt3A_500 = arith.cmpf ogt, %get3A_496, %select_n3A_493 : vector<16xf32>
    %select_n3A_501 = arith.select %gt3A_500, %get3A_496, %select_n3A_493 : vector<16xi1>, vector<16xf32>
    %select_n3A_502 = arith.select %gt3A_500, %add3A_499, %select_n3A_494 : vector<16xi1>, vector<16xi32>
    %get3A_503 = arith.constant 96 : index
    %get3A_504 = tpu.vector_load %arg6[%get3A_503] {strides = array<i32>} : memref<128xf32, #tpu.memory_space<vmem>>, vector<16xf32>,
    %add3A_505 = arith.constant 96 : i32
    %add3A_506 = vector.broadcast %add3A_505 : i32 to vector<16xi32>
    %add3A_507 = arith.addi %iota3A, %add3A_506 : vector<16xi32>
    %gt3A_508 = arith.cmpf ogt, %get3A_504, %select_n3A_501 : vector<16xf32>
    %select_n3A_509 = arith.select %gt3A_508, %get3A_504, %select_n3A_501 : vector<16xi1>, vector<16xf32>
    %select_n3A_510 = arith.select %gt3A_508, %add3A_507, %select_n3A_502 : vector<16xi1>, vector<16xi32>
    %get3A_511 = arith.constant 112 : index
    %get3A_512 = tpu.vector_load %arg6[%get3A_511] {strides = array<i32>} : memref<128xf32, #tpu.memory_space<vmem>>, vector<16xf32>,
    %add3A_513 = arith.constant 112 : i32
    %add3A_514 = vector.broadcast %add3A_513 : i32 to vector<16xi32>
    %add3A_515 = arith.addi %iota3A, %add3A_514 : vector<16xi32>
    %gt3A_516 = arith.cmpf ogt, %get3A_512, %select_n3A_509 : vector<16xf32>
    %select_n3A_517 = arith.select %gt3A_516, %get3A_512, %select_n3A_509 : vector<16xi1>, vector<16xf32>
    %select_n3A_518 = arith.select %gt3A_516, %add3A_515, %select_n3A_510 : vector<16xi1>, vector<16xi32>
    %reduce_max3A_519 = arith.constant true
    %reduce_max3A_520 = vector.broadcast %reduce_max3A_519 : i1 to vector<16xi1>
    %reduce_max3A_521 = tpu.scan <max>, %select_n3A_517 masked %reduce_max3A_520 : vector<16xf32>, vector<16xi1> -> vector<16xf32>
    %reduce_max3A_522 = vector.extract %reduce_max3A_521[15] : f32 from vector<16xf32>
    %eq3A_523 = vector.broadcast %reduce_max3A_522 : f32 to vector<16xf32>
    %eq3A_524 = arith.cmpf oeq, %select_n3A_517, %eq3A_523 : vector<16xf32>
    %jit3A_525 = arith.constant 2048 : i32
    %broadcast_in_dim3A_526 = vector.broadcast %jit3A_525 : i32 to vector<16xi32>
    %select_n3A_527 = arith.select %eq3A_524, %select_n3A_518, %broadcast_in_dim3A_526 : vector<16xi1>, vector<16xi32>
    %reduce_min3A_528 = arith.constant true
    %reduce_min3A_529 = vector.broadcast %reduce_min3A_528 : i1 to vector<16xi1>
    %reduce_min3A_530 = arith.constant -2147483648 : i32
    %reduce_min3A_531 = vector.broadcast %reduce_min3A_530 : i32 to vector<16xi32>
    %reduce_min3A_532 = arith.xori %select_n3A_527, %reduce_min3A_531 : vector<16xi32>
    %reduce_min3A_533 = tpu.scan <min>, %reduce_min3A_532 masked %reduce_min3A_529 : vector<16xi32>, vector<16xi1> -> vector<16xi32>
    %reduce_min3A_534 = arith.xori %reduce_min3A_533, %reduce_min3A_531 : vector<16xi32>
    %reduce_min3A_535 = vector.extract %reduce_min3A_534[15] : i32 from vector<16xi32>
    %eq3A_536 = arith.constant 4 : i32
    %eq3A_537 = vector.broadcast %eq3A_536 : i32 to vector<16xi32>
    %eq3A_538 = arith.cmpi eq, %iota3A, %eq3A_537 : vector<16xi32>
    %mul3A_539 = arith.constant 128 : i32
    %mul3A_540 = arith.muli %select_n3A_30, %mul3A_539 : i32
    %add3A_541 = arith.addi %mul3A_540, %reduce_min3A_535 : i32
    %broadcast_in_dim3A_542 = vector.broadcast %add3A_541 : i32 to vector<16xi32>
    %select_n3A_543 = arith.select %eq3A_538, %broadcast_in_dim3A_542, %select_n3A_439 : vector<16xi1>, vector<16xi32>
    %eq3A_544 = arith.constant 4 : i32
    %eq3A_545 = vector.broadcast %eq3A_544 : i32 to vector<16xi32>
    %eq3A_546 = arith.cmpi eq, %iota3A, %eq3A_545 : vector<16xi32>
    %broadcast_in_dim3A_547 = vector.broadcast %reduce_max3A_522 : f32 to vector<16xf32>
    %select_n3A_548 = arith.select %eq3A_546, %broadcast_in_dim3A_547, %select_n3A_444 : vector<16xi1>, vector<16xf32>
    %broadcast_in_dim3A_549 = vector.broadcast %reduce_min3A_535 : i32 to vector<16xi32>
    %broadcast_in_dim3A_550 = arith.constant 0xFF800000 : f32
    %broadcast_in_dim3A_551 = vector.broadcast %broadcast_in_dim3A_550 : f32 to vector<16xf32>
    %eq3A_552 = arith.constant 0 : i32
    %eq3A_553 = vector.broadcast %eq3A_552 : i32 to vector<16xi32>
    %eq3A_554 = arith.cmpi eq, %iota3A, %eq3A_553 : vector<16xi32>
    tpu.vector_store_idx %arg6[%broadcast_in_dim3A_549], %broadcast_in_dim3A_551 masked %eq3A_554 : memref<128xf32, #tpu.memory_space<vmem>>[vector<16xi32>], vector<16xf32>, vector<16xi1>
    %broadcast_in_dim3A_555 = arith.constant 0xFF800000 : f32
    %broadcast_in_dim3A_556 = vector.broadcast %broadcast_in_dim3A_555 : f32 to vector<16xf32>
    %broadcast_in_dim3A_557 = arith.constant 0 : i32
    %broadcast_in_dim3A_558 = vector.broadcast %broadcast_in_dim3A_557 : i32 to vector<16xi32>
    %get3A_559 = arith.constant 0 : index
    %get3A_560 = tpu.vector_load %arg6[%get3A_559] {strides = array<i32>} : memref<128xf32, #tpu.memory_space<vmem>>, vector<16xf32>,
    %add3A_561 = arith.constant 0 : i32
    %add3A_562 = vector.broadcast %add3A_561 : i32 to vector<16xi32>
    %add3A_563 = arith.addi %iota3A, %add3A_562 : vector<16xi32>
    %gt3A_564 = arith.cmpf ogt, %get3A_560, %broadcast_in_dim3A_556 : vector<16xf32>
    %select_n3A_565 = arith.select %gt3A_564, %get3A_560, %broadcast_in_dim3A_556 : vector<16xi1>, vector<16xf32>
    %select_n3A_566 = arith.select %gt3A_564, %add3A_563, %broadcast_in_dim3A_558 : vector<16xi1>, vector<16xi32>
    %get3A_567 = arith.constant 16 : index
    %get3A_568 = tpu.vector_load %arg6[%get3A_567] {strides = array<i32>} : memref<128xf32, #tpu.memory_space<vmem>>, vector<16xf32>,
    %add3A_569 = arith.constant 16 : i32
    %add3A_570 = vector.broadcast %add3A_569 : i32 to vector<16xi32>
    %add3A_571 = arith.addi %iota3A, %add3A_570 : vector<16xi32>
    %gt3A_572 = arith.cmpf ogt, %get3A_568, %select_n3A_565 : vector<16xf32>
    %select_n3A_573 = arith.select %gt3A_572, %get3A_568, %select_n3A_565 : vector<16xi1>, vector<16xf32>
    %select_n3A_574 = arith.select %gt3A_572, %add3A_571, %select_n3A_566 : vector<16xi1>, vector<16xi32>
    %get3A_575 = arith.constant 32 : index
    %get3A_576 = tpu.vector_load %arg6[%get3A_575] {strides = array<i32>} : memref<128xf32, #tpu.memory_space<vmem>>, vector<16xf32>,
    %add3A_577 = arith.constant 32 : i32
    %add3A_578 = vector.broadcast %add3A_577 : i32 to vector<16xi32>
    %add3A_579 = arith.addi %iota3A, %add3A_578 : vector<16xi32>
    %gt3A_580 = arith.cmpf ogt, %get3A_576, %select_n3A_573 : vector<16xf32>
    %select_n3A_581 = arith.select %gt3A_580, %get3A_576, %select_n3A_573 : vector<16xi1>, vector<16xf32>
    %select_n3A_582 = arith.select %gt3A_580, %add3A_579, %select_n3A_574 : vector<16xi1>, vector<16xi32>
    %get3A_583 = arith.constant 48 : index
    %get3A_584 = tpu.vector_load %arg6[%get3A_583] {strides = array<i32>} : memref<128xf32, #tpu.memory_space<vmem>>, vector<16xf32>,
    %add3A_585 = arith.constant 48 : i32
    %add3A_586 = vector.broadcast %add3A_585 : i32 to vector<16xi32>
    %add3A_587 = arith.addi %iota3A, %add3A_586 : vector<16xi32>
    %gt3A_588 = arith.cmpf ogt, %get3A_584, %select_n3A_581 : vector<16xf32>
    %select_n3A_589 = arith.select %gt3A_588, %get3A_584, %select_n3A_581 : vector<16xi1>, vector<16xf32>
    %select_n3A_590 = arith.select %gt3A_588, %add3A_587, %select_n3A_582 : vector<16xi1>, vector<16xi32>
    %get3A_591 = arith.constant 64 : index
    %get3A_592 = tpu.vector_load %arg6[%get3A_591] {strides = array<i32>} : memref<128xf32, #tpu.memory_space<vmem>>, vector<16xf32>,
    %add3A_593 = arith.constant 64 : i32
    %add3A_594 = vector.broadcast %add3A_593 : i32 to vector<16xi32>
    %add3A_595 = arith.addi %iota3A, %add3A_594 : vector<16xi32>
    %gt3A_596 = arith.cmpf ogt, %get3A_592, %select_n3A_589 : vector<16xf32>
    %select_n3A_597 = arith.select %gt3A_596, %get3A_592, %select_n3A_589 : vector<16xi1>, vector<16xf32>
    %select_n3A_598 = arith.select %gt3A_596, %add3A_595, %select_n3A_590 : vector<16xi1>, vector<16xi32>
    %get3A_599 = arith.constant 80 : index
    %get3A_600 = tpu.vector_load %arg6[%get3A_599] {strides = array<i32>} : memref<128xf32, #tpu.memory_space<vmem>>, vector<16xf32>,
    %add3A_601 = arith.constant 80 : i32
    %add3A_602 = vector.broadcast %add3A_601 : i32 to vector<16xi32>
    %add3A_603 = arith.addi %iota3A, %add3A_602 : vector<16xi32>
    %gt3A_604 = arith.cmpf ogt, %get3A_600, %select_n3A_597 : vector<16xf32>
    %select_n3A_605 = arith.select %gt3A_604, %get3A_600, %select_n3A_597 : vector<16xi1>, vector<16xf32>
    %select_n3A_606 = arith.select %gt3A_604, %add3A_603, %select_n3A_598 : vector<16xi1>, vector<16xi32>
    %get3A_607 = arith.constant 96 : index
    %get3A_608 = tpu.vector_load %arg6[%get3A_607] {strides = array<i32>} : memref<128xf32, #tpu.memory_space<vmem>>, vector<16xf32>,
    %add3A_609 = arith.constant 96 : i32
    %add3A_610 = vector.broadcast %add3A_609 : i32 to vector<16xi32>
    %add3A_611 = arith.addi %iota3A, %add3A_610 : vector<16xi32>
    %gt3A_612 = arith.cmpf ogt, %get3A_608, %select_n3A_605 : vector<16xf32>
    %select_n3A_613 = arith.select %gt3A_612, %get3A_608, %select_n3A_605 : vector<16xi1>, vector<16xf32>
    %select_n3A_614 = arith.select %gt3A_612, %add3A_611, %select_n3A_606 : vector<16xi1>, vector<16xi32>
    %get3A_615 = arith.constant 112 : index
    %get3A_616 = tpu.vector_load %arg6[%get3A_615] {strides = array<i32>} : memref<128xf32, #tpu.memory_space<vmem>>, vector<16xf32>,
    %add3A_617 = arith.constant 112 : i32
    %add3A_618 = vector.broadcast %add3A_617 : i32 to vector<16xi32>
    %add3A_619 = arith.addi %iota3A, %add3A_618 : vector<16xi32>
    %gt3A_620 = arith.cmpf ogt, %get3A_616, %select_n3A_613 : vector<16xf32>
    %select_n3A_621 = arith.select %gt3A_620, %get3A_616, %select_n3A_613 : vector<16xi1>, vector<16xf32>
    %select_n3A_622 = arith.select %gt3A_620, %add3A_619, %select_n3A_614 : vector<16xi1>, vector<16xi32>
    %reduce_max3A_623 = arith.constant true
    %reduce_max3A_624 = vector.broadcast %reduce_max3A_623 : i1 to vector<16xi1>
    %reduce_max3A_625 = tpu.scan <max>, %select_n3A_621 masked %reduce_max3A_624 : vector<16xf32>, vector<16xi1> -> vector<16xf32>
    %reduce_max3A_626 = vector.extract %reduce_max3A_625[15] : f32 from vector<16xf32>
    %eq3A_627 = vector.broadcast %reduce_max3A_626 : f32 to vector<16xf32>
    %eq3A_628 = arith.cmpf oeq, %select_n3A_621, %eq3A_627 : vector<16xf32>
    %jit3A_629 = arith.constant 2048 : i32
    %broadcast_in_dim3A_630 = vector.broadcast %jit3A_629 : i32 to vector<16xi32>
    %select_n3A_631 = arith.select %eq3A_628, %select_n3A_622, %broadcast_in_dim3A_630 : vector<16xi1>, vector<16xi32>
    %reduce_min3A_632 = arith.constant true
    %reduce_min3A_633 = vector.broadcast %reduce_min3A_632 : i1 to vector<16xi1>
    %reduce_min3A_634 = arith.constant -2147483648 : i32
    %reduce_min3A_635 = vector.broadcast %reduce_min3A_634 : i32 to vector<16xi32>
    %reduce_min3A_636 = arith.xori %select_n3A_631, %reduce_min3A_635 : vector<16xi32>
    %reduce_min3A_637 = tpu.scan <min>, %reduce_min3A_636 masked %reduce_min3A_633 : vector<16xi32>, vector<16xi1> -> vector<16xi32>
    %reduce_min3A_638 = arith.xori %reduce_min3A_637, %reduce_min3A_635 : vector<16xi32>
    %reduce_min3A_639 = vector.extract %reduce_min3A_638[15] : i32 from vector<16xi32>
    %eq3A_640 = arith.constant 5 : i32
    %eq3A_641 = vector.broadcast %eq3A_640 : i32 to vector<16xi32>
    %eq3A_642 = arith.cmpi eq, %iota3A, %eq3A_641 : vector<16xi32>
    %mul3A_643 = arith.constant 128 : i32
    %mul3A_644 = arith.muli %select_n3A_30, %mul3A_643 : i32
    %add3A_645 = arith.addi %mul3A_644, %reduce_min3A_639 : i32
    %broadcast_in_dim3A_646 = vector.broadcast %add3A_645 : i32 to vector<16xi32>
    %select_n3A_647 = arith.select %eq3A_642, %broadcast_in_dim3A_646, %select_n3A_543 : vector<16xi1>, vector<16xi32>
    %eq3A_648 = arith.constant 5 : i32
    %eq3A_649 = vector.broadcast %eq3A_648 : i32 to vector<16xi32>
    %eq3A_650 = arith.cmpi eq, %iota3A, %eq3A_649 : vector<16xi32>
    %broadcast_in_dim3A_651 = vector.broadcast %reduce_max3A_626 : f32 to vector<16xf32>
    %select_n3A_652 = arith.select %eq3A_650, %broadcast_in_dim3A_651, %select_n3A_548 : vector<16xi1>, vector<16xf32>
    %broadcast_in_dim3A_653 = vector.broadcast %reduce_min3A_639 : i32 to vector<16xi32>
    %broadcast_in_dim3A_654 = arith.constant 0xFF800000 : f32
    %broadcast_in_dim3A_655 = vector.broadcast %broadcast_in_dim3A_654 : f32 to vector<16xf32>
    %eq3A_656 = arith.constant 0 : i32
    %eq3A_657 = vector.broadcast %eq3A_656 : i32 to vector<16xi32>
    %eq3A_658 = arith.cmpi eq, %iota3A, %eq3A_657 : vector<16xi32>
    tpu.vector_store_idx %arg6[%broadcast_in_dim3A_653], %broadcast_in_dim3A_655 masked %eq3A_658 : memref<128xf32, #tpu.memory_space<vmem>>[vector<16xi32>], vector<16xf32>, vector<16xi1>
    %broadcast_in_dim3A_659 = arith.constant 0xFF800000 : f32
    %broadcast_in_dim3A_660 = vector.broadcast %broadcast_in_dim3A_659 : f32 to vector<16xf32>
    %broadcast_in_dim3A_661 = arith.constant 0 : i32
    %broadcast_in_dim3A_662 = vector.broadcast %broadcast_in_dim3A_661 : i32 to vector<16xi32>
    %get3A_663 = arith.constant 0 : index
    %get3A_664 = tpu.vector_load %arg6[%get3A_663] {strides = array<i32>} : memref<128xf32, #tpu.memory_space<vmem>>, vector<16xf32>,
    %add3A_665 = arith.constant 0 : i32
    %add3A_666 = vector.broadcast %add3A_665 : i32 to vector<16xi32>
    %add3A_667 = arith.addi %iota3A, %add3A_666 : vector<16xi32>
    %gt3A_668 = arith.cmpf ogt, %get3A_664, %broadcast_in_dim3A_660 : vector<16xf32>
    %select_n3A_669 = arith.select %gt3A_668, %get3A_664, %broadcast_in_dim3A_660 : vector<16xi1>, vector<16xf32>
    %select_n3A_670 = arith.select %gt3A_668, %add3A_667, %broadcast_in_dim3A_662 : vector<16xi1>, vector<16xi32>
    %get3A_671 = arith.constant 16 : index
    %get3A_672 = tpu.vector_load %arg6[%get3A_671] {strides = array<i32>} : memref<128xf32, #tpu.memory_space<vmem>>, vector<16xf32>,
    %add3A_673 = arith.constant 16 : i32
    %add3A_674 = vector.broadcast %add3A_673 : i32 to vector<16xi32>
    %add3A_675 = arith.addi %iota3A, %add3A_674 : vector<16xi32>
    %gt3A_676 = arith.cmpf ogt, %get3A_672, %select_n3A_669 : vector<16xf32>
    %select_n3A_677 = arith.select %gt3A_676, %get3A_672, %select_n3A_669 : vector<16xi1>, vector<16xf32>
    %select_n3A_678 = arith.select %gt3A_676, %add3A_675, %select_n3A_670 : vector<16xi1>, vector<16xi32>
    %get3A_679 = arith.constant 32 : index
    %get3A_680 = tpu.vector_load %arg6[%get3A_679] {strides = array<i32>} : memref<128xf32, #tpu.memory_space<vmem>>, vector<16xf32>,
    %add3A_681 = arith.constant 32 : i32
    %add3A_682 = vector.broadcast %add3A_681 : i32 to vector<16xi32>
    %add3A_683 = arith.addi %iota3A, %add3A_682 : vector<16xi32>
    %gt3A_684 = arith.cmpf ogt, %get3A_680, %select_n3A_677 : vector<16xf32>
    %select_n3A_685 = arith.select %gt3A_684, %get3A_680, %select_n3A_677 : vector<16xi1>, vector<16xf32>
    %select_n3A_686 = arith.select %gt3A_684, %add3A_683, %select_n3A_678 : vector<16xi1>, vector<16xi32>
    %get3A_687 = arith.constant 48 : index
    %get3A_688 = tpu.vector_load %arg6[%get3A_687] {strides = array<i32>} : memref<128xf32, #tpu.memory_space<vmem>>, vector<16xf32>,
    %add3A_689 = arith.constant 48 : i32
    %add3A_690 = vector.broadcast %add3A_689 : i32 to vector<16xi32>
    %add3A_691 = arith.addi %iota3A, %add3A_690 : vector<16xi32>
    %gt3A_692 = arith.cmpf ogt, %get3A_688, %select_n3A_685 : vector<16xf32>
    %select_n3A_693 = arith.select %gt3A_692, %get3A_688, %select_n3A_685 : vector<16xi1>, vector<16xf32>
    %select_n3A_694 = arith.select %gt3A_692, %add3A_691, %select_n3A_686 : vector<16xi1>, vector<16xi32>
    %get3A_695 = arith.constant 64 : index
    %get3A_696 = tpu.vector_load %arg6[%get3A_695] {strides = array<i32>} : memref<128xf32, #tpu.memory_space<vmem>>, vector<16xf32>,
    %add3A_697 = arith.constant 64 : i32
    %add3A_698 = vector.broadcast %add3A_697 : i32 to vector<16xi32>
    %add3A_699 = arith.addi %iota3A, %add3A_698 : vector<16xi32>
    %gt3A_700 = arith.cmpf ogt, %get3A_696, %select_n3A_693 : vector<16xf32>
    %select_n3A_701 = arith.select %gt3A_700, %get3A_696, %select_n3A_693 : vector<16xi1>, vector<16xf32>
    %select_n3A_702 = arith.select %gt3A_700, %add3A_699, %select_n3A_694 : vector<16xi1>, vector<16xi32>
    %get3A_703 = arith.constant 80 : index
    %get3A_704 = tpu.vector_load %arg6[%get3A_703] {strides = array<i32>} : memref<128xf32, #tpu.memory_space<vmem>>, vector<16xf32>,
    %add3A_705 = arith.constant 80 : i32
    %add3A_706 = vector.broadcast %add3A_705 : i32 to vector<16xi32>
    %add3A_707 = arith.addi %iota3A, %add3A_706 : vector<16xi32>
    %gt3A_708 = arith.cmpf ogt, %get3A_704, %select_n3A_701 : vector<16xf32>
    %select_n3A_709 = arith.select %gt3A_708, %get3A_704, %select_n3A_701 : vector<16xi1>, vector<16xf32>
    %select_n3A_710 = arith.select %gt3A_708, %add3A_707, %select_n3A_702 : vector<16xi1>, vector<16xi32>
    %get3A_711 = arith.constant 96 : index
    %get3A_712 = tpu.vector_load %arg6[%get3A_711] {strides = array<i32>} : memref<128xf32, #tpu.memory_space<vmem>>, vector<16xf32>,
    %add3A_713 = arith.constant 96 : i32
    %add3A_714 = vector.broadcast %add3A_713 : i32 to vector<16xi32>
    %add3A_715 = arith.addi %iota3A, %add3A_714 : vector<16xi32>
    %gt3A_716 = arith.cmpf ogt, %get3A_712, %select_n3A_709 : vector<16xf32>
    %select_n3A_717 = arith.select %gt3A_716, %get3A_712, %select_n3A_709 : vector<16xi1>, vector<16xf32>
    %select_n3A_718 = arith.select %gt3A_716, %add3A_715, %select_n3A_710 : vector<16xi1>, vector<16xi32>
    %get3A_719 = arith.constant 112 : index
    %get3A_720 = tpu.vector_load %arg6[%get3A_719] {strides = array<i32>} : memref<128xf32, #tpu.memory_space<vmem>>, vector<16xf32>,
    %add3A_721 = arith.constant 112 : i32
    %add3A_722 = vector.broadcast %add3A_721 : i32 to vector<16xi32>
    %add3A_723 = arith.addi %iota3A, %add3A_722 : vector<16xi32>
    %gt3A_724 = arith.cmpf ogt, %get3A_720, %select_n3A_717 : vector<16xf32>
    %select_n3A_725 = arith.select %gt3A_724, %get3A_720, %select_n3A_717 : vector<16xi1>, vector<16xf32>
    %select_n3A_726 = arith.select %gt3A_724, %add3A_723, %select_n3A_718 : vector<16xi1>, vector<16xi32>
    %reduce_max3A_727 = arith.constant true
    %reduce_max3A_728 = vector.broadcast %reduce_max3A_727 : i1 to vector<16xi1>
    %reduce_max3A_729 = tpu.scan <max>, %select_n3A_725 masked %reduce_max3A_728 : vector<16xf32>, vector<16xi1> -> vector<16xf32>
    %reduce_max3A_730 = vector.extract %reduce_max3A_729[15] : f32 from vector<16xf32>
    %eq3A_731 = vector.broadcast %reduce_max3A_730 : f32 to vector<16xf32>
    %eq3A_732 = arith.cmpf oeq, %select_n3A_725, %eq3A_731 : vector<16xf32>
    %jit3A_733 = arith.constant 2048 : i32
    %broadcast_in_dim3A_734 = vector.broadcast %jit3A_733 : i32 to vector<16xi32>
    %select_n3A_735 = arith.select %eq3A_732, %select_n3A_726, %broadcast_in_dim3A_734 : vector<16xi1>, vector<16xi32>
    %reduce_min3A_736 = arith.constant true
    %reduce_min3A_737 = vector.broadcast %reduce_min3A_736 : i1 to vector<16xi1>
    %reduce_min3A_738 = arith.constant -2147483648 : i32
    %reduce_min3A_739 = vector.broadcast %reduce_min3A_738 : i32 to vector<16xi32>
    %reduce_min3A_740 = arith.xori %select_n3A_735, %reduce_min3A_739 : vector<16xi32>
    %reduce_min3A_741 = tpu.scan <min>, %reduce_min3A_740 masked %reduce_min3A_737 : vector<16xi32>, vector<16xi1> -> vector<16xi32>
    %reduce_min3A_742 = arith.xori %reduce_min3A_741, %reduce_min3A_739 : vector<16xi32>
    %reduce_min3A_743 = vector.extract %reduce_min3A_742[15] : i32 from vector<16xi32>
    %eq3A_744 = arith.constant 6 : i32
    %eq3A_745 = vector.broadcast %eq3A_744 : i32 to vector<16xi32>
    %eq3A_746 = arith.cmpi eq, %iota3A, %eq3A_745 : vector<16xi32>
    %mul3A_747 = arith.constant 128 : i32
    %mul3A_748 = arith.muli %select_n3A_30, %mul3A_747 : i32
    %add3A_749 = arith.addi %mul3A_748, %reduce_min3A_743 : i32
    %broadcast_in_dim3A_750 = vector.broadcast %add3A_749 : i32 to vector<16xi32>
    %select_n3A_751 = arith.select %eq3A_746, %broadcast_in_dim3A_750, %select_n3A_647 : vector<16xi1>, vector<16xi32>
    %eq3A_752 = arith.constant 6 : i32
    %eq3A_753 = vector.broadcast %eq3A_752 : i32 to vector<16xi32>
    %eq3A_754 = arith.cmpi eq, %iota3A, %eq3A_753 : vector<16xi32>
    %broadcast_in_dim3A_755 = vector.broadcast %reduce_max3A_730 : f32 to vector<16xf32>
    %select_n3A_756 = arith.select %eq3A_754, %broadcast_in_dim3A_755, %select_n3A_652 : vector<16xi1>, vector<16xf32>
    %broadcast_in_dim3A_757 = vector.broadcast %reduce_min3A_743 : i32 to vector<16xi32>
    %broadcast_in_dim3A_758 = arith.constant 0xFF800000 : f32
    %broadcast_in_dim3A_759 = vector.broadcast %broadcast_in_dim3A_758 : f32 to vector<16xf32>
    %eq3A_760 = arith.constant 0 : i32
    %eq3A_761 = vector.broadcast %eq3A_760 : i32 to vector<16xi32>
    %eq3A_762 = arith.cmpi eq, %iota3A, %eq3A_761 : vector<16xi32>
    tpu.vector_store_idx %arg6[%broadcast_in_dim3A_757], %broadcast_in_dim3A_759 masked %eq3A_762 : memref<128xf32, #tpu.memory_space<vmem>>[vector<16xi32>], vector<16xf32>, vector<16xi1>
    %broadcast_in_dim3A_763 = arith.constant 0xFF800000 : f32
    %broadcast_in_dim3A_764 = vector.broadcast %broadcast_in_dim3A_763 : f32 to vector<16xf32>
    %broadcast_in_dim3A_765 = arith.constant 0 : i32
    %broadcast_in_dim3A_766 = vector.broadcast %broadcast_in_dim3A_765 : i32 to vector<16xi32>
    %get3A_767 = arith.constant 0 : index
    %get3A_768 = tpu.vector_load %arg6[%get3A_767] {strides = array<i32>} : memref<128xf32, #tpu.memory_space<vmem>>, vector<16xf32>,
    %add3A_769 = arith.constant 0 : i32
    %add3A_770 = vector.broadcast %add3A_769 : i32 to vector<16xi32>
    %add3A_771 = arith.addi %iota3A, %add3A_770 : vector<16xi32>
    %gt3A_772 = arith.cmpf ogt, %get3A_768, %broadcast_in_dim3A_764 : vector<16xf32>
    %select_n3A_773 = arith.select %gt3A_772, %get3A_768, %broadcast_in_dim3A_764 : vector<16xi1>, vector<16xf32>
    %select_n3A_774 = arith.select %gt3A_772, %add3A_771, %broadcast_in_dim3A_766 : vector<16xi1>, vector<16xi32>
    %get3A_775 = arith.constant 16 : index
    %get3A_776 = tpu.vector_load %arg6[%get3A_775] {strides = array<i32>} : memref<128xf32, #tpu.memory_space<vmem>>, vector<16xf32>,
    %add3A_777 = arith.constant 16 : i32
    %add3A_778 = vector.broadcast %add3A_777 : i32 to vector<16xi32>
    %add3A_779 = arith.addi %iota3A, %add3A_778 : vector<16xi32>
    %gt3A_780 = arith.cmpf ogt, %get3A_776, %select_n3A_773 : vector<16xf32>
    %select_n3A_781 = arith.select %gt3A_780, %get3A_776, %select_n3A_773 : vector<16xi1>, vector<16xf32>
    %select_n3A_782 = arith.select %gt3A_780, %add3A_779, %select_n3A_774 : vector<16xi1>, vector<16xi32>
    %get3A_783 = arith.constant 32 : index
    %get3A_784 = tpu.vector_load %arg6[%get3A_783] {strides = array<i32>} : memref<128xf32, #tpu.memory_space<vmem>>, vector<16xf32>,
    %add3A_785 = arith.constant 32 : i32
    %add3A_786 = vector.broadcast %add3A_785 : i32 to vector<16xi32>
    %add3A_787 = arith.addi %iota3A, %add3A_786 : vector<16xi32>
    %gt3A_788 = arith.cmpf ogt, %get3A_784, %select_n3A_781 : vector<16xf32>
    %select_n3A_789 = arith.select %gt3A_788, %get3A_784, %select_n3A_781 : vector<16xi1>, vector<16xf32>
    %select_n3A_790 = arith.select %gt3A_788, %add3A_787, %select_n3A_782 : vector<16xi1>, vector<16xi32>
    %get3A_791 = arith.constant 48 : index
    %get3A_792 = tpu.vector_load %arg6[%get3A_791] {strides = array<i32>} : memref<128xf32, #tpu.memory_space<vmem>>, vector<16xf32>,
    %add3A_793 = arith.constant 48 : i32
    %add3A_794 = vector.broadcast %add3A_793 : i32 to vector<16xi32>
    %add3A_795 = arith.addi %iota3A, %add3A_794 : vector<16xi32>
    %gt3A_796 = arith.cmpf ogt, %get3A_792, %select_n3A_789 : vector<16xf32>
    %select_n3A_797 = arith.select %gt3A_796, %get3A_792, %select_n3A_789 : vector<16xi1>, vector<16xf32>
    %select_n3A_798 = arith.select %gt3A_796, %add3A_795, %select_n3A_790 : vector<16xi1>, vector<16xi32>
    %get3A_799 = arith.constant 64 : index
    %get3A_800 = tpu.vector_load %arg6[%get3A_799] {strides = array<i32>} : memref<128xf32, #tpu.memory_space<vmem>>, vector<16xf32>,
    %add3A_801 = arith.constant 64 : i32
    %add3A_802 = vector.broadcast %add3A_801 : i32 to vector<16xi32>
    %add3A_803 = arith.addi %iota3A, %add3A_802 : vector<16xi32>
    %gt3A_804 = arith.cmpf ogt, %get3A_800, %select_n3A_797 : vector<16xf32>
    %select_n3A_805 = arith.select %gt3A_804, %get3A_800, %select_n3A_797 : vector<16xi1>, vector<16xf32>
    %select_n3A_806 = arith.select %gt3A_804, %add3A_803, %select_n3A_798 : vector<16xi1>, vector<16xi32>
    %get3A_807 = arith.constant 80 : index
    %get3A_808 = tpu.vector_load %arg6[%get3A_807] {strides = array<i32>} : memref<128xf32, #tpu.memory_space<vmem>>, vector<16xf32>,
    %add3A_809 = arith.constant 80 : i32
    %add3A_810 = vector.broadcast %add3A_809 : i32 to vector<16xi32>
    %add3A_811 = arith.addi %iota3A, %add3A_810 : vector<16xi32>
    %gt3A_812 = arith.cmpf ogt, %get3A_808, %select_n3A_805 : vector<16xf32>
    %select_n3A_813 = arith.select %gt3A_812, %get3A_808, %select_n3A_805 : vector<16xi1>, vector<16xf32>
    %select_n3A_814 = arith.select %gt3A_812, %add3A_811, %select_n3A_806 : vector<16xi1>, vector<16xi32>
    %get3A_815 = arith.constant 96 : index
    %get3A_816 = tpu.vector_load %arg6[%get3A_815] {strides = array<i32>} : memref<128xf32, #tpu.memory_space<vmem>>, vector<16xf32>,
    %add3A_817 = arith.constant 96 : i32
    %add3A_818 = vector.broadcast %add3A_817 : i32 to vector<16xi32>
    %add3A_819 = arith.addi %iota3A, %add3A_818 : vector<16xi32>
    %gt3A_820 = arith.cmpf ogt, %get3A_816, %select_n3A_813 : vector<16xf32>
    %select_n3A_821 = arith.select %gt3A_820, %get3A_816, %select_n3A_813 : vector<16xi1>, vector<16xf32>
    %select_n3A_822 = arith.select %gt3A_820, %add3A_819, %select_n3A_814 : vector<16xi1>, vector<16xi32>
    %get3A_823 = arith.constant 112 : index
    %get3A_824 = tpu.vector_load %arg6[%get3A_823] {strides = array<i32>} : memref<128xf32, #tpu.memory_space<vmem>>, vector<16xf32>,
    %add3A_825 = arith.constant 112 : i32
    %add3A_826 = vector.broadcast %add3A_825 : i32 to vector<16xi32>
    %add3A_827 = arith.addi %iota3A, %add3A_826 : vector<16xi32>
    %gt3A_828 = arith.cmpf ogt, %get3A_824, %select_n3A_821 : vector<16xf32>
    %select_n3A_829 = arith.select %gt3A_828, %get3A_824, %select_n3A_821 : vector<16xi1>, vector<16xf32>
    %select_n3A_830 = arith.select %gt3A_828, %add3A_827, %select_n3A_822 : vector<16xi1>, vector<16xi32>
    %reduce_max3A_831 = arith.constant true
    %reduce_max3A_832 = vector.broadcast %reduce_max3A_831 : i1 to vector<16xi1>
    %reduce_max3A_833 = tpu.scan <max>, %select_n3A_829 masked %reduce_max3A_832 : vector<16xf32>, vector<16xi1> -> vector<16xf32>
    %reduce_max3A_834 = vector.extract %reduce_max3A_833[15] : f32 from vector<16xf32>
    %eq3A_835 = vector.broadcast %reduce_max3A_834 : f32 to vector<16xf32>
    %eq3A_836 = arith.cmpf oeq, %select_n3A_829, %eq3A_835 : vector<16xf32>
    %jit3A_837 = arith.constant 2048 : i32
    %broadcast_in_dim3A_838 = vector.broadcast %jit3A_837 : i32 to vector<16xi32>
    %select_n3A_839 = arith.select %eq3A_836, %select_n3A_830, %broadcast_in_dim3A_838 : vector<16xi1>, vector<16xi32>
    %reduce_min3A_840 = arith.constant true
    %reduce_min3A_841 = vector.broadcast %reduce_min3A_840 : i1 to vector<16xi1>
    %reduce_min3A_842 = arith.constant -2147483648 : i32
    %reduce_min3A_843 = vector.broadcast %reduce_min3A_842 : i32 to vector<16xi32>
    %reduce_min3A_844 = arith.xori %select_n3A_839, %reduce_min3A_843 : vector<16xi32>
    %reduce_min3A_845 = tpu.scan <min>, %reduce_min3A_844 masked %reduce_min3A_841 : vector<16xi32>, vector<16xi1> -> vector<16xi32>
    %reduce_min3A_846 = arith.xori %reduce_min3A_845, %reduce_min3A_843 : vector<16xi32>
    %reduce_min3A_847 = vector.extract %reduce_min3A_846[15] : i32 from vector<16xi32>
    %eq3A_848 = arith.constant 7 : i32
    %eq3A_849 = vector.broadcast %eq3A_848 : i32 to vector<16xi32>
    %eq3A_850 = arith.cmpi eq, %iota3A, %eq3A_849 : vector<16xi32>
    %mul3A_851 = arith.constant 128 : i32
    %mul3A_852 = arith.muli %select_n3A_30, %mul3A_851 : i32
    %add3A_853 = arith.addi %mul3A_852, %reduce_min3A_847 : i32
    %broadcast_in_dim3A_854 = vector.broadcast %add3A_853 : i32 to vector<16xi32>
    %select_n3A_855 = arith.select %eq3A_850, %broadcast_in_dim3A_854, %select_n3A_751 : vector<16xi1>, vector<16xi32>
    %eq3A_856 = arith.constant 7 : i32
    %eq3A_857 = vector.broadcast %eq3A_856 : i32 to vector<16xi32>
    %eq3A_858 = arith.cmpi eq, %iota3A, %eq3A_857 : vector<16xi32>
    %broadcast_in_dim3A_859 = vector.broadcast %reduce_max3A_834 : f32 to vector<16xf32>
    %select_n3A_860 = arith.select %eq3A_858, %broadcast_in_dim3A_859, %select_n3A_756 : vector<16xi1>, vector<16xf32>
    %broadcast_in_dim3A_861 = vector.broadcast %reduce_min3A_847 : i32 to vector<16xi32>
    %broadcast_in_dim3A_862 = arith.constant 0xFF800000 : f32
    %broadcast_in_dim3A_863 = vector.broadcast %broadcast_in_dim3A_862 : f32 to vector<16xf32>
    %eq3A_864 = arith.constant 0 : i32
    %eq3A_865 = vector.broadcast %eq3A_864 : i32 to vector<16xi32>
    %eq3A_866 = arith.cmpi eq, %iota3A, %eq3A_865 : vector<16xi32>
    tpu.vector_store_idx %arg6[%broadcast_in_dim3A_861], %broadcast_in_dim3A_863 masked %eq3A_866 : memref<128xf32, #tpu.memory_space<vmem>>[vector<16xi32>], vector<16xf32>, vector<16xi1>
    %swap3A = arith.constant 0 : index
    %swap3A_867 = tpu.vector_load %arg9[%swap3A] {strides = array<i32>} : memref<16xf32, #tpu.memory_space<vmem>>, vector<16xf32>,
    tpu.vector_store %arg9[%swap3A], %select_n3A_860 {strides = array<i32>} : memref<16xf32, #tpu.memory_space<vmem>>, vector<16xf32>,
    %swap3A_868 = arith.constant 0 : index
    %swap3A_869 = tpu.vector_load %arg10[%swap3A_868] {strides = array<i32>} : memref<16xi32, #tpu.memory_space<vmem>>, vector<16xi32>,
    tpu.vector_store %arg10[%swap3A_868], %select_n3A_855 {strides = array<i32>} : memref<16xi32, #tpu.memory_space<vmem>>, vector<16xi32>,
    %mul3A_870 = arith.constant 8 : i32
    %mul3A_871 = arith.muli %select_n3A, %mul3A_870 : i32
    %mul3A_872 = arith.constant 16 : i32
    %mul3A_873 = arith.muli %mul3A_871, %mul3A_872 : i32
    %mul3A_874 = arith.constant 16 : i32
    %mul3A_875 = arith.muli %select_n3A_30, %mul3A_874 : i32
    %add3A_876 = arith.addi %mul3A_873, %mul3A_875 : i32
    "tpu.region"() ({
      %run_scoped3A = tpu.sem_alloc : memref<!tpu.dma_semaphore, #tpu.memory_space<semaphore_mem>>
      %dma_start3A = tpu.memref_slice %arg14[%add3A_876] : memref<256xf32, #tpu.memory_space<vmem_shared>> -> memref<16xf32, #tpu.memory_space<vmem_shared>>
      %dma_start3A_881 = tpu.memref_slice %arg14[%add3A_876] : memref<256xf32, #tpu.memory_space<vmem_shared>> -> memref<16xf32, #tpu.memory_space<vmem_shared>>
      tpu.enqueue_dma source(%arg9 : memref<16xf32, #tpu.memory_space<vmem>>) target(%dma_start3A_881 : memref<16xf32, #tpu.memory_space<vmem_shared>>) target_semaphore(%run_scoped3A : memref<!tpu.dma_semaphore, #tpu.memory_space<semaphore_mem>>)
      %dma_wait3A = tpu.memref_slice %arg14[%add3A_876] : memref<256xf32, #tpu.memory_space<vmem_shared>> -> memref<16xf32, #tpu.memory_space<vmem_shared>>
      %dma_wait3A_882 = tpu.memref_slice %arg14[%add3A_876] : memref<256xf32, #tpu.memory_space<vmem_shared>> -> memref<16xf32, #tpu.memory_space<vmem_shared>>
      tpu.wait_dma2 semaphore(%run_scoped3A : memref<!tpu.dma_semaphore, #tpu.memory_space<semaphore_mem>>) src(%arg9 : memref<16xf32, #tpu.memory_space<vmem>>) dst(%dma_wait3A_882 : memref<16xf32, #tpu.memory_space<vmem_shared>>)
      tpu.yield
    }) : () -> ()
    "tpu.region"() ({
      %run_scoped3A = tpu.sem_alloc : memref<!tpu.dma_semaphore, #tpu.memory_space<semaphore_mem>>
      %dma_start3A = tpu.memref_slice %arg15[%add3A_876] : memref<256xi32, #tpu.memory_space<vmem_shared>> -> memref<16xi32, #tpu.memory_space<vmem_shared>>
      %dma_start3A_881 = tpu.memref_slice %arg15[%add3A_876] : memref<256xi32, #tpu.memory_space<vmem_shared>> -> memref<16xi32, #tpu.memory_space<vmem_shared>>
      tpu.enqueue_dma source(%arg10 : memref<16xi32, #tpu.memory_space<vmem>>) target(%dma_start3A_881 : memref<16xi32, #tpu.memory_space<vmem_shared>>) target_semaphore(%run_scoped3A : memref<!tpu.dma_semaphore, #tpu.memory_space<semaphore_mem>>)
      %dma_wait3A = tpu.memref_slice %arg15[%add3A_876] : memref<256xi32, #tpu.memory_space<vmem_shared>> -> memref<16xi32, #tpu.memory_space<vmem_shared>>
      %dma_wait3A_882 = tpu.memref_slice %arg15[%add3A_876] : memref<256xi32, #tpu.memory_space<vmem_shared>> -> memref<16xi32, #tpu.memory_space<vmem_shared>>
      tpu.wait_dma2 semaphore(%run_scoped3A : memref<!tpu.dma_semaphore, #tpu.memory_space<semaphore_mem>>) src(%arg10 : memref<16xi32, #tpu.memory_space<vmem>>) dst(%dma_wait3A_882 : memref<16xi32, #tpu.memory_space<vmem_shared>>)
      tpu.yield
    }) : () -> ()
    %barrier3A = arith.constant 0 : index
    tpu.barrier barrier_id(%barrier3A)
    %eq3A_877 = arith.constant 0 : i32
    %eq3A_878 = arith.cmpi eq, %select_n3A_30, %eq3A_877 : i32
    %convert_element_type3A = arith.extui %eq3A_878 : i1 to i32
    %cond3A = arith.constant 0xFF800000 : f32
    %cond3A_879 = arith.constant 0 : i32
    %cond3A_880 = arith.cmpi ne, %convert_element_type3A, %cond3A_879 : i32
    scf.if %cond3A_880 {
      %mul3A_881 = arith.constant 8 : i32
      %mul3A_882 = arith.muli %select_n3A, %mul3A_881 : i32
      %mul3A_883 = arith.constant 16 : i32
      %mul3A_884 = arith.muli %mul3A_882, %mul3A_883 : i32
      "tpu.region"() ({
        %run_scoped3A = tpu.sem_alloc : memref<!tpu.dma_semaphore, #tpu.memory_space<semaphore_mem>>
        %dma_start3A_2239 = tpu.memref_slice %arg14[%mul3A_884] : memref<256xf32, #tpu.memory_space<vmem_shared>> -> memref<128xf32, #tpu.memory_space<vmem_shared>>
        %dma_start3A_2240 = tpu.memref_slice %arg14[%mul3A_884] : memref<256xf32, #tpu.memory_space<vmem_shared>> -> memref<128xf32, #tpu.memory_space<vmem_shared>>
        tpu.enqueue_dma source(%dma_start3A_2240 : memref<128xf32, #tpu.memory_space<vmem_shared>>) target(%arg7 : memref<128xf32, #tpu.memory_space<vmem>>) target_semaphore(%run_scoped3A : memref<!tpu.dma_semaphore, #tpu.memory_space<semaphore_mem>>)
        %dma_wait3A_2241 = tpu.memref_slice %arg14[%mul3A_884] : memref<256xf32, #tpu.memory_space<vmem_shared>> -> memref<128xf32, #tpu.memory_space<vmem_shared>>
        %dma_wait3A_2242 = tpu.memref_slice %arg14[%mul3A_884] : memref<256xf32, #tpu.memory_space<vmem_shared>> -> memref<128xf32, #tpu.memory_space<vmem_shared>>
        tpu.wait_dma2 semaphore(%run_scoped3A : memref<!tpu.dma_semaphore, #tpu.memory_space<semaphore_mem>>) src(%dma_wait3A_2242 : memref<128xf32, #tpu.memory_space<vmem_shared>>) dst(%arg7 : memref<128xf32, #tpu.memory_space<vmem>>)
        tpu.yield
      }) : () -> ()
      %mul3A_885 = arith.constant 8 : i32
      %mul3A_886 = arith.muli %select_n3A, %mul3A_885 : i32
      %mul3A_887 = arith.constant 16 : i32
      %mul3A_888 = arith.muli %mul3A_886, %mul3A_887 : i32
      "tpu.region"() ({
        %run_scoped3A = tpu.sem_alloc : memref<!tpu.dma_semaphore, #tpu.memory_space<semaphore_mem>>
        %dma_start3A_2239 = tpu.memref_slice %arg15[%mul3A_888] : memref<256xi32, #tpu.memory_space<vmem_shared>> -> memref<128xi32, #tpu.memory_space<vmem_shared>>
        %dma_start3A_2240 = tpu.memref_slice %arg15[%mul3A_888] : memref<256xi32, #tpu.memory_space<vmem_shared>> -> memref<128xi32, #tpu.memory_space<vmem_shared>>
        tpu.enqueue_dma source(%dma_start3A_2240 : memref<128xi32, #tpu.memory_space<vmem_shared>>) target(%arg8 : memref<128xi32, #tpu.memory_space<vmem>>) target_semaphore(%run_scoped3A : memref<!tpu.dma_semaphore, #tpu.memory_space<semaphore_mem>>)
        %dma_wait3A_2241 = tpu.memref_slice %arg15[%mul3A_888] : memref<256xi32, #tpu.memory_space<vmem_shared>> -> memref<128xi32, #tpu.memory_space<vmem_shared>>
        %dma_wait3A_2242 = tpu.memref_slice %arg15[%mul3A_888] : memref<256xi32, #tpu.memory_space<vmem_shared>> -> memref<128xi32, #tpu.memory_space<vmem_shared>>
        tpu.wait_dma2 semaphore(%run_scoped3A : memref<!tpu.dma_semaphore, #tpu.memory_space<semaphore_mem>>) src(%dma_wait3A_2242 : memref<128xi32, #tpu.memory_space<vmem_shared>>) dst(%arg8 : memref<128xi32, #tpu.memory_space<vmem>>)
        tpu.yield
      }) : () -> ()
      %broadcast_in_dim3A_889 = arith.constant 0 : i32
      %broadcast_in_dim3A_890 = vector.broadcast %broadcast_in_dim3A_889 : i32 to vector<16xi32>
      %broadcast_in_dim3A_891 = arith.constant 0.000000e+00 : f32
      %broadcast_in_dim3A_892 = vector.broadcast %broadcast_in_dim3A_891 : f32 to vector<16xf32>
      %broadcast_in_dim3A_893 = vector.broadcast %cond3A : f32 to vector<16xf32>
      %broadcast_in_dim3A_894 = arith.constant 0 : i32
      %broadcast_in_dim3A_895 = vector.broadcast %broadcast_in_dim3A_894 : i32 to vector<16xi32>
      %get3A_896 = arith.constant 0 : index
      %get3A_897 = tpu.vector_load %arg7[%get3A_896] {strides = array<i32>} : memref<128xf32, #tpu.memory_space<vmem>>, vector<16xf32>,
      %get3A_898 = arith.constant 0 : index
      %get3A_899 = tpu.vector_load %arg8[%get3A_898] {strides = array<i32>} : memref<128xi32, #tpu.memory_space<vmem>>, vector<16xi32>,
      %gt3A_900 = arith.cmpf ogt, %get3A_897, %broadcast_in_dim3A_893 : vector<16xf32>
      %select_n3A_901 = arith.select %gt3A_900, %get3A_897, %broadcast_in_dim3A_893 : vector<16xi1>, vector<16xf32>
      %select_n3A_902 = arith.select %gt3A_900, %get3A_899, %broadcast_in_dim3A_895 : vector<16xi1>, vector<16xi32>
      %get3A_903 = arith.constant 16 : index
      %get3A_904 = tpu.vector_load %arg7[%get3A_903] {strides = array<i32>} : memref<128xf32, #tpu.memory_space<vmem>>, vector<16xf32>,
      %get3A_905 = arith.constant 16 : index
      %get3A_906 = tpu.vector_load %arg8[%get3A_905] {strides = array<i32>} : memref<128xi32, #tpu.memory_space<vmem>>, vector<16xi32>,
      %gt3A_907 = arith.cmpf ogt, %get3A_904, %select_n3A_901 : vector<16xf32>
      %select_n3A_908 = arith.select %gt3A_907, %get3A_904, %select_n3A_901 : vector<16xi1>, vector<16xf32>
      %select_n3A_909 = arith.select %gt3A_907, %get3A_906, %select_n3A_902 : vector<16xi1>, vector<16xi32>
      %get3A_910 = arith.constant 32 : index
      %get3A_911 = tpu.vector_load %arg7[%get3A_910] {strides = array<i32>} : memref<128xf32, #tpu.memory_space<vmem>>, vector<16xf32>,
      %get3A_912 = arith.constant 32 : index
      %get3A_913 = tpu.vector_load %arg8[%get3A_912] {strides = array<i32>} : memref<128xi32, #tpu.memory_space<vmem>>, vector<16xi32>,
      %gt3A_914 = arith.cmpf ogt, %get3A_911, %select_n3A_908 : vector<16xf32>
      %select_n3A_915 = arith.select %gt3A_914, %get3A_911, %select_n3A_908 : vector<16xi1>, vector<16xf32>
      %select_n3A_916 = arith.select %gt3A_914, %get3A_913, %select_n3A_909 : vector<16xi1>, vector<16xi32>
      %get3A_917 = arith.constant 48 : index
      %get3A_918 = tpu.vector_load %arg7[%get3A_917] {strides = array<i32>} : memref<128xf32, #tpu.memory_space<vmem>>, vector<16xf32>,
      %get3A_919 = arith.constant 48 : index
      %get3A_920 = tpu.vector_load %arg8[%get3A_919] {strides = array<i32>} : memref<128xi32, #tpu.memory_space<vmem>>, vector<16xi32>,
      %gt3A_921 = arith.cmpf ogt, %get3A_918, %select_n3A_915 : vector<16xf32>
      %select_n3A_922 = arith.select %gt3A_921, %get3A_918, %select_n3A_915 : vector<16xi1>, vector<16xf32>
      %select_n3A_923 = arith.select %gt3A_921, %get3A_920, %select_n3A_916 : vector<16xi1>, vector<16xi32>
      %get3A_924 = arith.constant 64 : index
      %get3A_925 = tpu.vector_load %arg7[%get3A_924] {strides = array<i32>} : memref<128xf32, #tpu.memory_space<vmem>>, vector<16xf32>,
      %get3A_926 = arith.constant 64 : index
      %get3A_927 = tpu.vector_load %arg8[%get3A_926] {strides = array<i32>} : memref<128xi32, #tpu.memory_space<vmem>>, vector<16xi32>,
      %gt3A_928 = arith.cmpf ogt, %get3A_925, %select_n3A_922 : vector<16xf32>
      %select_n3A_929 = arith.select %gt3A_928, %get3A_925, %select_n3A_922 : vector<16xi1>, vector<16xf32>
      %select_n3A_930 = arith.select %gt3A_928, %get3A_927, %select_n3A_923 : vector<16xi1>, vector<16xi32>
      %get3A_931 = arith.constant 80 : index
      %get3A_932 = tpu.vector_load %arg7[%get3A_931] {strides = array<i32>} : memref<128xf32, #tpu.memory_space<vmem>>, vector<16xf32>,
      %get3A_933 = arith.constant 80 : index
      %get3A_934 = tpu.vector_load %arg8[%get3A_933] {strides = array<i32>} : memref<128xi32, #tpu.memory_space<vmem>>, vector<16xi32>,
      %gt3A_935 = arith.cmpf ogt, %get3A_932, %select_n3A_929 : vector<16xf32>
      %select_n3A_936 = arith.select %gt3A_935, %get3A_932, %select_n3A_929 : vector<16xi1>, vector<16xf32>
      %select_n3A_937 = arith.select %gt3A_935, %get3A_934, %select_n3A_930 : vector<16xi1>, vector<16xi32>
      %get3A_938 = arith.constant 96 : index
      %get3A_939 = tpu.vector_load %arg7[%get3A_938] {strides = array<i32>} : memref<128xf32, #tpu.memory_space<vmem>>, vector<16xf32>,
      %get3A_940 = arith.constant 96 : index
      %get3A_941 = tpu.vector_load %arg8[%get3A_940] {strides = array<i32>} : memref<128xi32, #tpu.memory_space<vmem>>, vector<16xi32>,
      %gt3A_942 = arith.cmpf ogt, %get3A_939, %select_n3A_936 : vector<16xf32>
      %select_n3A_943 = arith.select %gt3A_942, %get3A_939, %select_n3A_936 : vector<16xi1>, vector<16xf32>
      %select_n3A_944 = arith.select %gt3A_942, %get3A_941, %select_n3A_937 : vector<16xi1>, vector<16xi32>
      %get3A_945 = arith.constant 112 : index
      %get3A_946 = tpu.vector_load %arg7[%get3A_945] {strides = array<i32>} : memref<128xf32, #tpu.memory_space<vmem>>, vector<16xf32>,
      %get3A_947 = arith.constant 112 : index
      %get3A_948 = tpu.vector_load %arg8[%get3A_947] {strides = array<i32>} : memref<128xi32, #tpu.memory_space<vmem>>, vector<16xi32>,
      %gt3A_949 = arith.cmpf ogt, %get3A_946, %select_n3A_943 : vector<16xf32>
      %select_n3A_950 = arith.select %gt3A_949, %get3A_946, %select_n3A_943 : vector<16xi1>, vector<16xf32>
      %select_n3A_951 = arith.select %gt3A_949, %get3A_948, %select_n3A_944 : vector<16xi1>, vector<16xi32>
      %reduce_max3A_952 = arith.constant true
      %reduce_max3A_953 = vector.broadcast %reduce_max3A_952 : i1 to vector<16xi1>
      %reduce_max3A_954 = tpu.scan <max>, %select_n3A_950 masked %reduce_max3A_953 : vector<16xf32>, vector<16xi1> -> vector<16xf32>
      %reduce_max3A_955 = vector.extract %reduce_max3A_954[15] : f32 from vector<16xf32>
      %eq3A_956 = vector.broadcast %reduce_max3A_955 : f32 to vector<16xf32>
      %eq3A_957 = arith.cmpf oeq, %select_n3A_950, %eq3A_956 : vector<16xf32>
      %jit3A_958 = arith.constant 2048 : i32
      %broadcast_in_dim3A_959 = vector.broadcast %jit3A_958 : i32 to vector<16xi32>
      %select_n3A_960 = arith.select %eq3A_957, %select_n3A_951, %broadcast_in_dim3A_959 : vector<16xi1>, vector<16xi32>
      %reduce_min3A_961 = arith.constant true
      %reduce_min3A_962 = vector.broadcast %reduce_min3A_961 : i1 to vector<16xi1>
      %reduce_min3A_963 = arith.constant -2147483648 : i32
      %reduce_min3A_964 = vector.broadcast %reduce_min3A_963 : i32 to vector<16xi32>
      %reduce_min3A_965 = arith.xori %select_n3A_960, %reduce_min3A_964 : vector<16xi32>
      %reduce_min3A_966 = tpu.scan <min>, %reduce_min3A_965 masked %reduce_min3A_962 : vector<16xi32>, vector<16xi1> -> vector<16xi32>
      %reduce_min3A_967 = arith.xori %reduce_min3A_966, %reduce_min3A_964 : vector<16xi32>
      %reduce_min3A_968 = vector.extract %reduce_min3A_967[15] : i32 from vector<16xi32>
      %eq3A_969 = arith.constant 0 : i32
      %eq3A_970 = vector.broadcast %eq3A_969 : i32 to vector<16xi32>
      %eq3A_971 = arith.cmpi eq, %iota3A, %eq3A_970 : vector<16xi32>
      %broadcast_in_dim3A_972 = vector.broadcast %reduce_min3A_968 : i32 to vector<16xi32>
      %select_n3A_973 = arith.select %eq3A_971, %broadcast_in_dim3A_972, %broadcast_in_dim3A_890 : vector<16xi1>, vector<16xi32>
      %eq3A_974 = arith.constant 0 : i32
      %eq3A_975 = vector.broadcast %eq3A_974 : i32 to vector<16xi32>
      %eq3A_976 = arith.cmpi eq, %iota3A, %eq3A_975 : vector<16xi32>
      %broadcast_in_dim3A_977 = vector.broadcast %reduce_max3A_955 : f32 to vector<16xf32>
      %select_n3A_978 = arith.select %eq3A_976, %broadcast_in_dim3A_977, %broadcast_in_dim3A_892 : vector<16xi1>, vector<16xf32>
      %get3A_979 = arith.constant 0 : index
      %get3A_980 = tpu.vector_load %arg7[%get3A_979] {strides = array<i32>} : memref<128xf32, #tpu.memory_space<vmem>>, vector<16xf32>,
      %get3A_981 = arith.constant 0 : index
      %get3A_982 = tpu.vector_load %arg8[%get3A_981] {strides = array<i32>} : memref<128xi32, #tpu.memory_space<vmem>>, vector<16xi32>,
      %eq3A_983 = vector.broadcast %reduce_min3A_968 : i32 to vector<16xi32>
      %eq3A_984 = arith.cmpi eq, %get3A_982, %eq3A_983 : vector<16xi32>
      %broadcast_in_dim3A_985 = vector.broadcast %cond3A : f32 to vector<16xf32>
      %select_n3A_986 = arith.select %eq3A_984, %broadcast_in_dim3A_985, %get3A_980 : vector<16xi1>, vector<16xf32>
      %swap3A_987 = arith.constant 0 : index
      %swap3A_988 = tpu.vector_load %arg7[%swap3A_987] {strides = array<i32>} : memref<128xf32, #tpu.memory_space<vmem>>, vector<16xf32>,
      tpu.vector_store %arg7[%swap3A_987], %select_n3A_986 {strides = array<i32>} : memref<128xf32, #tpu.memory_space<vmem>>, vector<16xf32>,
      %get3A_989 = arith.constant 16 : index
      %get3A_990 = tpu.vector_load %arg7[%get3A_989] {strides = array<i32>} : memref<128xf32, #tpu.memory_space<vmem>>, vector<16xf32>,
      %get3A_991 = arith.constant 16 : index
      %get3A_992 = tpu.vector_load %arg8[%get3A_991] {strides = array<i32>} : memref<128xi32, #tpu.memory_space<vmem>>, vector<16xi32>,
      %eq3A_993 = vector.broadcast %reduce_min3A_968 : i32 to vector<16xi32>
      %eq3A_994 = arith.cmpi eq, %get3A_992, %eq3A_993 : vector<16xi32>
      %broadcast_in_dim3A_995 = vector.broadcast %cond3A : f32 to vector<16xf32>
      %select_n3A_996 = arith.select %eq3A_994, %broadcast_in_dim3A_995, %get3A_990 : vector<16xi1>, vector<16xf32>
      %swap3A_997 = arith.constant 16 : index
      %swap3A_998 = tpu.vector_load %arg7[%swap3A_997] {strides = array<i32>} : memref<128xf32, #tpu.memory_space<vmem>>, vector<16xf32>,
      tpu.vector_store %arg7[%swap3A_997], %select_n3A_996 {strides = array<i32>} : memref<128xf32, #tpu.memory_space<vmem>>, vector<16xf32>,
      %get3A_999 = arith.constant 32 : index
      %get3A_1000 = tpu.vector_load %arg7[%get3A_999] {strides = array<i32>} : memref<128xf32, #tpu.memory_space<vmem>>, vector<16xf32>,
      %get3A_1001 = arith.constant 32 : index
      %get3A_1002 = tpu.vector_load %arg8[%get3A_1001] {strides = array<i32>} : memref<128xi32, #tpu.memory_space<vmem>>, vector<16xi32>,
      %eq3A_1003 = vector.broadcast %reduce_min3A_968 : i32 to vector<16xi32>
      %eq3A_1004 = arith.cmpi eq, %get3A_1002, %eq3A_1003 : vector<16xi32>
      %broadcast_in_dim3A_1005 = vector.broadcast %cond3A : f32 to vector<16xf32>
      %select_n3A_1006 = arith.select %eq3A_1004, %broadcast_in_dim3A_1005, %get3A_1000 : vector<16xi1>, vector<16xf32>
      %swap3A_1007 = arith.constant 32 : index
      %swap3A_1008 = tpu.vector_load %arg7[%swap3A_1007] {strides = array<i32>} : memref<128xf32, #tpu.memory_space<vmem>>, vector<16xf32>,
      tpu.vector_store %arg7[%swap3A_1007], %select_n3A_1006 {strides = array<i32>} : memref<128xf32, #tpu.memory_space<vmem>>, vector<16xf32>,
      %get3A_1009 = arith.constant 48 : index
      %get3A_1010 = tpu.vector_load %arg7[%get3A_1009] {strides = array<i32>} : memref<128xf32, #tpu.memory_space<vmem>>, vector<16xf32>,
      %get3A_1011 = arith.constant 48 : index
      %get3A_1012 = tpu.vector_load %arg8[%get3A_1011] {strides = array<i32>} : memref<128xi32, #tpu.memory_space<vmem>>, vector<16xi32>,
      %eq3A_1013 = vector.broadcast %reduce_min3A_968 : i32 to vector<16xi32>
      %eq3A_1014 = arith.cmpi eq, %get3A_1012, %eq3A_1013 : vector<16xi32>
      %broadcast_in_dim3A_1015 = vector.broadcast %cond3A : f32 to vector<16xf32>
      %select_n3A_1016 = arith.select %eq3A_1014, %broadcast_in_dim3A_1015, %get3A_1010 : vector<16xi1>, vector<16xf32>
      %swap3A_1017 = arith.constant 48 : index
      %swap3A_1018 = tpu.vector_load %arg7[%swap3A_1017] {strides = array<i32>} : memref<128xf32, #tpu.memory_space<vmem>>, vector<16xf32>,
      tpu.vector_store %arg7[%swap3A_1017], %select_n3A_1016 {strides = array<i32>} : memref<128xf32, #tpu.memory_space<vmem>>, vector<16xf32>,
      %get3A_1019 = arith.constant 64 : index
      %get3A_1020 = tpu.vector_load %arg7[%get3A_1019] {strides = array<i32>} : memref<128xf32, #tpu.memory_space<vmem>>, vector<16xf32>,
      %get3A_1021 = arith.constant 64 : index
      %get3A_1022 = tpu.vector_load %arg8[%get3A_1021] {strides = array<i32>} : memref<128xi32, #tpu.memory_space<vmem>>, vector<16xi32>,
      %eq3A_1023 = vector.broadcast %reduce_min3A_968 : i32 to vector<16xi32>
      %eq3A_1024 = arith.cmpi eq, %get3A_1022, %eq3A_1023 : vector<16xi32>
      %broadcast_in_dim3A_1025 = vector.broadcast %cond3A : f32 to vector<16xf32>
      %select_n3A_1026 = arith.select %eq3A_1024, %broadcast_in_dim3A_1025, %get3A_1020 : vector<16xi1>, vector<16xf32>
      %swap3A_1027 = arith.constant 64 : index
      %swap3A_1028 = tpu.vector_load %arg7[%swap3A_1027] {strides = array<i32>} : memref<128xf32, #tpu.memory_space<vmem>>, vector<16xf32>,
      tpu.vector_store %arg7[%swap3A_1027], %select_n3A_1026 {strides = array<i32>} : memref<128xf32, #tpu.memory_space<vmem>>, vector<16xf32>,
      %get3A_1029 = arith.constant 80 : index
      %get3A_1030 = tpu.vector_load %arg7[%get3A_1029] {strides = array<i32>} : memref<128xf32, #tpu.memory_space<vmem>>, vector<16xf32>,
      %get3A_1031 = arith.constant 80 : index
      %get3A_1032 = tpu.vector_load %arg8[%get3A_1031] {strides = array<i32>} : memref<128xi32, #tpu.memory_space<vmem>>, vector<16xi32>,
      %eq3A_1033 = vector.broadcast %reduce_min3A_968 : i32 to vector<16xi32>
      %eq3A_1034 = arith.cmpi eq, %get3A_1032, %eq3A_1033 : vector<16xi32>
      %broadcast_in_dim3A_1035 = vector.broadcast %cond3A : f32 to vector<16xf32>
      %select_n3A_1036 = arith.select %eq3A_1034, %broadcast_in_dim3A_1035, %get3A_1030 : vector<16xi1>, vector<16xf32>
      %swap3A_1037 = arith.constant 80 : index
      %swap3A_1038 = tpu.vector_load %arg7[%swap3A_1037] {strides = array<i32>} : memref<128xf32, #tpu.memory_space<vmem>>, vector<16xf32>,
      tpu.vector_store %arg7[%swap3A_1037], %select_n3A_1036 {strides = array<i32>} : memref<128xf32, #tpu.memory_space<vmem>>, vector<16xf32>,
      %get3A_1039 = arith.constant 96 : index
      %get3A_1040 = tpu.vector_load %arg7[%get3A_1039] {strides = array<i32>} : memref<128xf32, #tpu.memory_space<vmem>>, vector<16xf32>,
      %get3A_1041 = arith.constant 96 : index
      %get3A_1042 = tpu.vector_load %arg8[%get3A_1041] {strides = array<i32>} : memref<128xi32, #tpu.memory_space<vmem>>, vector<16xi32>,
      %eq3A_1043 = vector.broadcast %reduce_min3A_968 : i32 to vector<16xi32>
      %eq3A_1044 = arith.cmpi eq, %get3A_1042, %eq3A_1043 : vector<16xi32>
      %broadcast_in_dim3A_1045 = vector.broadcast %cond3A : f32 to vector<16xf32>
      %select_n3A_1046 = arith.select %eq3A_1044, %broadcast_in_dim3A_1045, %get3A_1040 : vector<16xi1>, vector<16xf32>
      %swap3A_1047 = arith.constant 96 : index
      %swap3A_1048 = tpu.vector_load %arg7[%swap3A_1047] {strides = array<i32>} : memref<128xf32, #tpu.memory_space<vmem>>, vector<16xf32>,
      tpu.vector_store %arg7[%swap3A_1047], %select_n3A_1046 {strides = array<i32>} : memref<128xf32, #tpu.memory_space<vmem>>, vector<16xf32>,
      %get3A_1049 = arith.constant 112 : index
      %get3A_1050 = tpu.vector_load %arg7[%get3A_1049] {strides = array<i32>} : memref<128xf32, #tpu.memory_space<vmem>>, vector<16xf32>,
      %get3A_1051 = arith.constant 112 : index
      %get3A_1052 = tpu.vector_load %arg8[%get3A_1051] {strides = array<i32>} : memref<128xi32, #tpu.memory_space<vmem>>, vector<16xi32>,
      %eq3A_1053 = vector.broadcast %reduce_min3A_968 : i32 to vector<16xi32>
      %eq3A_1054 = arith.cmpi eq, %get3A_1052, %eq3A_1053 : vector<16xi32>
      %broadcast_in_dim3A_1055 = vector.broadcast %cond3A : f32 to vector<16xf32>
      %select_n3A_1056 = arith.select %eq3A_1054, %broadcast_in_dim3A_1055, %get3A_1050 : vector<16xi1>, vector<16xf32>
      %swap3A_1057 = arith.constant 112 : index
      %swap3A_1058 = tpu.vector_load %arg7[%swap3A_1057] {strides = array<i32>} : memref<128xf32, #tpu.memory_space<vmem>>, vector<16xf32>,
      tpu.vector_store %arg7[%swap3A_1057], %select_n3A_1056 {strides = array<i32>} : memref<128xf32, #tpu.memory_space<vmem>>, vector<16xf32>,
      %broadcast_in_dim3A_1059 = vector.broadcast %cond3A : f32 to vector<16xf32>
      %broadcast_in_dim3A_1060 = arith.constant 0 : i32
      %broadcast_in_dim3A_1061 = vector.broadcast %broadcast_in_dim3A_1060 : i32 to vector<16xi32>
      %get3A_1062 = arith.constant 0 : index
      %get3A_1063 = tpu.vector_load %arg7[%get3A_1062] {strides = array<i32>} : memref<128xf32, #tpu.memory_space<vmem>>, vector<16xf32>,
      %get3A_1064 = arith.constant 0 : index
      %get3A_1065 = tpu.vector_load %arg8[%get3A_1064] {strides = array<i32>} : memref<128xi32, #tpu.memory_space<vmem>>, vector<16xi32>,
      %gt3A_1066 = arith.cmpf ogt, %get3A_1063, %broadcast_in_dim3A_1059 : vector<16xf32>
      %select_n3A_1067 = arith.select %gt3A_1066, %get3A_1063, %broadcast_in_dim3A_1059 : vector<16xi1>, vector<16xf32>
      %select_n3A_1068 = arith.select %gt3A_1066, %get3A_1065, %broadcast_in_dim3A_1061 : vector<16xi1>, vector<16xi32>
      %get3A_1069 = arith.constant 16 : index
      %get3A_1070 = tpu.vector_load %arg7[%get3A_1069] {strides = array<i32>} : memref<128xf32, #tpu.memory_space<vmem>>, vector<16xf32>,
      %get3A_1071 = arith.constant 16 : index
      %get3A_1072 = tpu.vector_load %arg8[%get3A_1071] {strides = array<i32>} : memref<128xi32, #tpu.memory_space<vmem>>, vector<16xi32>,
      %gt3A_1073 = arith.cmpf ogt, %get3A_1070, %select_n3A_1067 : vector<16xf32>
      %select_n3A_1074 = arith.select %gt3A_1073, %get3A_1070, %select_n3A_1067 : vector<16xi1>, vector<16xf32>
      %select_n3A_1075 = arith.select %gt3A_1073, %get3A_1072, %select_n3A_1068 : vector<16xi1>, vector<16xi32>
      %get3A_1076 = arith.constant 32 : index
      %get3A_1077 = tpu.vector_load %arg7[%get3A_1076] {strides = array<i32>} : memref<128xf32, #tpu.memory_space<vmem>>, vector<16xf32>,
      %get3A_1078 = arith.constant 32 : index
      %get3A_1079 = tpu.vector_load %arg8[%get3A_1078] {strides = array<i32>} : memref<128xi32, #tpu.memory_space<vmem>>, vector<16xi32>,
      %gt3A_1080 = arith.cmpf ogt, %get3A_1077, %select_n3A_1074 : vector<16xf32>
      %select_n3A_1081 = arith.select %gt3A_1080, %get3A_1077, %select_n3A_1074 : vector<16xi1>, vector<16xf32>
      %select_n3A_1082 = arith.select %gt3A_1080, %get3A_1079, %select_n3A_1075 : vector<16xi1>, vector<16xi32>
      %get3A_1083 = arith.constant 48 : index
      %get3A_1084 = tpu.vector_load %arg7[%get3A_1083] {strides = array<i32>} : memref<128xf32, #tpu.memory_space<vmem>>, vector<16xf32>,
      %get3A_1085 = arith.constant 48 : index
      %get3A_1086 = tpu.vector_load %arg8[%get3A_1085] {strides = array<i32>} : memref<128xi32, #tpu.memory_space<vmem>>, vector<16xi32>,
      %gt3A_1087 = arith.cmpf ogt, %get3A_1084, %select_n3A_1081 : vector<16xf32>
      %select_n3A_1088 = arith.select %gt3A_1087, %get3A_1084, %select_n3A_1081 : vector<16xi1>, vector<16xf32>
      %select_n3A_1089 = arith.select %gt3A_1087, %get3A_1086, %select_n3A_1082 : vector<16xi1>, vector<16xi32>
      %get3A_1090 = arith.constant 64 : index
      %get3A_1091 = tpu.vector_load %arg7[%get3A_1090] {strides = array<i32>} : memref<128xf32, #tpu.memory_space<vmem>>, vector<16xf32>,
      %get3A_1092 = arith.constant 64 : index
      %get3A_1093 = tpu.vector_load %arg8[%get3A_1092] {strides = array<i32>} : memref<128xi32, #tpu.memory_space<vmem>>, vector<16xi32>,
      %gt3A_1094 = arith.cmpf ogt, %get3A_1091, %select_n3A_1088 : vector<16xf32>
      %select_n3A_1095 = arith.select %gt3A_1094, %get3A_1091, %select_n3A_1088 : vector<16xi1>, vector<16xf32>
      %select_n3A_1096 = arith.select %gt3A_1094, %get3A_1093, %select_n3A_1089 : vector<16xi1>, vector<16xi32>
      %get3A_1097 = arith.constant 80 : index
      %get3A_1098 = tpu.vector_load %arg7[%get3A_1097] {strides = array<i32>} : memref<128xf32, #tpu.memory_space<vmem>>, vector<16xf32>,
      %get3A_1099 = arith.constant 80 : index
      %get3A_1100 = tpu.vector_load %arg8[%get3A_1099] {strides = array<i32>} : memref<128xi32, #tpu.memory_space<vmem>>, vector<16xi32>,
      %gt3A_1101 = arith.cmpf ogt, %get3A_1098, %select_n3A_1095 : vector<16xf32>
      %select_n3A_1102 = arith.select %gt3A_1101, %get3A_1098, %select_n3A_1095 : vector<16xi1>, vector<16xf32>
      %select_n3A_1103 = arith.select %gt3A_1101, %get3A_1100, %select_n3A_1096 : vector<16xi1>, vector<16xi32>
      %get3A_1104 = arith.constant 96 : index
      %get3A_1105 = tpu.vector_load %arg7[%get3A_1104] {strides = array<i32>} : memref<128xf32, #tpu.memory_space<vmem>>, vector<16xf32>,
      %get3A_1106 = arith.constant 96 : index
      %get3A_1107 = tpu.vector_load %arg8[%get3A_1106] {strides = array<i32>} : memref<128xi32, #tpu.memory_space<vmem>>, vector<16xi32>,
      %gt3A_1108 = arith.cmpf ogt, %get3A_1105, %select_n3A_1102 : vector<16xf32>
      %select_n3A_1109 = arith.select %gt3A_1108, %get3A_1105, %select_n3A_1102 : vector<16xi1>, vector<16xf32>
      %select_n3A_1110 = arith.select %gt3A_1108, %get3A_1107, %select_n3A_1103 : vector<16xi1>, vector<16xi32>
      %get3A_1111 = arith.constant 112 : index
      %get3A_1112 = tpu.vector_load %arg7[%get3A_1111] {strides = array<i32>} : memref<128xf32, #tpu.memory_space<vmem>>, vector<16xf32>,
      %get3A_1113 = arith.constant 112 : index
      %get3A_1114 = tpu.vector_load %arg8[%get3A_1113] {strides = array<i32>} : memref<128xi32, #tpu.memory_space<vmem>>, vector<16xi32>,
      %gt3A_1115 = arith.cmpf ogt, %get3A_1112, %select_n3A_1109 : vector<16xf32>
      %select_n3A_1116 = arith.select %gt3A_1115, %get3A_1112, %select_n3A_1109 : vector<16xi1>, vector<16xf32>
      %select_n3A_1117 = arith.select %gt3A_1115, %get3A_1114, %select_n3A_1110 : vector<16xi1>, vector<16xi32>
      %reduce_max3A_1118 = arith.constant true
      %reduce_max3A_1119 = vector.broadcast %reduce_max3A_1118 : i1 to vector<16xi1>
      %reduce_max3A_1120 = tpu.scan <max>, %select_n3A_1116 masked %reduce_max3A_1119 : vector<16xf32>, vector<16xi1> -> vector<16xf32>
      %reduce_max3A_1121 = vector.extract %reduce_max3A_1120[15] : f32 from vector<16xf32>
      %eq3A_1122 = vector.broadcast %reduce_max3A_1121 : f32 to vector<16xf32>
      %eq3A_1123 = arith.cmpf oeq, %select_n3A_1116, %eq3A_1122 : vector<16xf32>
      %jit3A_1124 = arith.constant 2048 : i32
      %broadcast_in_dim3A_1125 = vector.broadcast %jit3A_1124 : i32 to vector<16xi32>
      %select_n3A_1126 = arith.select %eq3A_1123, %select_n3A_1117, %broadcast_in_dim3A_1125 : vector<16xi1>, vector<16xi32>
      %reduce_min3A_1127 = arith.constant true
      %reduce_min3A_1128 = vector.broadcast %reduce_min3A_1127 : i1 to vector<16xi1>
      %reduce_min3A_1129 = arith.constant -2147483648 : i32
      %reduce_min3A_1130 = vector.broadcast %reduce_min3A_1129 : i32 to vector<16xi32>
      %reduce_min3A_1131 = arith.xori %select_n3A_1126, %reduce_min3A_1130 : vector<16xi32>
      %reduce_min3A_1132 = tpu.scan <min>, %reduce_min3A_1131 masked %reduce_min3A_1128 : vector<16xi32>, vector<16xi1> -> vector<16xi32>
      %reduce_min3A_1133 = arith.xori %reduce_min3A_1132, %reduce_min3A_1130 : vector<16xi32>
      %reduce_min3A_1134 = vector.extract %reduce_min3A_1133[15] : i32 from vector<16xi32>
      %eq3A_1135 = arith.constant 1 : i32
      %eq3A_1136 = vector.broadcast %eq3A_1135 : i32 to vector<16xi32>
      %eq3A_1137 = arith.cmpi eq, %iota3A, %eq3A_1136 : vector<16xi32>
      %broadcast_in_dim3A_1138 = vector.broadcast %reduce_min3A_1134 : i32 to vector<16xi32>
      %select_n3A_1139 = arith.select %eq3A_1137, %broadcast_in_dim3A_1138, %select_n3A_973 : vector<16xi1>, vector<16xi32>
      %eq3A_1140 = arith.constant 1 : i32
      %eq3A_1141 = vector.broadcast %eq3A_1140 : i32 to vector<16xi32>
      %eq3A_1142 = arith.cmpi eq, %iota3A, %eq3A_1141 : vector<16xi32>
      %broadcast_in_dim3A_1143 = vector.broadcast %reduce_max3A_1121 : f32 to vector<16xf32>
      %select_n3A_1144 = arith.select %eq3A_1142, %broadcast_in_dim3A_1143, %select_n3A_978 : vector<16xi1>, vector<16xf32>
      %get3A_1145 = arith.constant 0 : index
      %get3A_1146 = tpu.vector_load %arg7[%get3A_1145] {strides = array<i32>} : memref<128xf32, #tpu.memory_space<vmem>>, vector<16xf32>,
      %get3A_1147 = arith.constant 0 : index
      %get3A_1148 = tpu.vector_load %arg8[%get3A_1147] {strides = array<i32>} : memref<128xi32, #tpu.memory_space<vmem>>, vector<16xi32>,
      %eq3A_1149 = vector.broadcast %reduce_min3A_1134 : i32 to vector<16xi32>
      %eq3A_1150 = arith.cmpi eq, %get3A_1148, %eq3A_1149 : vector<16xi32>
      %broadcast_in_dim3A_1151 = vector.broadcast %cond3A : f32 to vector<16xf32>
      %select_n3A_1152 = arith.select %eq3A_1150, %broadcast_in_dim3A_1151, %get3A_1146 : vector<16xi1>, vector<16xf32>
      %swap3A_1153 = arith.constant 0 : index
      %swap3A_1154 = tpu.vector_load %arg7[%swap3A_1153] {strides = array<i32>} : memref<128xf32, #tpu.memory_space<vmem>>, vector<16xf32>,
      tpu.vector_store %arg7[%swap3A_1153], %select_n3A_1152 {strides = array<i32>} : memref<128xf32, #tpu.memory_space<vmem>>, vector<16xf32>,
      %get3A_1155 = arith.constant 16 : index
      %get3A_1156 = tpu.vector_load %arg7[%get3A_1155] {strides = array<i32>} : memref<128xf32, #tpu.memory_space<vmem>>, vector<16xf32>,
      %get3A_1157 = arith.constant 16 : index
      %get3A_1158 = tpu.vector_load %arg8[%get3A_1157] {strides = array<i32>} : memref<128xi32, #tpu.memory_space<vmem>>, vector<16xi32>,
      %eq3A_1159 = vector.broadcast %reduce_min3A_1134 : i32 to vector<16xi32>
      %eq3A_1160 = arith.cmpi eq, %get3A_1158, %eq3A_1159 : vector<16xi32>
      %broadcast_in_dim3A_1161 = vector.broadcast %cond3A : f32 to vector<16xf32>
      %select_n3A_1162 = arith.select %eq3A_1160, %broadcast_in_dim3A_1161, %get3A_1156 : vector<16xi1>, vector<16xf32>
      %swap3A_1163 = arith.constant 16 : index
      %swap3A_1164 = tpu.vector_load %arg7[%swap3A_1163] {strides = array<i32>} : memref<128xf32, #tpu.memory_space<vmem>>, vector<16xf32>,
      tpu.vector_store %arg7[%swap3A_1163], %select_n3A_1162 {strides = array<i32>} : memref<128xf32, #tpu.memory_space<vmem>>, vector<16xf32>,
      %get3A_1165 = arith.constant 32 : index
      %get3A_1166 = tpu.vector_load %arg7[%get3A_1165] {strides = array<i32>} : memref<128xf32, #tpu.memory_space<vmem>>, vector<16xf32>,
      %get3A_1167 = arith.constant 32 : index
      %get3A_1168 = tpu.vector_load %arg8[%get3A_1167] {strides = array<i32>} : memref<128xi32, #tpu.memory_space<vmem>>, vector<16xi32>,
      %eq3A_1169 = vector.broadcast %reduce_min3A_1134 : i32 to vector<16xi32>
      %eq3A_1170 = arith.cmpi eq, %get3A_1168, %eq3A_1169 : vector<16xi32>
      %broadcast_in_dim3A_1171 = vector.broadcast %cond3A : f32 to vector<16xf32>
      %select_n3A_1172 = arith.select %eq3A_1170, %broadcast_in_dim3A_1171, %get3A_1166 : vector<16xi1>, vector<16xf32>
      %swap3A_1173 = arith.constant 32 : index
      %swap3A_1174 = tpu.vector_load %arg7[%swap3A_1173] {strides = array<i32>} : memref<128xf32, #tpu.memory_space<vmem>>, vector<16xf32>,
      tpu.vector_store %arg7[%swap3A_1173], %select_n3A_1172 {strides = array<i32>} : memref<128xf32, #tpu.memory_space<vmem>>, vector<16xf32>,
      %get3A_1175 = arith.constant 48 : index
      %get3A_1176 = tpu.vector_load %arg7[%get3A_1175] {strides = array<i32>} : memref<128xf32, #tpu.memory_space<vmem>>, vector<16xf32>,
      %get3A_1177 = arith.constant 48 : index
      %get3A_1178 = tpu.vector_load %arg8[%get3A_1177] {strides = array<i32>} : memref<128xi32, #tpu.memory_space<vmem>>, vector<16xi32>,
      %eq3A_1179 = vector.broadcast %reduce_min3A_1134 : i32 to vector<16xi32>
      %eq3A_1180 = arith.cmpi eq, %get3A_1178, %eq3A_1179 : vector<16xi32>
      %broadcast_in_dim3A_1181 = vector.broadcast %cond3A : f32 to vector<16xf32>
      %select_n3A_1182 = arith.select %eq3A_1180, %broadcast_in_dim3A_1181, %get3A_1176 : vector<16xi1>, vector<16xf32>
      %swap3A_1183 = arith.constant 48 : index
      %swap3A_1184 = tpu.vector_load %arg7[%swap3A_1183] {strides = array<i32>} : memref<128xf32, #tpu.memory_space<vmem>>, vector<16xf32>,
      tpu.vector_store %arg7[%swap3A_1183], %select_n3A_1182 {strides = array<i32>} : memref<128xf32, #tpu.memory_space<vmem>>, vector<16xf32>,
      %get3A_1185 = arith.constant 64 : index
      %get3A_1186 = tpu.vector_load %arg7[%get3A_1185] {strides = array<i32>} : memref<128xf32, #tpu.memory_space<vmem>>, vector<16xf32>,
      %get3A_1187 = arith.constant 64 : index
      %get3A_1188 = tpu.vector_load %arg8[%get3A_1187] {strides = array<i32>} : memref<128xi32, #tpu.memory_space<vmem>>, vector<16xi32>,
      %eq3A_1189 = vector.broadcast %reduce_min3A_1134 : i32 to vector<16xi32>
      %eq3A_1190 = arith.cmpi eq, %get3A_1188, %eq3A_1189 : vector<16xi32>
      %broadcast_in_dim3A_1191 = vector.broadcast %cond3A : f32 to vector<16xf32>
      %select_n3A_1192 = arith.select %eq3A_1190, %broadcast_in_dim3A_1191, %get3A_1186 : vector<16xi1>, vector<16xf32>
      %swap3A_1193 = arith.constant 64 : index
      %swap3A_1194 = tpu.vector_load %arg7[%swap3A_1193] {strides = array<i32>} : memref<128xf32, #tpu.memory_space<vmem>>, vector<16xf32>,
      tpu.vector_store %arg7[%swap3A_1193], %select_n3A_1192 {strides = array<i32>} : memref<128xf32, #tpu.memory_space<vmem>>, vector<16xf32>,
      %get3A_1195 = arith.constant 80 : index
      %get3A_1196 = tpu.vector_load %arg7[%get3A_1195] {strides = array<i32>} : memref<128xf32, #tpu.memory_space<vmem>>, vector<16xf32>,
      %get3A_1197 = arith.constant 80 : index
      %get3A_1198 = tpu.vector_load %arg8[%get3A_1197] {strides = array<i32>} : memref<128xi32, #tpu.memory_space<vmem>>, vector<16xi32>,
      %eq3A_1199 = vector.broadcast %reduce_min3A_1134 : i32 to vector<16xi32>
      %eq3A_1200 = arith.cmpi eq, %get3A_1198, %eq3A_1199 : vector<16xi32>
      %broadcast_in_dim3A_1201 = vector.broadcast %cond3A : f32 to vector<16xf32>
      %select_n3A_1202 = arith.select %eq3A_1200, %broadcast_in_dim3A_1201, %get3A_1196 : vector<16xi1>, vector<16xf32>
      %swap3A_1203 = arith.constant 80 : index
      %swap3A_1204 = tpu.vector_load %arg7[%swap3A_1203] {strides = array<i32>} : memref<128xf32, #tpu.memory_space<vmem>>, vector<16xf32>,
      tpu.vector_store %arg7[%swap3A_1203], %select_n3A_1202 {strides = array<i32>} : memref<128xf32, #tpu.memory_space<vmem>>, vector<16xf32>,
      %get3A_1205 = arith.constant 96 : index
      %get3A_1206 = tpu.vector_load %arg7[%get3A_1205] {strides = array<i32>} : memref<128xf32, #tpu.memory_space<vmem>>, vector<16xf32>,
      %get3A_1207 = arith.constant 96 : index
      %get3A_1208 = tpu.vector_load %arg8[%get3A_1207] {strides = array<i32>} : memref<128xi32, #tpu.memory_space<vmem>>, vector<16xi32>,
      %eq3A_1209 = vector.broadcast %reduce_min3A_1134 : i32 to vector<16xi32>
      %eq3A_1210 = arith.cmpi eq, %get3A_1208, %eq3A_1209 : vector<16xi32>
      %broadcast_in_dim3A_1211 = vector.broadcast %cond3A : f32 to vector<16xf32>
      %select_n3A_1212 = arith.select %eq3A_1210, %broadcast_in_dim3A_1211, %get3A_1206 : vector<16xi1>, vector<16xf32>
      %swap3A_1213 = arith.constant 96 : index
      %swap3A_1214 = tpu.vector_load %arg7[%swap3A_1213] {strides = array<i32>} : memref<128xf32, #tpu.memory_space<vmem>>, vector<16xf32>,
      tpu.vector_store %arg7[%swap3A_1213], %select_n3A_1212 {strides = array<i32>} : memref<128xf32, #tpu.memory_space<vmem>>, vector<16xf32>,
      %get3A_1215 = arith.constant 112 : index
      %get3A_1216 = tpu.vector_load %arg7[%get3A_1215] {strides = array<i32>} : memref<128xf32, #tpu.memory_space<vmem>>, vector<16xf32>,
      %get3A_1217 = arith.constant 112 : index
      %get3A_1218 = tpu.vector_load %arg8[%get3A_1217] {strides = array<i32>} : memref<128xi32, #tpu.memory_space<vmem>>, vector<16xi32>,
      %eq3A_1219 = vector.broadcast %reduce_min3A_1134 : i32 to vector<16xi32>
      %eq3A_1220 = arith.cmpi eq, %get3A_1218, %eq3A_1219 : vector<16xi32>
      %broadcast_in_dim3A_1221 = vector.broadcast %cond3A : f32 to vector<16xf32>
      %select_n3A_1222 = arith.select %eq3A_1220, %broadcast_in_dim3A_1221, %get3A_1216 : vector<16xi1>, vector<16xf32>
      %swap3A_1223 = arith.constant 112 : index
      %swap3A_1224 = tpu.vector_load %arg7[%swap3A_1223] {strides = array<i32>} : memref<128xf32, #tpu.memory_space<vmem>>, vector<16xf32>,
      tpu.vector_store %arg7[%swap3A_1223], %select_n3A_1222 {strides = array<i32>} : memref<128xf32, #tpu.memory_space<vmem>>, vector<16xf32>,
      %broadcast_in_dim3A_1225 = vector.broadcast %cond3A : f32 to vector<16xf32>
      %broadcast_in_dim3A_1226 = arith.constant 0 : i32
      %broadcast_in_dim3A_1227 = vector.broadcast %broadcast_in_dim3A_1226 : i32 to vector<16xi32>
      %get3A_1228 = arith.constant 0 : index
      %get3A_1229 = tpu.vector_load %arg7[%get3A_1228] {strides = array<i32>} : memref<128xf32, #tpu.memory_space<vmem>>, vector<16xf32>,
      %get3A_1230 = arith.constant 0 : index
      %get3A_1231 = tpu.vector_load %arg8[%get3A_1230] {strides = array<i32>} : memref<128xi32, #tpu.memory_space<vmem>>, vector<16xi32>,
      %gt3A_1232 = arith.cmpf ogt, %get3A_1229, %broadcast_in_dim3A_1225 : vector<16xf32>
      %select_n3A_1233 = arith.select %gt3A_1232, %get3A_1229, %broadcast_in_dim3A_1225 : vector<16xi1>, vector<16xf32>
      %select_n3A_1234 = arith.select %gt3A_1232, %get3A_1231, %broadcast_in_dim3A_1227 : vector<16xi1>, vector<16xi32>
      %get3A_1235 = arith.constant 16 : index
      %get3A_1236 = tpu.vector_load %arg7[%get3A_1235] {strides = array<i32>} : memref<128xf32, #tpu.memory_space<vmem>>, vector<16xf32>,
      %get3A_1237 = arith.constant 16 : index
      %get3A_1238 = tpu.vector_load %arg8[%get3A_1237] {strides = array<i32>} : memref<128xi32, #tpu.memory_space<vmem>>, vector<16xi32>,
      %gt3A_1239 = arith.cmpf ogt, %get3A_1236, %select_n3A_1233 : vector<16xf32>
      %select_n3A_1240 = arith.select %gt3A_1239, %get3A_1236, %select_n3A_1233 : vector<16xi1>, vector<16xf32>
      %select_n3A_1241 = arith.select %gt3A_1239, %get3A_1238, %select_n3A_1234 : vector<16xi1>, vector<16xi32>
      %get3A_1242 = arith.constant 32 : index
      %get3A_1243 = tpu.vector_load %arg7[%get3A_1242] {strides = array<i32>} : memref<128xf32, #tpu.memory_space<vmem>>, vector<16xf32>,
      %get3A_1244 = arith.constant 32 : index
      %get3A_1245 = tpu.vector_load %arg8[%get3A_1244] {strides = array<i32>} : memref<128xi32, #tpu.memory_space<vmem>>, vector<16xi32>,
      %gt3A_1246 = arith.cmpf ogt, %get3A_1243, %select_n3A_1240 : vector<16xf32>
      %select_n3A_1247 = arith.select %gt3A_1246, %get3A_1243, %select_n3A_1240 : vector<16xi1>, vector<16xf32>
      %select_n3A_1248 = arith.select %gt3A_1246, %get3A_1245, %select_n3A_1241 : vector<16xi1>, vector<16xi32>
      %get3A_1249 = arith.constant 48 : index
      %get3A_1250 = tpu.vector_load %arg7[%get3A_1249] {strides = array<i32>} : memref<128xf32, #tpu.memory_space<vmem>>, vector<16xf32>,
      %get3A_1251 = arith.constant 48 : index
      %get3A_1252 = tpu.vector_load %arg8[%get3A_1251] {strides = array<i32>} : memref<128xi32, #tpu.memory_space<vmem>>, vector<16xi32>,
      %gt3A_1253 = arith.cmpf ogt, %get3A_1250, %select_n3A_1247 : vector<16xf32>
      %select_n3A_1254 = arith.select %gt3A_1253, %get3A_1250, %select_n3A_1247 : vector<16xi1>, vector<16xf32>
      %select_n3A_1255 = arith.select %gt3A_1253, %get3A_1252, %select_n3A_1248 : vector<16xi1>, vector<16xi32>
      %get3A_1256 = arith.constant 64 : index
      %get3A_1257 = tpu.vector_load %arg7[%get3A_1256] {strides = array<i32>} : memref<128xf32, #tpu.memory_space<vmem>>, vector<16xf32>,
      %get3A_1258 = arith.constant 64 : index
      %get3A_1259 = tpu.vector_load %arg8[%get3A_1258] {strides = array<i32>} : memref<128xi32, #tpu.memory_space<vmem>>, vector<16xi32>,
      %gt3A_1260 = arith.cmpf ogt, %get3A_1257, %select_n3A_1254 : vector<16xf32>
      %select_n3A_1261 = arith.select %gt3A_1260, %get3A_1257, %select_n3A_1254 : vector<16xi1>, vector<16xf32>
      %select_n3A_1262 = arith.select %gt3A_1260, %get3A_1259, %select_n3A_1255 : vector<16xi1>, vector<16xi32>
      %get3A_1263 = arith.constant 80 : index
      %get3A_1264 = tpu.vector_load %arg7[%get3A_1263] {strides = array<i32>} : memref<128xf32, #tpu.memory_space<vmem>>, vector<16xf32>,
      %get3A_1265 = arith.constant 80 : index
      %get3A_1266 = tpu.vector_load %arg8[%get3A_1265] {strides = array<i32>} : memref<128xi32, #tpu.memory_space<vmem>>, vector<16xi32>,
      %gt3A_1267 = arith.cmpf ogt, %get3A_1264, %select_n3A_1261 : vector<16xf32>
      %select_n3A_1268 = arith.select %gt3A_1267, %get3A_1264, %select_n3A_1261 : vector<16xi1>, vector<16xf32>
      %select_n3A_1269 = arith.select %gt3A_1267, %get3A_1266, %select_n3A_1262 : vector<16xi1>, vector<16xi32>
      %get3A_1270 = arith.constant 96 : index
      %get3A_1271 = tpu.vector_load %arg7[%get3A_1270] {strides = array<i32>} : memref<128xf32, #tpu.memory_space<vmem>>, vector<16xf32>,
      %get3A_1272 = arith.constant 96 : index
      %get3A_1273 = tpu.vector_load %arg8[%get3A_1272] {strides = array<i32>} : memref<128xi32, #tpu.memory_space<vmem>>, vector<16xi32>,
      %gt3A_1274 = arith.cmpf ogt, %get3A_1271, %select_n3A_1268 : vector<16xf32>
      %select_n3A_1275 = arith.select %gt3A_1274, %get3A_1271, %select_n3A_1268 : vector<16xi1>, vector<16xf32>
      %select_n3A_1276 = arith.select %gt3A_1274, %get3A_1273, %select_n3A_1269 : vector<16xi1>, vector<16xi32>
      %get3A_1277 = arith.constant 112 : index
      %get3A_1278 = tpu.vector_load %arg7[%get3A_1277] {strides = array<i32>} : memref<128xf32, #tpu.memory_space<vmem>>, vector<16xf32>,
      %get3A_1279 = arith.constant 112 : index
      %get3A_1280 = tpu.vector_load %arg8[%get3A_1279] {strides = array<i32>} : memref<128xi32, #tpu.memory_space<vmem>>, vector<16xi32>,
      %gt3A_1281 = arith.cmpf ogt, %get3A_1278, %select_n3A_1275 : vector<16xf32>
      %select_n3A_1282 = arith.select %gt3A_1281, %get3A_1278, %select_n3A_1275 : vector<16xi1>, vector<16xf32>
      %select_n3A_1283 = arith.select %gt3A_1281, %get3A_1280, %select_n3A_1276 : vector<16xi1>, vector<16xi32>
      %reduce_max3A_1284 = arith.constant true
      %reduce_max3A_1285 = vector.broadcast %reduce_max3A_1284 : i1 to vector<16xi1>
      %reduce_max3A_1286 = tpu.scan <max>, %select_n3A_1282 masked %reduce_max3A_1285 : vector<16xf32>, vector<16xi1> -> vector<16xf32>
      %reduce_max3A_1287 = vector.extract %reduce_max3A_1286[15] : f32 from vector<16xf32>
      %eq3A_1288 = vector.broadcast %reduce_max3A_1287 : f32 to vector<16xf32>
      %eq3A_1289 = arith.cmpf oeq, %select_n3A_1282, %eq3A_1288 : vector<16xf32>
      %jit3A_1290 = arith.constant 2048 : i32
      %broadcast_in_dim3A_1291 = vector.broadcast %jit3A_1290 : i32 to vector<16xi32>
      %select_n3A_1292 = arith.select %eq3A_1289, %select_n3A_1283, %broadcast_in_dim3A_1291 : vector<16xi1>, vector<16xi32>
      %reduce_min3A_1293 = arith.constant true
      %reduce_min3A_1294 = vector.broadcast %reduce_min3A_1293 : i1 to vector<16xi1>
      %reduce_min3A_1295 = arith.constant -2147483648 : i32
      %reduce_min3A_1296 = vector.broadcast %reduce_min3A_1295 : i32 to vector<16xi32>
      %reduce_min3A_1297 = arith.xori %select_n3A_1292, %reduce_min3A_1296 : vector<16xi32>
      %reduce_min3A_1298 = tpu.scan <min>, %reduce_min3A_1297 masked %reduce_min3A_1294 : vector<16xi32>, vector<16xi1> -> vector<16xi32>
      %reduce_min3A_1299 = arith.xori %reduce_min3A_1298, %reduce_min3A_1296 : vector<16xi32>
      %reduce_min3A_1300 = vector.extract %reduce_min3A_1299[15] : i32 from vector<16xi32>
      %eq3A_1301 = arith.constant 2 : i32
      %eq3A_1302 = vector.broadcast %eq3A_1301 : i32 to vector<16xi32>
      %eq3A_1303 = arith.cmpi eq, %iota3A, %eq3A_1302 : vector<16xi32>
      %broadcast_in_dim3A_1304 = vector.broadcast %reduce_min3A_1300 : i32 to vector<16xi32>
      %select_n3A_1305 = arith.select %eq3A_1303, %broadcast_in_dim3A_1304, %select_n3A_1139 : vector<16xi1>, vector<16xi32>
      %eq3A_1306 = arith.constant 2 : i32
      %eq3A_1307 = vector.broadcast %eq3A_1306 : i32 to vector<16xi32>
      %eq3A_1308 = arith.cmpi eq, %iota3A, %eq3A_1307 : vector<16xi32>
      %broadcast_in_dim3A_1309 = vector.broadcast %reduce_max3A_1287 : f32 to vector<16xf32>
      %select_n3A_1310 = arith.select %eq3A_1308, %broadcast_in_dim3A_1309, %select_n3A_1144 : vector<16xi1>, vector<16xf32>
      %get3A_1311 = arith.constant 0 : index
      %get3A_1312 = tpu.vector_load %arg7[%get3A_1311] {strides = array<i32>} : memref<128xf32, #tpu.memory_space<vmem>>, vector<16xf32>,
      %get3A_1313 = arith.constant 0 : index
      %get3A_1314 = tpu.vector_load %arg8[%get3A_1313] {strides = array<i32>} : memref<128xi32, #tpu.memory_space<vmem>>, vector<16xi32>,
      %eq3A_1315 = vector.broadcast %reduce_min3A_1300 : i32 to vector<16xi32>
      %eq3A_1316 = arith.cmpi eq, %get3A_1314, %eq3A_1315 : vector<16xi32>
      %broadcast_in_dim3A_1317 = vector.broadcast %cond3A : f32 to vector<16xf32>
      %select_n3A_1318 = arith.select %eq3A_1316, %broadcast_in_dim3A_1317, %get3A_1312 : vector<16xi1>, vector<16xf32>
      %swap3A_1319 = arith.constant 0 : index
      %swap3A_1320 = tpu.vector_load %arg7[%swap3A_1319] {strides = array<i32>} : memref<128xf32, #tpu.memory_space<vmem>>, vector<16xf32>,
      tpu.vector_store %arg7[%swap3A_1319], %select_n3A_1318 {strides = array<i32>} : memref<128xf32, #tpu.memory_space<vmem>>, vector<16xf32>,
      %get3A_1321 = arith.constant 16 : index
      %get3A_1322 = tpu.vector_load %arg7[%get3A_1321] {strides = array<i32>} : memref<128xf32, #tpu.memory_space<vmem>>, vector<16xf32>,
      %get3A_1323 = arith.constant 16 : index
      %get3A_1324 = tpu.vector_load %arg8[%get3A_1323] {strides = array<i32>} : memref<128xi32, #tpu.memory_space<vmem>>, vector<16xi32>,
      %eq3A_1325 = vector.broadcast %reduce_min3A_1300 : i32 to vector<16xi32>
      %eq3A_1326 = arith.cmpi eq, %get3A_1324, %eq3A_1325 : vector<16xi32>
      %broadcast_in_dim3A_1327 = vector.broadcast %cond3A : f32 to vector<16xf32>
      %select_n3A_1328 = arith.select %eq3A_1326, %broadcast_in_dim3A_1327, %get3A_1322 : vector<16xi1>, vector<16xf32>
      %swap3A_1329 = arith.constant 16 : index
      %swap3A_1330 = tpu.vector_load %arg7[%swap3A_1329] {strides = array<i32>} : memref<128xf32, #tpu.memory_space<vmem>>, vector<16xf32>,
      tpu.vector_store %arg7[%swap3A_1329], %select_n3A_1328 {strides = array<i32>} : memref<128xf32, #tpu.memory_space<vmem>>, vector<16xf32>,
      %get3A_1331 = arith.constant 32 : index
      %get3A_1332 = tpu.vector_load %arg7[%get3A_1331] {strides = array<i32>} : memref<128xf32, #tpu.memory_space<vmem>>, vector<16xf32>,
      %get3A_1333 = arith.constant 32 : index
      %get3A_1334 = tpu.vector_load %arg8[%get3A_1333] {strides = array<i32>} : memref<128xi32, #tpu.memory_space<vmem>>, vector<16xi32>,
      %eq3A_1335 = vector.broadcast %reduce_min3A_1300 : i32 to vector<16xi32>
      %eq3A_1336 = arith.cmpi eq, %get3A_1334, %eq3A_1335 : vector<16xi32>
      %broadcast_in_dim3A_1337 = vector.broadcast %cond3A : f32 to vector<16xf32>
      %select_n3A_1338 = arith.select %eq3A_1336, %broadcast_in_dim3A_1337, %get3A_1332 : vector<16xi1>, vector<16xf32>
      %swap3A_1339 = arith.constant 32 : index
      %swap3A_1340 = tpu.vector_load %arg7[%swap3A_1339] {strides = array<i32>} : memref<128xf32, #tpu.memory_space<vmem>>, vector<16xf32>,
      tpu.vector_store %arg7[%swap3A_1339], %select_n3A_1338 {strides = array<i32>} : memref<128xf32, #tpu.memory_space<vmem>>, vector<16xf32>,
      %get3A_1341 = arith.constant 48 : index
      %get3A_1342 = tpu.vector_load %arg7[%get3A_1341] {strides = array<i32>} : memref<128xf32, #tpu.memory_space<vmem>>, vector<16xf32>,
      %get3A_1343 = arith.constant 48 : index
      %get3A_1344 = tpu.vector_load %arg8[%get3A_1343] {strides = array<i32>} : memref<128xi32, #tpu.memory_space<vmem>>, vector<16xi32>,
      %eq3A_1345 = vector.broadcast %reduce_min3A_1300 : i32 to vector<16xi32>
      %eq3A_1346 = arith.cmpi eq, %get3A_1344, %eq3A_1345 : vector<16xi32>
      %broadcast_in_dim3A_1347 = vector.broadcast %cond3A : f32 to vector<16xf32>
      %select_n3A_1348 = arith.select %eq3A_1346, %broadcast_in_dim3A_1347, %get3A_1342 : vector<16xi1>, vector<16xf32>
      %swap3A_1349 = arith.constant 48 : index
      %swap3A_1350 = tpu.vector_load %arg7[%swap3A_1349] {strides = array<i32>} : memref<128xf32, #tpu.memory_space<vmem>>, vector<16xf32>,
      tpu.vector_store %arg7[%swap3A_1349], %select_n3A_1348 {strides = array<i32>} : memref<128xf32, #tpu.memory_space<vmem>>, vector<16xf32>,
      %get3A_1351 = arith.constant 64 : index
      %get3A_1352 = tpu.vector_load %arg7[%get3A_1351] {strides = array<i32>} : memref<128xf32, #tpu.memory_space<vmem>>, vector<16xf32>,
      %get3A_1353 = arith.constant 64 : index
      %get3A_1354 = tpu.vector_load %arg8[%get3A_1353] {strides = array<i32>} : memref<128xi32, #tpu.memory_space<vmem>>, vector<16xi32>,
      %eq3A_1355 = vector.broadcast %reduce_min3A_1300 : i32 to vector<16xi32>
      %eq3A_1356 = arith.cmpi eq, %get3A_1354, %eq3A_1355 : vector<16xi32>
      %broadcast_in_dim3A_1357 = vector.broadcast %cond3A : f32 to vector<16xf32>
      %select_n3A_1358 = arith.select %eq3A_1356, %broadcast_in_dim3A_1357, %get3A_1352 : vector<16xi1>, vector<16xf32>
      %swap3A_1359 = arith.constant 64 : index
      %swap3A_1360 = tpu.vector_load %arg7[%swap3A_1359] {strides = array<i32>} : memref<128xf32, #tpu.memory_space<vmem>>, vector<16xf32>,
      tpu.vector_store %arg7[%swap3A_1359], %select_n3A_1358 {strides = array<i32>} : memref<128xf32, #tpu.memory_space<vmem>>, vector<16xf32>,
      %get3A_1361 = arith.constant 80 : index
      %get3A_1362 = tpu.vector_load %arg7[%get3A_1361] {strides = array<i32>} : memref<128xf32, #tpu.memory_space<vmem>>, vector<16xf32>,
      %get3A_1363 = arith.constant 80 : index
      %get3A_1364 = tpu.vector_load %arg8[%get3A_1363] {strides = array<i32>} : memref<128xi32, #tpu.memory_space<vmem>>, vector<16xi32>,
      %eq3A_1365 = vector.broadcast %reduce_min3A_1300 : i32 to vector<16xi32>
      %eq3A_1366 = arith.cmpi eq, %get3A_1364, %eq3A_1365 : vector<16xi32>
      %broadcast_in_dim3A_1367 = vector.broadcast %cond3A : f32 to vector<16xf32>
      %select_n3A_1368 = arith.select %eq3A_1366, %broadcast_in_dim3A_1367, %get3A_1362 : vector<16xi1>, vector<16xf32>
      %swap3A_1369 = arith.constant 80 : index
      %swap3A_1370 = tpu.vector_load %arg7[%swap3A_1369] {strides = array<i32>} : memref<128xf32, #tpu.memory_space<vmem>>, vector<16xf32>,
      tpu.vector_store %arg7[%swap3A_1369], %select_n3A_1368 {strides = array<i32>} : memref<128xf32, #tpu.memory_space<vmem>>, vector<16xf32>,
      %get3A_1371 = arith.constant 96 : index
      %get3A_1372 = tpu.vector_load %arg7[%get3A_1371] {strides = array<i32>} : memref<128xf32, #tpu.memory_space<vmem>>, vector<16xf32>,
      %get3A_1373 = arith.constant 96 : index
      %get3A_1374 = tpu.vector_load %arg8[%get3A_1373] {strides = array<i32>} : memref<128xi32, #tpu.memory_space<vmem>>, vector<16xi32>,
      %eq3A_1375 = vector.broadcast %reduce_min3A_1300 : i32 to vector<16xi32>
      %eq3A_1376 = arith.cmpi eq, %get3A_1374, %eq3A_1375 : vector<16xi32>
      %broadcast_in_dim3A_1377 = vector.broadcast %cond3A : f32 to vector<16xf32>
      %select_n3A_1378 = arith.select %eq3A_1376, %broadcast_in_dim3A_1377, %get3A_1372 : vector<16xi1>, vector<16xf32>
      %swap3A_1379 = arith.constant 96 : index
      %swap3A_1380 = tpu.vector_load %arg7[%swap3A_1379] {strides = array<i32>} : memref<128xf32, #tpu.memory_space<vmem>>, vector<16xf32>,
      tpu.vector_store %arg7[%swap3A_1379], %select_n3A_1378 {strides = array<i32>} : memref<128xf32, #tpu.memory_space<vmem>>, vector<16xf32>,
      %get3A_1381 = arith.constant 112 : index
      %get3A_1382 = tpu.vector_load %arg7[%get3A_1381] {strides = array<i32>} : memref<128xf32, #tpu.memory_space<vmem>>, vector<16xf32>,
      %get3A_1383 = arith.constant 112 : index
      %get3A_1384 = tpu.vector_load %arg8[%get3A_1383] {strides = array<i32>} : memref<128xi32, #tpu.memory_space<vmem>>, vector<16xi32>,
      %eq3A_1385 = vector.broadcast %reduce_min3A_1300 : i32 to vector<16xi32>
      %eq3A_1386 = arith.cmpi eq, %get3A_1384, %eq3A_1385 : vector<16xi32>
      %broadcast_in_dim3A_1387 = vector.broadcast %cond3A : f32 to vector<16xf32>
      %select_n3A_1388 = arith.select %eq3A_1386, %broadcast_in_dim3A_1387, %get3A_1382 : vector<16xi1>, vector<16xf32>
      %swap3A_1389 = arith.constant 112 : index
      %swap3A_1390 = tpu.vector_load %arg7[%swap3A_1389] {strides = array<i32>} : memref<128xf32, #tpu.memory_space<vmem>>, vector<16xf32>,
      tpu.vector_store %arg7[%swap3A_1389], %select_n3A_1388 {strides = array<i32>} : memref<128xf32, #tpu.memory_space<vmem>>, vector<16xf32>,
      %broadcast_in_dim3A_1391 = vector.broadcast %cond3A : f32 to vector<16xf32>
      %broadcast_in_dim3A_1392 = arith.constant 0 : i32
      %broadcast_in_dim3A_1393 = vector.broadcast %broadcast_in_dim3A_1392 : i32 to vector<16xi32>
      %get3A_1394 = arith.constant 0 : index
      %get3A_1395 = tpu.vector_load %arg7[%get3A_1394] {strides = array<i32>} : memref<128xf32, #tpu.memory_space<vmem>>, vector<16xf32>,
      %get3A_1396 = arith.constant 0 : index
      %get3A_1397 = tpu.vector_load %arg8[%get3A_1396] {strides = array<i32>} : memref<128xi32, #tpu.memory_space<vmem>>, vector<16xi32>,
      %gt3A_1398 = arith.cmpf ogt, %get3A_1395, %broadcast_in_dim3A_1391 : vector<16xf32>
      %select_n3A_1399 = arith.select %gt3A_1398, %get3A_1395, %broadcast_in_dim3A_1391 : vector<16xi1>, vector<16xf32>
      %select_n3A_1400 = arith.select %gt3A_1398, %get3A_1397, %broadcast_in_dim3A_1393 : vector<16xi1>, vector<16xi32>
      %get3A_1401 = arith.constant 16 : index
      %get3A_1402 = tpu.vector_load %arg7[%get3A_1401] {strides = array<i32>} : memref<128xf32, #tpu.memory_space<vmem>>, vector<16xf32>,
      %get3A_1403 = arith.constant 16 : index
      %get3A_1404 = tpu.vector_load %arg8[%get3A_1403] {strides = array<i32>} : memref<128xi32, #tpu.memory_space<vmem>>, vector<16xi32>,
      %gt3A_1405 = arith.cmpf ogt, %get3A_1402, %select_n3A_1399 : vector<16xf32>
      %select_n3A_1406 = arith.select %gt3A_1405, %get3A_1402, %select_n3A_1399 : vector<16xi1>, vector<16xf32>
      %select_n3A_1407 = arith.select %gt3A_1405, %get3A_1404, %select_n3A_1400 : vector<16xi1>, vector<16xi32>
      %get3A_1408 = arith.constant 32 : index
      %get3A_1409 = tpu.vector_load %arg7[%get3A_1408] {strides = array<i32>} : memref<128xf32, #tpu.memory_space<vmem>>, vector<16xf32>,
      %get3A_1410 = arith.constant 32 : index
      %get3A_1411 = tpu.vector_load %arg8[%get3A_1410] {strides = array<i32>} : memref<128xi32, #tpu.memory_space<vmem>>, vector<16xi32>,
      %gt3A_1412 = arith.cmpf ogt, %get3A_1409, %select_n3A_1406 : vector<16xf32>
      %select_n3A_1413 = arith.select %gt3A_1412, %get3A_1409, %select_n3A_1406 : vector<16xi1>, vector<16xf32>
      %select_n3A_1414 = arith.select %gt3A_1412, %get3A_1411, %select_n3A_1407 : vector<16xi1>, vector<16xi32>
      %get3A_1415 = arith.constant 48 : index
      %get3A_1416 = tpu.vector_load %arg7[%get3A_1415] {strides = array<i32>} : memref<128xf32, #tpu.memory_space<vmem>>, vector<16xf32>,
      %get3A_1417 = arith.constant 48 : index
      %get3A_1418 = tpu.vector_load %arg8[%get3A_1417] {strides = array<i32>} : memref<128xi32, #tpu.memory_space<vmem>>, vector<16xi32>,
      %gt3A_1419 = arith.cmpf ogt, %get3A_1416, %select_n3A_1413 : vector<16xf32>
      %select_n3A_1420 = arith.select %gt3A_1419, %get3A_1416, %select_n3A_1413 : vector<16xi1>, vector<16xf32>
      %select_n3A_1421 = arith.select %gt3A_1419, %get3A_1418, %select_n3A_1414 : vector<16xi1>, vector<16xi32>
      %get3A_1422 = arith.constant 64 : index
      %get3A_1423 = tpu.vector_load %arg7[%get3A_1422] {strides = array<i32>} : memref<128xf32, #tpu.memory_space<vmem>>, vector<16xf32>,
      %get3A_1424 = arith.constant 64 : index
      %get3A_1425 = tpu.vector_load %arg8[%get3A_1424] {strides = array<i32>} : memref<128xi32, #tpu.memory_space<vmem>>, vector<16xi32>,
      %gt3A_1426 = arith.cmpf ogt, %get3A_1423, %select_n3A_1420 : vector<16xf32>
      %select_n3A_1427 = arith.select %gt3A_1426, %get3A_1423, %select_n3A_1420 : vector<16xi1>, vector<16xf32>
      %select_n3A_1428 = arith.select %gt3A_1426, %get3A_1425, %select_n3A_1421 : vector<16xi1>, vector<16xi32>
      %get3A_1429 = arith.constant 80 : index
      %get3A_1430 = tpu.vector_load %arg7[%get3A_1429] {strides = array<i32>} : memref<128xf32, #tpu.memory_space<vmem>>, vector<16xf32>,
      %get3A_1431 = arith.constant 80 : index
      %get3A_1432 = tpu.vector_load %arg8[%get3A_1431] {strides = array<i32>} : memref<128xi32, #tpu.memory_space<vmem>>, vector<16xi32>,
      %gt3A_1433 = arith.cmpf ogt, %get3A_1430, %select_n3A_1427 : vector<16xf32>
      %select_n3A_1434 = arith.select %gt3A_1433, %get3A_1430, %select_n3A_1427 : vector<16xi1>, vector<16xf32>
      %select_n3A_1435 = arith.select %gt3A_1433, %get3A_1432, %select_n3A_1428 : vector<16xi1>, vector<16xi32>
      %get3A_1436 = arith.constant 96 : index
      %get3A_1437 = tpu.vector_load %arg7[%get3A_1436] {strides = array<i32>} : memref<128xf32, #tpu.memory_space<vmem>>, vector<16xf32>,
      %get3A_1438 = arith.constant 96 : index
      %get3A_1439 = tpu.vector_load %arg8[%get3A_1438] {strides = array<i32>} : memref<128xi32, #tpu.memory_space<vmem>>, vector<16xi32>,
      %gt3A_1440 = arith.cmpf ogt, %get3A_1437, %select_n3A_1434 : vector<16xf32>
      %select_n3A_1441 = arith.select %gt3A_1440, %get3A_1437, %select_n3A_1434 : vector<16xi1>, vector<16xf32>
      %select_n3A_1442 = arith.select %gt3A_1440, %get3A_1439, %select_n3A_1435 : vector<16xi1>, vector<16xi32>
      %get3A_1443 = arith.constant 112 : index
      %get3A_1444 = tpu.vector_load %arg7[%get3A_1443] {strides = array<i32>} : memref<128xf32, #tpu.memory_space<vmem>>, vector<16xf32>,
      %get3A_1445 = arith.constant 112 : index
      %get3A_1446 = tpu.vector_load %arg8[%get3A_1445] {strides = array<i32>} : memref<128xi32, #tpu.memory_space<vmem>>, vector<16xi32>,
      %gt3A_1447 = arith.cmpf ogt, %get3A_1444, %select_n3A_1441 : vector<16xf32>
      %select_n3A_1448 = arith.select %gt3A_1447, %get3A_1444, %select_n3A_1441 : vector<16xi1>, vector<16xf32>
      %select_n3A_1449 = arith.select %gt3A_1447, %get3A_1446, %select_n3A_1442 : vector<16xi1>, vector<16xi32>
      %reduce_max3A_1450 = arith.constant true
      %reduce_max3A_1451 = vector.broadcast %reduce_max3A_1450 : i1 to vector<16xi1>
      %reduce_max3A_1452 = tpu.scan <max>, %select_n3A_1448 masked %reduce_max3A_1451 : vector<16xf32>, vector<16xi1> -> vector<16xf32>
      %reduce_max3A_1453 = vector.extract %reduce_max3A_1452[15] : f32 from vector<16xf32>
      %eq3A_1454 = vector.broadcast %reduce_max3A_1453 : f32 to vector<16xf32>
      %eq3A_1455 = arith.cmpf oeq, %select_n3A_1448, %eq3A_1454 : vector<16xf32>
      %jit3A_1456 = arith.constant 2048 : i32
      %broadcast_in_dim3A_1457 = vector.broadcast %jit3A_1456 : i32 to vector<16xi32>
      %select_n3A_1458 = arith.select %eq3A_1455, %select_n3A_1449, %broadcast_in_dim3A_1457 : vector<16xi1>, vector<16xi32>
      %reduce_min3A_1459 = arith.constant true
      %reduce_min3A_1460 = vector.broadcast %reduce_min3A_1459 : i1 to vector<16xi1>
      %reduce_min3A_1461 = arith.constant -2147483648 : i32
      %reduce_min3A_1462 = vector.broadcast %reduce_min3A_1461 : i32 to vector<16xi32>
      %reduce_min3A_1463 = arith.xori %select_n3A_1458, %reduce_min3A_1462 : vector<16xi32>
      %reduce_min3A_1464 = tpu.scan <min>, %reduce_min3A_1463 masked %reduce_min3A_1460 : vector<16xi32>, vector<16xi1> -> vector<16xi32>
      %reduce_min3A_1465 = arith.xori %reduce_min3A_1464, %reduce_min3A_1462 : vector<16xi32>
      %reduce_min3A_1466 = vector.extract %reduce_min3A_1465[15] : i32 from vector<16xi32>
      %eq3A_1467 = arith.constant 3 : i32
      %eq3A_1468 = vector.broadcast %eq3A_1467 : i32 to vector<16xi32>
      %eq3A_1469 = arith.cmpi eq, %iota3A, %eq3A_1468 : vector<16xi32>
      %broadcast_in_dim3A_1470 = vector.broadcast %reduce_min3A_1466 : i32 to vector<16xi32>
      %select_n3A_1471 = arith.select %eq3A_1469, %broadcast_in_dim3A_1470, %select_n3A_1305 : vector<16xi1>, vector<16xi32>
      %eq3A_1472 = arith.constant 3 : i32
      %eq3A_1473 = vector.broadcast %eq3A_1472 : i32 to vector<16xi32>
      %eq3A_1474 = arith.cmpi eq, %iota3A, %eq3A_1473 : vector<16xi32>
      %broadcast_in_dim3A_1475 = vector.broadcast %reduce_max3A_1453 : f32 to vector<16xf32>
      %select_n3A_1476 = arith.select %eq3A_1474, %broadcast_in_dim3A_1475, %select_n3A_1310 : vector<16xi1>, vector<16xf32>
      %get3A_1477 = arith.constant 0 : index
      %get3A_1478 = tpu.vector_load %arg7[%get3A_1477] {strides = array<i32>} : memref<128xf32, #tpu.memory_space<vmem>>, vector<16xf32>,
      %get3A_1479 = arith.constant 0 : index
      %get3A_1480 = tpu.vector_load %arg8[%get3A_1479] {strides = array<i32>} : memref<128xi32, #tpu.memory_space<vmem>>, vector<16xi32>,
      %eq3A_1481 = vector.broadcast %reduce_min3A_1466 : i32 to vector<16xi32>
      %eq3A_1482 = arith.cmpi eq, %get3A_1480, %eq3A_1481 : vector<16xi32>
      %broadcast_in_dim3A_1483 = vector.broadcast %cond3A : f32 to vector<16xf32>
      %select_n3A_1484 = arith.select %eq3A_1482, %broadcast_in_dim3A_1483, %get3A_1478 : vector<16xi1>, vector<16xf32>
      %swap3A_1485 = arith.constant 0 : index
      %swap3A_1486 = tpu.vector_load %arg7[%swap3A_1485] {strides = array<i32>} : memref<128xf32, #tpu.memory_space<vmem>>, vector<16xf32>,
      tpu.vector_store %arg7[%swap3A_1485], %select_n3A_1484 {strides = array<i32>} : memref<128xf32, #tpu.memory_space<vmem>>, vector<16xf32>,
      %get3A_1487 = arith.constant 16 : index
      %get3A_1488 = tpu.vector_load %arg7[%get3A_1487] {strides = array<i32>} : memref<128xf32, #tpu.memory_space<vmem>>, vector<16xf32>,
      %get3A_1489 = arith.constant 16 : index
      %get3A_1490 = tpu.vector_load %arg8[%get3A_1489] {strides = array<i32>} : memref<128xi32, #tpu.memory_space<vmem>>, vector<16xi32>,
      %eq3A_1491 = vector.broadcast %reduce_min3A_1466 : i32 to vector<16xi32>
      %eq3A_1492 = arith.cmpi eq, %get3A_1490, %eq3A_1491 : vector<16xi32>
      %broadcast_in_dim3A_1493 = vector.broadcast %cond3A : f32 to vector<16xf32>
      %select_n3A_1494 = arith.select %eq3A_1492, %broadcast_in_dim3A_1493, %get3A_1488 : vector<16xi1>, vector<16xf32>
      %swap3A_1495 = arith.constant 16 : index
      %swap3A_1496 = tpu.vector_load %arg7[%swap3A_1495] {strides = array<i32>} : memref<128xf32, #tpu.memory_space<vmem>>, vector<16xf32>,
      tpu.vector_store %arg7[%swap3A_1495], %select_n3A_1494 {strides = array<i32>} : memref<128xf32, #tpu.memory_space<vmem>>, vector<16xf32>,
      %get3A_1497 = arith.constant 32 : index
      %get3A_1498 = tpu.vector_load %arg7[%get3A_1497] {strides = array<i32>} : memref<128xf32, #tpu.memory_space<vmem>>, vector<16xf32>,
      %get3A_1499 = arith.constant 32 : index
      %get3A_1500 = tpu.vector_load %arg8[%get3A_1499] {strides = array<i32>} : memref<128xi32, #tpu.memory_space<vmem>>, vector<16xi32>,
      %eq3A_1501 = vector.broadcast %reduce_min3A_1466 : i32 to vector<16xi32>
      %eq3A_1502 = arith.cmpi eq, %get3A_1500, %eq3A_1501 : vector<16xi32>
      %broadcast_in_dim3A_1503 = vector.broadcast %cond3A : f32 to vector<16xf32>
      %select_n3A_1504 = arith.select %eq3A_1502, %broadcast_in_dim3A_1503, %get3A_1498 : vector<16xi1>, vector<16xf32>
      %swap3A_1505 = arith.constant 32 : index
      %swap3A_1506 = tpu.vector_load %arg7[%swap3A_1505] {strides = array<i32>} : memref<128xf32, #tpu.memory_space<vmem>>, vector<16xf32>,
      tpu.vector_store %arg7[%swap3A_1505], %select_n3A_1504 {strides = array<i32>} : memref<128xf32, #tpu.memory_space<vmem>>, vector<16xf32>,
      %get3A_1507 = arith.constant 48 : index
      %get3A_1508 = tpu.vector_load %arg7[%get3A_1507] {strides = array<i32>} : memref<128xf32, #tpu.memory_space<vmem>>, vector<16xf32>,
      %get3A_1509 = arith.constant 48 : index
      %get3A_1510 = tpu.vector_load %arg8[%get3A_1509] {strides = array<i32>} : memref<128xi32, #tpu.memory_space<vmem>>, vector<16xi32>,
      %eq3A_1511 = vector.broadcast %reduce_min3A_1466 : i32 to vector<16xi32>
      %eq3A_1512 = arith.cmpi eq, %get3A_1510, %eq3A_1511 : vector<16xi32>
      %broadcast_in_dim3A_1513 = vector.broadcast %cond3A : f32 to vector<16xf32>
      %select_n3A_1514 = arith.select %eq3A_1512, %broadcast_in_dim3A_1513, %get3A_1508 : vector<16xi1>, vector<16xf32>
      %swap3A_1515 = arith.constant 48 : index
      %swap3A_1516 = tpu.vector_load %arg7[%swap3A_1515] {strides = array<i32>} : memref<128xf32, #tpu.memory_space<vmem>>, vector<16xf32>,
      tpu.vector_store %arg7[%swap3A_1515], %select_n3A_1514 {strides = array<i32>} : memref<128xf32, #tpu.memory_space<vmem>>, vector<16xf32>,
      %get3A_1517 = arith.constant 64 : index
      %get3A_1518 = tpu.vector_load %arg7[%get3A_1517] {strides = array<i32>} : memref<128xf32, #tpu.memory_space<vmem>>, vector<16xf32>,
      %get3A_1519 = arith.constant 64 : index
      %get3A_1520 = tpu.vector_load %arg8[%get3A_1519] {strides = array<i32>} : memref<128xi32, #tpu.memory_space<vmem>>, vector<16xi32>,
      %eq3A_1521 = vector.broadcast %reduce_min3A_1466 : i32 to vector<16xi32>
      %eq3A_1522 = arith.cmpi eq, %get3A_1520, %eq3A_1521 : vector<16xi32>
      %broadcast_in_dim3A_1523 = vector.broadcast %cond3A : f32 to vector<16xf32>
      %select_n3A_1524 = arith.select %eq3A_1522, %broadcast_in_dim3A_1523, %get3A_1518 : vector<16xi1>, vector<16xf32>
      %swap3A_1525 = arith.constant 64 : index
      %swap3A_1526 = tpu.vector_load %arg7[%swap3A_1525] {strides = array<i32>} : memref<128xf32, #tpu.memory_space<vmem>>, vector<16xf32>,
      tpu.vector_store %arg7[%swap3A_1525], %select_n3A_1524 {strides = array<i32>} : memref<128xf32, #tpu.memory_space<vmem>>, vector<16xf32>,
      %get3A_1527 = arith.constant 80 : index
      %get3A_1528 = tpu.vector_load %arg7[%get3A_1527] {strides = array<i32>} : memref<128xf32, #tpu.memory_space<vmem>>, vector<16xf32>,
      %get3A_1529 = arith.constant 80 : index
      %get3A_1530 = tpu.vector_load %arg8[%get3A_1529] {strides = array<i32>} : memref<128xi32, #tpu.memory_space<vmem>>, vector<16xi32>,
      %eq3A_1531 = vector.broadcast %reduce_min3A_1466 : i32 to vector<16xi32>
      %eq3A_1532 = arith.cmpi eq, %get3A_1530, %eq3A_1531 : vector<16xi32>
      %broadcast_in_dim3A_1533 = vector.broadcast %cond3A : f32 to vector<16xf32>
      %select_n3A_1534 = arith.select %eq3A_1532, %broadcast_in_dim3A_1533, %get3A_1528 : vector<16xi1>, vector<16xf32>
      %swap3A_1535 = arith.constant 80 : index
      %swap3A_1536 = tpu.vector_load %arg7[%swap3A_1535] {strides = array<i32>} : memref<128xf32, #tpu.memory_space<vmem>>, vector<16xf32>,
      tpu.vector_store %arg7[%swap3A_1535], %select_n3A_1534 {strides = array<i32>} : memref<128xf32, #tpu.memory_space<vmem>>, vector<16xf32>,
      %get3A_1537 = arith.constant 96 : index
      %get3A_1538 = tpu.vector_load %arg7[%get3A_1537] {strides = array<i32>} : memref<128xf32, #tpu.memory_space<vmem>>, vector<16xf32>,
      %get3A_1539 = arith.constant 96 : index
      %get3A_1540 = tpu.vector_load %arg8[%get3A_1539] {strides = array<i32>} : memref<128xi32, #tpu.memory_space<vmem>>, vector<16xi32>,
      %eq3A_1541 = vector.broadcast %reduce_min3A_1466 : i32 to vector<16xi32>
      %eq3A_1542 = arith.cmpi eq, %get3A_1540, %eq3A_1541 : vector<16xi32>
      %broadcast_in_dim3A_1543 = vector.broadcast %cond3A : f32 to vector<16xf32>
      %select_n3A_1544 = arith.select %eq3A_1542, %broadcast_in_dim3A_1543, %get3A_1538 : vector<16xi1>, vector<16xf32>
      %swap3A_1545 = arith.constant 96 : index
      %swap3A_1546 = tpu.vector_load %arg7[%swap3A_1545] {strides = array<i32>} : memref<128xf32, #tpu.memory_space<vmem>>, vector<16xf32>,
      tpu.vector_store %arg7[%swap3A_1545], %select_n3A_1544 {strides = array<i32>} : memref<128xf32, #tpu.memory_space<vmem>>, vector<16xf32>,
      %get3A_1547 = arith.constant 112 : index
      %get3A_1548 = tpu.vector_load %arg7[%get3A_1547] {strides = array<i32>} : memref<128xf32, #tpu.memory_space<vmem>>, vector<16xf32>,
      %get3A_1549 = arith.constant 112 : index
      %get3A_1550 = tpu.vector_load %arg8[%get3A_1549] {strides = array<i32>} : memref<128xi32, #tpu.memory_space<vmem>>, vector<16xi32>,
      %eq3A_1551 = vector.broadcast %reduce_min3A_1466 : i32 to vector<16xi32>
      %eq3A_1552 = arith.cmpi eq, %get3A_1550, %eq3A_1551 : vector<16xi32>
      %broadcast_in_dim3A_1553 = vector.broadcast %cond3A : f32 to vector<16xf32>
      %select_n3A_1554 = arith.select %eq3A_1552, %broadcast_in_dim3A_1553, %get3A_1548 : vector<16xi1>, vector<16xf32>
      %swap3A_1555 = arith.constant 112 : index
      %swap3A_1556 = tpu.vector_load %arg7[%swap3A_1555] {strides = array<i32>} : memref<128xf32, #tpu.memory_space<vmem>>, vector<16xf32>,
      tpu.vector_store %arg7[%swap3A_1555], %select_n3A_1554 {strides = array<i32>} : memref<128xf32, #tpu.memory_space<vmem>>, vector<16xf32>,
      %broadcast_in_dim3A_1557 = vector.broadcast %cond3A : f32 to vector<16xf32>
      %broadcast_in_dim3A_1558 = arith.constant 0 : i32
      %broadcast_in_dim3A_1559 = vector.broadcast %broadcast_in_dim3A_1558 : i32 to vector<16xi32>
      %get3A_1560 = arith.constant 0 : index
      %get3A_1561 = tpu.vector_load %arg7[%get3A_1560] {strides = array<i32>} : memref<128xf32, #tpu.memory_space<vmem>>, vector<16xf32>,
      %get3A_1562 = arith.constant 0 : index
      %get3A_1563 = tpu.vector_load %arg8[%get3A_1562] {strides = array<i32>} : memref<128xi32, #tpu.memory_space<vmem>>, vector<16xi32>,
      %gt3A_1564 = arith.cmpf ogt, %get3A_1561, %broadcast_in_dim3A_1557 : vector<16xf32>
      %select_n3A_1565 = arith.select %gt3A_1564, %get3A_1561, %broadcast_in_dim3A_1557 : vector<16xi1>, vector<16xf32>
      %select_n3A_1566 = arith.select %gt3A_1564, %get3A_1563, %broadcast_in_dim3A_1559 : vector<16xi1>, vector<16xi32>
      %get3A_1567 = arith.constant 16 : index
      %get3A_1568 = tpu.vector_load %arg7[%get3A_1567] {strides = array<i32>} : memref<128xf32, #tpu.memory_space<vmem>>, vector<16xf32>,
      %get3A_1569 = arith.constant 16 : index
      %get3A_1570 = tpu.vector_load %arg8[%get3A_1569] {strides = array<i32>} : memref<128xi32, #tpu.memory_space<vmem>>, vector<16xi32>,
      %gt3A_1571 = arith.cmpf ogt, %get3A_1568, %select_n3A_1565 : vector<16xf32>
      %select_n3A_1572 = arith.select %gt3A_1571, %get3A_1568, %select_n3A_1565 : vector<16xi1>, vector<16xf32>
      %select_n3A_1573 = arith.select %gt3A_1571, %get3A_1570, %select_n3A_1566 : vector<16xi1>, vector<16xi32>
      %get3A_1574 = arith.constant 32 : index
      %get3A_1575 = tpu.vector_load %arg7[%get3A_1574] {strides = array<i32>} : memref<128xf32, #tpu.memory_space<vmem>>, vector<16xf32>,
      %get3A_1576 = arith.constant 32 : index
      %get3A_1577 = tpu.vector_load %arg8[%get3A_1576] {strides = array<i32>} : memref<128xi32, #tpu.memory_space<vmem>>, vector<16xi32>,
      %gt3A_1578 = arith.cmpf ogt, %get3A_1575, %select_n3A_1572 : vector<16xf32>
      %select_n3A_1579 = arith.select %gt3A_1578, %get3A_1575, %select_n3A_1572 : vector<16xi1>, vector<16xf32>
      %select_n3A_1580 = arith.select %gt3A_1578, %get3A_1577, %select_n3A_1573 : vector<16xi1>, vector<16xi32>
      %get3A_1581 = arith.constant 48 : index
      %get3A_1582 = tpu.vector_load %arg7[%get3A_1581] {strides = array<i32>} : memref<128xf32, #tpu.memory_space<vmem>>, vector<16xf32>,
      %get3A_1583 = arith.constant 48 : index
      %get3A_1584 = tpu.vector_load %arg8[%get3A_1583] {strides = array<i32>} : memref<128xi32, #tpu.memory_space<vmem>>, vector<16xi32>,
      %gt3A_1585 = arith.cmpf ogt, %get3A_1582, %select_n3A_1579 : vector<16xf32>
      %select_n3A_1586 = arith.select %gt3A_1585, %get3A_1582, %select_n3A_1579 : vector<16xi1>, vector<16xf32>
      %select_n3A_1587 = arith.select %gt3A_1585, %get3A_1584, %select_n3A_1580 : vector<16xi1>, vector<16xi32>
      %get3A_1588 = arith.constant 64 : index
      %get3A_1589 = tpu.vector_load %arg7[%get3A_1588] {strides = array<i32>} : memref<128xf32, #tpu.memory_space<vmem>>, vector<16xf32>,
      %get3A_1590 = arith.constant 64 : index
      %get3A_1591 = tpu.vector_load %arg8[%get3A_1590] {strides = array<i32>} : memref<128xi32, #tpu.memory_space<vmem>>, vector<16xi32>,
      %gt3A_1592 = arith.cmpf ogt, %get3A_1589, %select_n3A_1586 : vector<16xf32>
      %select_n3A_1593 = arith.select %gt3A_1592, %get3A_1589, %select_n3A_1586 : vector<16xi1>, vector<16xf32>
      %select_n3A_1594 = arith.select %gt3A_1592, %get3A_1591, %select_n3A_1587 : vector<16xi1>, vector<16xi32>
      %get3A_1595 = arith.constant 80 : index
      %get3A_1596 = tpu.vector_load %arg7[%get3A_1595] {strides = array<i32>} : memref<128xf32, #tpu.memory_space<vmem>>, vector<16xf32>,
      %get3A_1597 = arith.constant 80 : index
      %get3A_1598 = tpu.vector_load %arg8[%get3A_1597] {strides = array<i32>} : memref<128xi32, #tpu.memory_space<vmem>>, vector<16xi32>,
      %gt3A_1599 = arith.cmpf ogt, %get3A_1596, %select_n3A_1593 : vector<16xf32>
      %select_n3A_1600 = arith.select %gt3A_1599, %get3A_1596, %select_n3A_1593 : vector<16xi1>, vector<16xf32>
      %select_n3A_1601 = arith.select %gt3A_1599, %get3A_1598, %select_n3A_1594 : vector<16xi1>, vector<16xi32>
      %get3A_1602 = arith.constant 96 : index
      %get3A_1603 = tpu.vector_load %arg7[%get3A_1602] {strides = array<i32>} : memref<128xf32, #tpu.memory_space<vmem>>, vector<16xf32>,
      %get3A_1604 = arith.constant 96 : index
      %get3A_1605 = tpu.vector_load %arg8[%get3A_1604] {strides = array<i32>} : memref<128xi32, #tpu.memory_space<vmem>>, vector<16xi32>,
      %gt3A_1606 = arith.cmpf ogt, %get3A_1603, %select_n3A_1600 : vector<16xf32>
      %select_n3A_1607 = arith.select %gt3A_1606, %get3A_1603, %select_n3A_1600 : vector<16xi1>, vector<16xf32>
      %select_n3A_1608 = arith.select %gt3A_1606, %get3A_1605, %select_n3A_1601 : vector<16xi1>, vector<16xi32>
      %get3A_1609 = arith.constant 112 : index
      %get3A_1610 = tpu.vector_load %arg7[%get3A_1609] {strides = array<i32>} : memref<128xf32, #tpu.memory_space<vmem>>, vector<16xf32>,
      %get3A_1611 = arith.constant 112 : index
      %get3A_1612 = tpu.vector_load %arg8[%get3A_1611] {strides = array<i32>} : memref<128xi32, #tpu.memory_space<vmem>>, vector<16xi32>,
      %gt3A_1613 = arith.cmpf ogt, %get3A_1610, %select_n3A_1607 : vector<16xf32>
      %select_n3A_1614 = arith.select %gt3A_1613, %get3A_1610, %select_n3A_1607 : vector<16xi1>, vector<16xf32>
      %select_n3A_1615 = arith.select %gt3A_1613, %get3A_1612, %select_n3A_1608 : vector<16xi1>, vector<16xi32>
      %reduce_max3A_1616 = arith.constant true
      %reduce_max3A_1617 = vector.broadcast %reduce_max3A_1616 : i1 to vector<16xi1>
      %reduce_max3A_1618 = tpu.scan <max>, %select_n3A_1614 masked %reduce_max3A_1617 : vector<16xf32>, vector<16xi1> -> vector<16xf32>
      %reduce_max3A_1619 = vector.extract %reduce_max3A_1618[15] : f32 from vector<16xf32>
      %eq3A_1620 = vector.broadcast %reduce_max3A_1619 : f32 to vector<16xf32>
      %eq3A_1621 = arith.cmpf oeq, %select_n3A_1614, %eq3A_1620 : vector<16xf32>
      %jit3A_1622 = arith.constant 2048 : i32
      %broadcast_in_dim3A_1623 = vector.broadcast %jit3A_1622 : i32 to vector<16xi32>
      %select_n3A_1624 = arith.select %eq3A_1621, %select_n3A_1615, %broadcast_in_dim3A_1623 : vector<16xi1>, vector<16xi32>
      %reduce_min3A_1625 = arith.constant true
      %reduce_min3A_1626 = vector.broadcast %reduce_min3A_1625 : i1 to vector<16xi1>
      %reduce_min3A_1627 = arith.constant -2147483648 : i32
      %reduce_min3A_1628 = vector.broadcast %reduce_min3A_1627 : i32 to vector<16xi32>
      %reduce_min3A_1629 = arith.xori %select_n3A_1624, %reduce_min3A_1628 : vector<16xi32>
      %reduce_min3A_1630 = tpu.scan <min>, %reduce_min3A_1629 masked %reduce_min3A_1626 : vector<16xi32>, vector<16xi1> -> vector<16xi32>
      %reduce_min3A_1631 = arith.xori %reduce_min3A_1630, %reduce_min3A_1628 : vector<16xi32>
      %reduce_min3A_1632 = vector.extract %reduce_min3A_1631[15] : i32 from vector<16xi32>
      %eq3A_1633 = arith.constant 4 : i32
      %eq3A_1634 = vector.broadcast %eq3A_1633 : i32 to vector<16xi32>
      %eq3A_1635 = arith.cmpi eq, %iota3A, %eq3A_1634 : vector<16xi32>
      %broadcast_in_dim3A_1636 = vector.broadcast %reduce_min3A_1632 : i32 to vector<16xi32>
      %select_n3A_1637 = arith.select %eq3A_1635, %broadcast_in_dim3A_1636, %select_n3A_1471 : vector<16xi1>, vector<16xi32>
      %eq3A_1638 = arith.constant 4 : i32
      %eq3A_1639 = vector.broadcast %eq3A_1638 : i32 to vector<16xi32>
      %eq3A_1640 = arith.cmpi eq, %iota3A, %eq3A_1639 : vector<16xi32>
      %broadcast_in_dim3A_1641 = vector.broadcast %reduce_max3A_1619 : f32 to vector<16xf32>
      %select_n3A_1642 = arith.select %eq3A_1640, %broadcast_in_dim3A_1641, %select_n3A_1476 : vector<16xi1>, vector<16xf32>
      %get3A_1643 = arith.constant 0 : index
      %get3A_1644 = tpu.vector_load %arg7[%get3A_1643] {strides = array<i32>} : memref<128xf32, #tpu.memory_space<vmem>>, vector<16xf32>,
      %get3A_1645 = arith.constant 0 : index
      %get3A_1646 = tpu.vector_load %arg8[%get3A_1645] {strides = array<i32>} : memref<128xi32, #tpu.memory_space<vmem>>, vector<16xi32>,
      %eq3A_1647 = vector.broadcast %reduce_min3A_1632 : i32 to vector<16xi32>
      %eq3A_1648 = arith.cmpi eq, %get3A_1646, %eq3A_1647 : vector<16xi32>
      %broadcast_in_dim3A_1649 = vector.broadcast %cond3A : f32 to vector<16xf32>
      %select_n3A_1650 = arith.select %eq3A_1648, %broadcast_in_dim3A_1649, %get3A_1644 : vector<16xi1>, vector<16xf32>
      %swap3A_1651 = arith.constant 0 : index
      %swap3A_1652 = tpu.vector_load %arg7[%swap3A_1651] {strides = array<i32>} : memref<128xf32, #tpu.memory_space<vmem>>, vector<16xf32>,
      tpu.vector_store %arg7[%swap3A_1651], %select_n3A_1650 {strides = array<i32>} : memref<128xf32, #tpu.memory_space<vmem>>, vector<16xf32>,
      %get3A_1653 = arith.constant 16 : index
      %get3A_1654 = tpu.vector_load %arg7[%get3A_1653] {strides = array<i32>} : memref<128xf32, #tpu.memory_space<vmem>>, vector<16xf32>,
      %get3A_1655 = arith.constant 16 : index
      %get3A_1656 = tpu.vector_load %arg8[%get3A_1655] {strides = array<i32>} : memref<128xi32, #tpu.memory_space<vmem>>, vector<16xi32>,
      %eq3A_1657 = vector.broadcast %reduce_min3A_1632 : i32 to vector<16xi32>
      %eq3A_1658 = arith.cmpi eq, %get3A_1656, %eq3A_1657 : vector<16xi32>
      %broadcast_in_dim3A_1659 = vector.broadcast %cond3A : f32 to vector<16xf32>
      %select_n3A_1660 = arith.select %eq3A_1658, %broadcast_in_dim3A_1659, %get3A_1654 : vector<16xi1>, vector<16xf32>
      %swap3A_1661 = arith.constant 16 : index
      %swap3A_1662 = tpu.vector_load %arg7[%swap3A_1661] {strides = array<i32>} : memref<128xf32, #tpu.memory_space<vmem>>, vector<16xf32>,
      tpu.vector_store %arg7[%swap3A_1661], %select_n3A_1660 {strides = array<i32>} : memref<128xf32, #tpu.memory_space<vmem>>, vector<16xf32>,
      %get3A_1663 = arith.constant 32 : index
      %get3A_1664 = tpu.vector_load %arg7[%get3A_1663] {strides = array<i32>} : memref<128xf32, #tpu.memory_space<vmem>>, vector<16xf32>,
      %get3A_1665 = arith.constant 32 : index
      %get3A_1666 = tpu.vector_load %arg8[%get3A_1665] {strides = array<i32>} : memref<128xi32, #tpu.memory_space<vmem>>, vector<16xi32>,
      %eq3A_1667 = vector.broadcast %reduce_min3A_1632 : i32 to vector<16xi32>
      %eq3A_1668 = arith.cmpi eq, %get3A_1666, %eq3A_1667 : vector<16xi32>
      %broadcast_in_dim3A_1669 = vector.broadcast %cond3A : f32 to vector<16xf32>
      %select_n3A_1670 = arith.select %eq3A_1668, %broadcast_in_dim3A_1669, %get3A_1664 : vector<16xi1>, vector<16xf32>
      %swap3A_1671 = arith.constant 32 : index
      %swap3A_1672 = tpu.vector_load %arg7[%swap3A_1671] {strides = array<i32>} : memref<128xf32, #tpu.memory_space<vmem>>, vector<16xf32>,
      tpu.vector_store %arg7[%swap3A_1671], %select_n3A_1670 {strides = array<i32>} : memref<128xf32, #tpu.memory_space<vmem>>, vector<16xf32>,
      %get3A_1673 = arith.constant 48 : index
      %get3A_1674 = tpu.vector_load %arg7[%get3A_1673] {strides = array<i32>} : memref<128xf32, #tpu.memory_space<vmem>>, vector<16xf32>,
      %get3A_1675 = arith.constant 48 : index
      %get3A_1676 = tpu.vector_load %arg8[%get3A_1675] {strides = array<i32>} : memref<128xi32, #tpu.memory_space<vmem>>, vector<16xi32>,
      %eq3A_1677 = vector.broadcast %reduce_min3A_1632 : i32 to vector<16xi32>
      %eq3A_1678 = arith.cmpi eq, %get3A_1676, %eq3A_1677 : vector<16xi32>
      %broadcast_in_dim3A_1679 = vector.broadcast %cond3A : f32 to vector<16xf32>
      %select_n3A_1680 = arith.select %eq3A_1678, %broadcast_in_dim3A_1679, %get3A_1674 : vector<16xi1>, vector<16xf32>
      %swap3A_1681 = arith.constant 48 : index
      %swap3A_1682 = tpu.vector_load %arg7[%swap3A_1681] {strides = array<i32>} : memref<128xf32, #tpu.memory_space<vmem>>, vector<16xf32>,
      tpu.vector_store %arg7[%swap3A_1681], %select_n3A_1680 {strides = array<i32>} : memref<128xf32, #tpu.memory_space<vmem>>, vector<16xf32>,
      %get3A_1683 = arith.constant 64 : index
      %get3A_1684 = tpu.vector_load %arg7[%get3A_1683] {strides = array<i32>} : memref<128xf32, #tpu.memory_space<vmem>>, vector<16xf32>,
      %get3A_1685 = arith.constant 64 : index
      %get3A_1686 = tpu.vector_load %arg8[%get3A_1685] {strides = array<i32>} : memref<128xi32, #tpu.memory_space<vmem>>, vector<16xi32>,
      %eq3A_1687 = vector.broadcast %reduce_min3A_1632 : i32 to vector<16xi32>
      %eq3A_1688 = arith.cmpi eq, %get3A_1686, %eq3A_1687 : vector<16xi32>
      %broadcast_in_dim3A_1689 = vector.broadcast %cond3A : f32 to vector<16xf32>
      %select_n3A_1690 = arith.select %eq3A_1688, %broadcast_in_dim3A_1689, %get3A_1684 : vector<16xi1>, vector<16xf32>
      %swap3A_1691 = arith.constant 64 : index
      %swap3A_1692 = tpu.vector_load %arg7[%swap3A_1691] {strides = array<i32>} : memref<128xf32, #tpu.memory_space<vmem>>, vector<16xf32>,
      tpu.vector_store %arg7[%swap3A_1691], %select_n3A_1690 {strides = array<i32>} : memref<128xf32, #tpu.memory_space<vmem>>, vector<16xf32>,
      %get3A_1693 = arith.constant 80 : index
      %get3A_1694 = tpu.vector_load %arg7[%get3A_1693] {strides = array<i32>} : memref<128xf32, #tpu.memory_space<vmem>>, vector<16xf32>,
      %get3A_1695 = arith.constant 80 : index
      %get3A_1696 = tpu.vector_load %arg8[%get3A_1695] {strides = array<i32>} : memref<128xi32, #tpu.memory_space<vmem>>, vector<16xi32>,
      %eq3A_1697 = vector.broadcast %reduce_min3A_1632 : i32 to vector<16xi32>
      %eq3A_1698 = arith.cmpi eq, %get3A_1696, %eq3A_1697 : vector<16xi32>
      %broadcast_in_dim3A_1699 = vector.broadcast %cond3A : f32 to vector<16xf32>
      %select_n3A_1700 = arith.select %eq3A_1698, %broadcast_in_dim3A_1699, %get3A_1694 : vector<16xi1>, vector<16xf32>
      %swap3A_1701 = arith.constant 80 : index
      %swap3A_1702 = tpu.vector_load %arg7[%swap3A_1701] {strides = array<i32>} : memref<128xf32, #tpu.memory_space<vmem>>, vector<16xf32>,
      tpu.vector_store %arg7[%swap3A_1701], %select_n3A_1700 {strides = array<i32>} : memref<128xf32, #tpu.memory_space<vmem>>, vector<16xf32>,
      %get3A_1703 = arith.constant 96 : index
      %get3A_1704 = tpu.vector_load %arg7[%get3A_1703] {strides = array<i32>} : memref<128xf32, #tpu.memory_space<vmem>>, vector<16xf32>,
      %get3A_1705 = arith.constant 96 : index
      %get3A_1706 = tpu.vector_load %arg8[%get3A_1705] {strides = array<i32>} : memref<128xi32, #tpu.memory_space<vmem>>, vector<16xi32>,
      %eq3A_1707 = vector.broadcast %reduce_min3A_1632 : i32 to vector<16xi32>
      %eq3A_1708 = arith.cmpi eq, %get3A_1706, %eq3A_1707 : vector<16xi32>
      %broadcast_in_dim3A_1709 = vector.broadcast %cond3A : f32 to vector<16xf32>
      %select_n3A_1710 = arith.select %eq3A_1708, %broadcast_in_dim3A_1709, %get3A_1704 : vector<16xi1>, vector<16xf32>
      %swap3A_1711 = arith.constant 96 : index
      %swap3A_1712 = tpu.vector_load %arg7[%swap3A_1711] {strides = array<i32>} : memref<128xf32, #tpu.memory_space<vmem>>, vector<16xf32>,
      tpu.vector_store %arg7[%swap3A_1711], %select_n3A_1710 {strides = array<i32>} : memref<128xf32, #tpu.memory_space<vmem>>, vector<16xf32>,
      %get3A_1713 = arith.constant 112 : index
      %get3A_1714 = tpu.vector_load %arg7[%get3A_1713] {strides = array<i32>} : memref<128xf32, #tpu.memory_space<vmem>>, vector<16xf32>,
      %get3A_1715 = arith.constant 112 : index
      %get3A_1716 = tpu.vector_load %arg8[%get3A_1715] {strides = array<i32>} : memref<128xi32, #tpu.memory_space<vmem>>, vector<16xi32>,
      %eq3A_1717 = vector.broadcast %reduce_min3A_1632 : i32 to vector<16xi32>
      %eq3A_1718 = arith.cmpi eq, %get3A_1716, %eq3A_1717 : vector<16xi32>
      %broadcast_in_dim3A_1719 = vector.broadcast %cond3A : f32 to vector<16xf32>
      %select_n3A_1720 = arith.select %eq3A_1718, %broadcast_in_dim3A_1719, %get3A_1714 : vector<16xi1>, vector<16xf32>
      %swap3A_1721 = arith.constant 112 : index
      %swap3A_1722 = tpu.vector_load %arg7[%swap3A_1721] {strides = array<i32>} : memref<128xf32, #tpu.memory_space<vmem>>, vector<16xf32>,
      tpu.vector_store %arg7[%swap3A_1721], %select_n3A_1720 {strides = array<i32>} : memref<128xf32, #tpu.memory_space<vmem>>, vector<16xf32>,
      %broadcast_in_dim3A_1723 = vector.broadcast %cond3A : f32 to vector<16xf32>
      %broadcast_in_dim3A_1724 = arith.constant 0 : i32
      %broadcast_in_dim3A_1725 = vector.broadcast %broadcast_in_dim3A_1724 : i32 to vector<16xi32>
      %get3A_1726 = arith.constant 0 : index
      %get3A_1727 = tpu.vector_load %arg7[%get3A_1726] {strides = array<i32>} : memref<128xf32, #tpu.memory_space<vmem>>, vector<16xf32>,
      %get3A_1728 = arith.constant 0 : index
      %get3A_1729 = tpu.vector_load %arg8[%get3A_1728] {strides = array<i32>} : memref<128xi32, #tpu.memory_space<vmem>>, vector<16xi32>,
      %gt3A_1730 = arith.cmpf ogt, %get3A_1727, %broadcast_in_dim3A_1723 : vector<16xf32>
      %select_n3A_1731 = arith.select %gt3A_1730, %get3A_1727, %broadcast_in_dim3A_1723 : vector<16xi1>, vector<16xf32>
      %select_n3A_1732 = arith.select %gt3A_1730, %get3A_1729, %broadcast_in_dim3A_1725 : vector<16xi1>, vector<16xi32>
      %get3A_1733 = arith.constant 16 : index
      %get3A_1734 = tpu.vector_load %arg7[%get3A_1733] {strides = array<i32>} : memref<128xf32, #tpu.memory_space<vmem>>, vector<16xf32>,
      %get3A_1735 = arith.constant 16 : index
      %get3A_1736 = tpu.vector_load %arg8[%get3A_1735] {strides = array<i32>} : memref<128xi32, #tpu.memory_space<vmem>>, vector<16xi32>,
      %gt3A_1737 = arith.cmpf ogt, %get3A_1734, %select_n3A_1731 : vector<16xf32>
      %select_n3A_1738 = arith.select %gt3A_1737, %get3A_1734, %select_n3A_1731 : vector<16xi1>, vector<16xf32>
      %select_n3A_1739 = arith.select %gt3A_1737, %get3A_1736, %select_n3A_1732 : vector<16xi1>, vector<16xi32>
      %get3A_1740 = arith.constant 32 : index
      %get3A_1741 = tpu.vector_load %arg7[%get3A_1740] {strides = array<i32>} : memref<128xf32, #tpu.memory_space<vmem>>, vector<16xf32>,
      %get3A_1742 = arith.constant 32 : index
      %get3A_1743 = tpu.vector_load %arg8[%get3A_1742] {strides = array<i32>} : memref<128xi32, #tpu.memory_space<vmem>>, vector<16xi32>,
      %gt3A_1744 = arith.cmpf ogt, %get3A_1741, %select_n3A_1738 : vector<16xf32>
      %select_n3A_1745 = arith.select %gt3A_1744, %get3A_1741, %select_n3A_1738 : vector<16xi1>, vector<16xf32>
      %select_n3A_1746 = arith.select %gt3A_1744, %get3A_1743, %select_n3A_1739 : vector<16xi1>, vector<16xi32>
      %get3A_1747 = arith.constant 48 : index
      %get3A_1748 = tpu.vector_load %arg7[%get3A_1747] {strides = array<i32>} : memref<128xf32, #tpu.memory_space<vmem>>, vector<16xf32>,
      %get3A_1749 = arith.constant 48 : index
      %get3A_1750 = tpu.vector_load %arg8[%get3A_1749] {strides = array<i32>} : memref<128xi32, #tpu.memory_space<vmem>>, vector<16xi32>,
      %gt3A_1751 = arith.cmpf ogt, %get3A_1748, %select_n3A_1745 : vector<16xf32>
      %select_n3A_1752 = arith.select %gt3A_1751, %get3A_1748, %select_n3A_1745 : vector<16xi1>, vector<16xf32>
      %select_n3A_1753 = arith.select %gt3A_1751, %get3A_1750, %select_n3A_1746 : vector<16xi1>, vector<16xi32>
      %get3A_1754 = arith.constant 64 : index
      %get3A_1755 = tpu.vector_load %arg7[%get3A_1754] {strides = array<i32>} : memref<128xf32, #tpu.memory_space<vmem>>, vector<16xf32>,
      %get3A_1756 = arith.constant 64 : index
      %get3A_1757 = tpu.vector_load %arg8[%get3A_1756] {strides = array<i32>} : memref<128xi32, #tpu.memory_space<vmem>>, vector<16xi32>,
      %gt3A_1758 = arith.cmpf ogt, %get3A_1755, %select_n3A_1752 : vector<16xf32>
      %select_n3A_1759 = arith.select %gt3A_1758, %get3A_1755, %select_n3A_1752 : vector<16xi1>, vector<16xf32>
      %select_n3A_1760 = arith.select %gt3A_1758, %get3A_1757, %select_n3A_1753 : vector<16xi1>, vector<16xi32>
      %get3A_1761 = arith.constant 80 : index
      %get3A_1762 = tpu.vector_load %arg7[%get3A_1761] {strides = array<i32>} : memref<128xf32, #tpu.memory_space<vmem>>, vector<16xf32>,
      %get3A_1763 = arith.constant 80 : index
      %get3A_1764 = tpu.vector_load %arg8[%get3A_1763] {strides = array<i32>} : memref<128xi32, #tpu.memory_space<vmem>>, vector<16xi32>,
      %gt3A_1765 = arith.cmpf ogt, %get3A_1762, %select_n3A_1759 : vector<16xf32>
      %select_n3A_1766 = arith.select %gt3A_1765, %get3A_1762, %select_n3A_1759 : vector<16xi1>, vector<16xf32>
      %select_n3A_1767 = arith.select %gt3A_1765, %get3A_1764, %select_n3A_1760 : vector<16xi1>, vector<16xi32>
      %get3A_1768 = arith.constant 96 : index
      %get3A_1769 = tpu.vector_load %arg7[%get3A_1768] {strides = array<i32>} : memref<128xf32, #tpu.memory_space<vmem>>, vector<16xf32>,
      %get3A_1770 = arith.constant 96 : index
      %get3A_1771 = tpu.vector_load %arg8[%get3A_1770] {strides = array<i32>} : memref<128xi32, #tpu.memory_space<vmem>>, vector<16xi32>,
      %gt3A_1772 = arith.cmpf ogt, %get3A_1769, %select_n3A_1766 : vector<16xf32>
      %select_n3A_1773 = arith.select %gt3A_1772, %get3A_1769, %select_n3A_1766 : vector<16xi1>, vector<16xf32>
      %select_n3A_1774 = arith.select %gt3A_1772, %get3A_1771, %select_n3A_1767 : vector<16xi1>, vector<16xi32>
      %get3A_1775 = arith.constant 112 : index
      %get3A_1776 = tpu.vector_load %arg7[%get3A_1775] {strides = array<i32>} : memref<128xf32, #tpu.memory_space<vmem>>, vector<16xf32>,
      %get3A_1777 = arith.constant 112 : index
      %get3A_1778 = tpu.vector_load %arg8[%get3A_1777] {strides = array<i32>} : memref<128xi32, #tpu.memory_space<vmem>>, vector<16xi32>,
      %gt3A_1779 = arith.cmpf ogt, %get3A_1776, %select_n3A_1773 : vector<16xf32>
      %select_n3A_1780 = arith.select %gt3A_1779, %get3A_1776, %select_n3A_1773 : vector<16xi1>, vector<16xf32>
      %select_n3A_1781 = arith.select %gt3A_1779, %get3A_1778, %select_n3A_1774 : vector<16xi1>, vector<16xi32>
      %reduce_max3A_1782 = arith.constant true
      %reduce_max3A_1783 = vector.broadcast %reduce_max3A_1782 : i1 to vector<16xi1>
      %reduce_max3A_1784 = tpu.scan <max>, %select_n3A_1780 masked %reduce_max3A_1783 : vector<16xf32>, vector<16xi1> -> vector<16xf32>
      %reduce_max3A_1785 = vector.extract %reduce_max3A_1784[15] : f32 from vector<16xf32>
      %eq3A_1786 = vector.broadcast %reduce_max3A_1785 : f32 to vector<16xf32>
      %eq3A_1787 = arith.cmpf oeq, %select_n3A_1780, %eq3A_1786 : vector<16xf32>
      %jit3A_1788 = arith.constant 2048 : i32
      %broadcast_in_dim3A_1789 = vector.broadcast %jit3A_1788 : i32 to vector<16xi32>
      %select_n3A_1790 = arith.select %eq3A_1787, %select_n3A_1781, %broadcast_in_dim3A_1789 : vector<16xi1>, vector<16xi32>
      %reduce_min3A_1791 = arith.constant true
      %reduce_min3A_1792 = vector.broadcast %reduce_min3A_1791 : i1 to vector<16xi1>
      %reduce_min3A_1793 = arith.constant -2147483648 : i32
      %reduce_min3A_1794 = vector.broadcast %reduce_min3A_1793 : i32 to vector<16xi32>
      %reduce_min3A_1795 = arith.xori %select_n3A_1790, %reduce_min3A_1794 : vector<16xi32>
      %reduce_min3A_1796 = tpu.scan <min>, %reduce_min3A_1795 masked %reduce_min3A_1792 : vector<16xi32>, vector<16xi1> -> vector<16xi32>
      %reduce_min3A_1797 = arith.xori %reduce_min3A_1796, %reduce_min3A_1794 : vector<16xi32>
      %reduce_min3A_1798 = vector.extract %reduce_min3A_1797[15] : i32 from vector<16xi32>
      %eq3A_1799 = arith.constant 5 : i32
      %eq3A_1800 = vector.broadcast %eq3A_1799 : i32 to vector<16xi32>
      %eq3A_1801 = arith.cmpi eq, %iota3A, %eq3A_1800 : vector<16xi32>
      %broadcast_in_dim3A_1802 = vector.broadcast %reduce_min3A_1798 : i32 to vector<16xi32>
      %select_n3A_1803 = arith.select %eq3A_1801, %broadcast_in_dim3A_1802, %select_n3A_1637 : vector<16xi1>, vector<16xi32>
      %eq3A_1804 = arith.constant 5 : i32
      %eq3A_1805 = vector.broadcast %eq3A_1804 : i32 to vector<16xi32>
      %eq3A_1806 = arith.cmpi eq, %iota3A, %eq3A_1805 : vector<16xi32>
      %broadcast_in_dim3A_1807 = vector.broadcast %reduce_max3A_1785 : f32 to vector<16xf32>
      %select_n3A_1808 = arith.select %eq3A_1806, %broadcast_in_dim3A_1807, %select_n3A_1642 : vector<16xi1>, vector<16xf32>
      %get3A_1809 = arith.constant 0 : index
      %get3A_1810 = tpu.vector_load %arg7[%get3A_1809] {strides = array<i32>} : memref<128xf32, #tpu.memory_space<vmem>>, vector<16xf32>,
      %get3A_1811 = arith.constant 0 : index
      %get3A_1812 = tpu.vector_load %arg8[%get3A_1811] {strides = array<i32>} : memref<128xi32, #tpu.memory_space<vmem>>, vector<16xi32>,
      %eq3A_1813 = vector.broadcast %reduce_min3A_1798 : i32 to vector<16xi32>
      %eq3A_1814 = arith.cmpi eq, %get3A_1812, %eq3A_1813 : vector<16xi32>
      %broadcast_in_dim3A_1815 = vector.broadcast %cond3A : f32 to vector<16xf32>
      %select_n3A_1816 = arith.select %eq3A_1814, %broadcast_in_dim3A_1815, %get3A_1810 : vector<16xi1>, vector<16xf32>
      %swap3A_1817 = arith.constant 0 : index
      %swap3A_1818 = tpu.vector_load %arg7[%swap3A_1817] {strides = array<i32>} : memref<128xf32, #tpu.memory_space<vmem>>, vector<16xf32>,
      tpu.vector_store %arg7[%swap3A_1817], %select_n3A_1816 {strides = array<i32>} : memref<128xf32, #tpu.memory_space<vmem>>, vector<16xf32>,
      %get3A_1819 = arith.constant 16 : index
      %get3A_1820 = tpu.vector_load %arg7[%get3A_1819] {strides = array<i32>} : memref<128xf32, #tpu.memory_space<vmem>>, vector<16xf32>,
      %get3A_1821 = arith.constant 16 : index
      %get3A_1822 = tpu.vector_load %arg8[%get3A_1821] {strides = array<i32>} : memref<128xi32, #tpu.memory_space<vmem>>, vector<16xi32>,
      %eq3A_1823 = vector.broadcast %reduce_min3A_1798 : i32 to vector<16xi32>
      %eq3A_1824 = arith.cmpi eq, %get3A_1822, %eq3A_1823 : vector<16xi32>
      %broadcast_in_dim3A_1825 = vector.broadcast %cond3A : f32 to vector<16xf32>
      %select_n3A_1826 = arith.select %eq3A_1824, %broadcast_in_dim3A_1825, %get3A_1820 : vector<16xi1>, vector<16xf32>
      %swap3A_1827 = arith.constant 16 : index
      %swap3A_1828 = tpu.vector_load %arg7[%swap3A_1827] {strides = array<i32>} : memref<128xf32, #tpu.memory_space<vmem>>, vector<16xf32>,
      tpu.vector_store %arg7[%swap3A_1827], %select_n3A_1826 {strides = array<i32>} : memref<128xf32, #tpu.memory_space<vmem>>, vector<16xf32>,
      %get3A_1829 = arith.constant 32 : index
      %get3A_1830 = tpu.vector_load %arg7[%get3A_1829] {strides = array<i32>} : memref<128xf32, #tpu.memory_space<vmem>>, vector<16xf32>,
      %get3A_1831 = arith.constant 32 : index
      %get3A_1832 = tpu.vector_load %arg8[%get3A_1831] {strides = array<i32>} : memref<128xi32, #tpu.memory_space<vmem>>, vector<16xi32>,
      %eq3A_1833 = vector.broadcast %reduce_min3A_1798 : i32 to vector<16xi32>
      %eq3A_1834 = arith.cmpi eq, %get3A_1832, %eq3A_1833 : vector<16xi32>
      %broadcast_in_dim3A_1835 = vector.broadcast %cond3A : f32 to vector<16xf32>
      %select_n3A_1836 = arith.select %eq3A_1834, %broadcast_in_dim3A_1835, %get3A_1830 : vector<16xi1>, vector<16xf32>
      %swap3A_1837 = arith.constant 32 : index
      %swap3A_1838 = tpu.vector_load %arg7[%swap3A_1837] {strides = array<i32>} : memref<128xf32, #tpu.memory_space<vmem>>, vector<16xf32>,
      tpu.vector_store %arg7[%swap3A_1837], %select_n3A_1836 {strides = array<i32>} : memref<128xf32, #tpu.memory_space<vmem>>, vector<16xf32>,
      %get3A_1839 = arith.constant 48 : index
      %get3A_1840 = tpu.vector_load %arg7[%get3A_1839] {strides = array<i32>} : memref<128xf32, #tpu.memory_space<vmem>>, vector<16xf32>,
      %get3A_1841 = arith.constant 48 : index
      %get3A_1842 = tpu.vector_load %arg8[%get3A_1841] {strides = array<i32>} : memref<128xi32, #tpu.memory_space<vmem>>, vector<16xi32>,
      %eq3A_1843 = vector.broadcast %reduce_min3A_1798 : i32 to vector<16xi32>
      %eq3A_1844 = arith.cmpi eq, %get3A_1842, %eq3A_1843 : vector<16xi32>
      %broadcast_in_dim3A_1845 = vector.broadcast %cond3A : f32 to vector<16xf32>
      %select_n3A_1846 = arith.select %eq3A_1844, %broadcast_in_dim3A_1845, %get3A_1840 : vector<16xi1>, vector<16xf32>
      %swap3A_1847 = arith.constant 48 : index
      %swap3A_1848 = tpu.vector_load %arg7[%swap3A_1847] {strides = array<i32>} : memref<128xf32, #tpu.memory_space<vmem>>, vector<16xf32>,
      tpu.vector_store %arg7[%swap3A_1847], %select_n3A_1846 {strides = array<i32>} : memref<128xf32, #tpu.memory_space<vmem>>, vector<16xf32>,
      %get3A_1849 = arith.constant 64 : index
      %get3A_1850 = tpu.vector_load %arg7[%get3A_1849] {strides = array<i32>} : memref<128xf32, #tpu.memory_space<vmem>>, vector<16xf32>,
      %get3A_1851 = arith.constant 64 : index
      %get3A_1852 = tpu.vector_load %arg8[%get3A_1851] {strides = array<i32>} : memref<128xi32, #tpu.memory_space<vmem>>, vector<16xi32>,
      %eq3A_1853 = vector.broadcast %reduce_min3A_1798 : i32 to vector<16xi32>
      %eq3A_1854 = arith.cmpi eq, %get3A_1852, %eq3A_1853 : vector<16xi32>
      %broadcast_in_dim3A_1855 = vector.broadcast %cond3A : f32 to vector<16xf32>
      %select_n3A_1856 = arith.select %eq3A_1854, %broadcast_in_dim3A_1855, %get3A_1850 : vector<16xi1>, vector<16xf32>
      %swap3A_1857 = arith.constant 64 : index
      %swap3A_1858 = tpu.vector_load %arg7[%swap3A_1857] {strides = array<i32>} : memref<128xf32, #tpu.memory_space<vmem>>, vector<16xf32>,
      tpu.vector_store %arg7[%swap3A_1857], %select_n3A_1856 {strides = array<i32>} : memref<128xf32, #tpu.memory_space<vmem>>, vector<16xf32>,
      %get3A_1859 = arith.constant 80 : index
      %get3A_1860 = tpu.vector_load %arg7[%get3A_1859] {strides = array<i32>} : memref<128xf32, #tpu.memory_space<vmem>>, vector<16xf32>,
      %get3A_1861 = arith.constant 80 : index
      %get3A_1862 = tpu.vector_load %arg8[%get3A_1861] {strides = array<i32>} : memref<128xi32, #tpu.memory_space<vmem>>, vector<16xi32>,
      %eq3A_1863 = vector.broadcast %reduce_min3A_1798 : i32 to vector<16xi32>
      %eq3A_1864 = arith.cmpi eq, %get3A_1862, %eq3A_1863 : vector<16xi32>
      %broadcast_in_dim3A_1865 = vector.broadcast %cond3A : f32 to vector<16xf32>
      %select_n3A_1866 = arith.select %eq3A_1864, %broadcast_in_dim3A_1865, %get3A_1860 : vector<16xi1>, vector<16xf32>
      %swap3A_1867 = arith.constant 80 : index
      %swap3A_1868 = tpu.vector_load %arg7[%swap3A_1867] {strides = array<i32>} : memref<128xf32, #tpu.memory_space<vmem>>, vector<16xf32>,
      tpu.vector_store %arg7[%swap3A_1867], %select_n3A_1866 {strides = array<i32>} : memref<128xf32, #tpu.memory_space<vmem>>, vector<16xf32>,
      %get3A_1869 = arith.constant 96 : index
      %get3A_1870 = tpu.vector_load %arg7[%get3A_1869] {strides = array<i32>} : memref<128xf32, #tpu.memory_space<vmem>>, vector<16xf32>,
      %get3A_1871 = arith.constant 96 : index
      %get3A_1872 = tpu.vector_load %arg8[%get3A_1871] {strides = array<i32>} : memref<128xi32, #tpu.memory_space<vmem>>, vector<16xi32>,
      %eq3A_1873 = vector.broadcast %reduce_min3A_1798 : i32 to vector<16xi32>
      %eq3A_1874 = arith.cmpi eq, %get3A_1872, %eq3A_1873 : vector<16xi32>
      %broadcast_in_dim3A_1875 = vector.broadcast %cond3A : f32 to vector<16xf32>
      %select_n3A_1876 = arith.select %eq3A_1874, %broadcast_in_dim3A_1875, %get3A_1870 : vector<16xi1>, vector<16xf32>
      %swap3A_1877 = arith.constant 96 : index
      %swap3A_1878 = tpu.vector_load %arg7[%swap3A_1877] {strides = array<i32>} : memref<128xf32, #tpu.memory_space<vmem>>, vector<16xf32>,
      tpu.vector_store %arg7[%swap3A_1877], %select_n3A_1876 {strides = array<i32>} : memref<128xf32, #tpu.memory_space<vmem>>, vector<16xf32>,
      %get3A_1879 = arith.constant 112 : index
      %get3A_1880 = tpu.vector_load %arg7[%get3A_1879] {strides = array<i32>} : memref<128xf32, #tpu.memory_space<vmem>>, vector<16xf32>,
      %get3A_1881 = arith.constant 112 : index
      %get3A_1882 = tpu.vector_load %arg8[%get3A_1881] {strides = array<i32>} : memref<128xi32, #tpu.memory_space<vmem>>, vector<16xi32>,
      %eq3A_1883 = vector.broadcast %reduce_min3A_1798 : i32 to vector<16xi32>
      %eq3A_1884 = arith.cmpi eq, %get3A_1882, %eq3A_1883 : vector<16xi32>
      %broadcast_in_dim3A_1885 = vector.broadcast %cond3A : f32 to vector<16xf32>
      %select_n3A_1886 = arith.select %eq3A_1884, %broadcast_in_dim3A_1885, %get3A_1880 : vector<16xi1>, vector<16xf32>
      %swap3A_1887 = arith.constant 112 : index
      %swap3A_1888 = tpu.vector_load %arg7[%swap3A_1887] {strides = array<i32>} : memref<128xf32, #tpu.memory_space<vmem>>, vector<16xf32>,
      tpu.vector_store %arg7[%swap3A_1887], %select_n3A_1886 {strides = array<i32>} : memref<128xf32, #tpu.memory_space<vmem>>, vector<16xf32>,
      %broadcast_in_dim3A_1889 = vector.broadcast %cond3A : f32 to vector<16xf32>
      %broadcast_in_dim3A_1890 = arith.constant 0 : i32
      %broadcast_in_dim3A_1891 = vector.broadcast %broadcast_in_dim3A_1890 : i32 to vector<16xi32>
      %get3A_1892 = arith.constant 0 : index
      %get3A_1893 = tpu.vector_load %arg7[%get3A_1892] {strides = array<i32>} : memref<128xf32, #tpu.memory_space<vmem>>, vector<16xf32>,
      %get3A_1894 = arith.constant 0 : index
      %get3A_1895 = tpu.vector_load %arg8[%get3A_1894] {strides = array<i32>} : memref<128xi32, #tpu.memory_space<vmem>>, vector<16xi32>,
      %gt3A_1896 = arith.cmpf ogt, %get3A_1893, %broadcast_in_dim3A_1889 : vector<16xf32>
      %select_n3A_1897 = arith.select %gt3A_1896, %get3A_1893, %broadcast_in_dim3A_1889 : vector<16xi1>, vector<16xf32>
      %select_n3A_1898 = arith.select %gt3A_1896, %get3A_1895, %broadcast_in_dim3A_1891 : vector<16xi1>, vector<16xi32>
      %get3A_1899 = arith.constant 16 : index
      %get3A_1900 = tpu.vector_load %arg7[%get3A_1899] {strides = array<i32>} : memref<128xf32, #tpu.memory_space<vmem>>, vector<16xf32>,
      %get3A_1901 = arith.constant 16 : index
      %get3A_1902 = tpu.vector_load %arg8[%get3A_1901] {strides = array<i32>} : memref<128xi32, #tpu.memory_space<vmem>>, vector<16xi32>,
      %gt3A_1903 = arith.cmpf ogt, %get3A_1900, %select_n3A_1897 : vector<16xf32>
      %select_n3A_1904 = arith.select %gt3A_1903, %get3A_1900, %select_n3A_1897 : vector<16xi1>, vector<16xf32>
      %select_n3A_1905 = arith.select %gt3A_1903, %get3A_1902, %select_n3A_1898 : vector<16xi1>, vector<16xi32>
      %get3A_1906 = arith.constant 32 : index
      %get3A_1907 = tpu.vector_load %arg7[%get3A_1906] {strides = array<i32>} : memref<128xf32, #tpu.memory_space<vmem>>, vector<16xf32>,
      %get3A_1908 = arith.constant 32 : index
      %get3A_1909 = tpu.vector_load %arg8[%get3A_1908] {strides = array<i32>} : memref<128xi32, #tpu.memory_space<vmem>>, vector<16xi32>,
      %gt3A_1910 = arith.cmpf ogt, %get3A_1907, %select_n3A_1904 : vector<16xf32>
      %select_n3A_1911 = arith.select %gt3A_1910, %get3A_1907, %select_n3A_1904 : vector<16xi1>, vector<16xf32>
      %select_n3A_1912 = arith.select %gt3A_1910, %get3A_1909, %select_n3A_1905 : vector<16xi1>, vector<16xi32>
      %get3A_1913 = arith.constant 48 : index
      %get3A_1914 = tpu.vector_load %arg7[%get3A_1913] {strides = array<i32>} : memref<128xf32, #tpu.memory_space<vmem>>, vector<16xf32>,
      %get3A_1915 = arith.constant 48 : index
      %get3A_1916 = tpu.vector_load %arg8[%get3A_1915] {strides = array<i32>} : memref<128xi32, #tpu.memory_space<vmem>>, vector<16xi32>,
      %gt3A_1917 = arith.cmpf ogt, %get3A_1914, %select_n3A_1911 : vector<16xf32>
      %select_n3A_1918 = arith.select %gt3A_1917, %get3A_1914, %select_n3A_1911 : vector<16xi1>, vector<16xf32>
      %select_n3A_1919 = arith.select %gt3A_1917, %get3A_1916, %select_n3A_1912 : vector<16xi1>, vector<16xi32>
      %get3A_1920 = arith.constant 64 : index
      %get3A_1921 = tpu.vector_load %arg7[%get3A_1920] {strides = array<i32>} : memref<128xf32, #tpu.memory_space<vmem>>, vector<16xf32>,
      %get3A_1922 = arith.constant 64 : index
      %get3A_1923 = tpu.vector_load %arg8[%get3A_1922] {strides = array<i32>} : memref<128xi32, #tpu.memory_space<vmem>>, vector<16xi32>,
      %gt3A_1924 = arith.cmpf ogt, %get3A_1921, %select_n3A_1918 : vector<16xf32>
      %select_n3A_1925 = arith.select %gt3A_1924, %get3A_1921, %select_n3A_1918 : vector<16xi1>, vector<16xf32>
      %select_n3A_1926 = arith.select %gt3A_1924, %get3A_1923, %select_n3A_1919 : vector<16xi1>, vector<16xi32>
      %get3A_1927 = arith.constant 80 : index
      %get3A_1928 = tpu.vector_load %arg7[%get3A_1927] {strides = array<i32>} : memref<128xf32, #tpu.memory_space<vmem>>, vector<16xf32>,
      %get3A_1929 = arith.constant 80 : index
      %get3A_1930 = tpu.vector_load %arg8[%get3A_1929] {strides = array<i32>} : memref<128xi32, #tpu.memory_space<vmem>>, vector<16xi32>,
      %gt3A_1931 = arith.cmpf ogt, %get3A_1928, %select_n3A_1925 : vector<16xf32>
      %select_n3A_1932 = arith.select %gt3A_1931, %get3A_1928, %select_n3A_1925 : vector<16xi1>, vector<16xf32>
      %select_n3A_1933 = arith.select %gt3A_1931, %get3A_1930, %select_n3A_1926 : vector<16xi1>, vector<16xi32>
      %get3A_1934 = arith.constant 96 : index
      %get3A_1935 = tpu.vector_load %arg7[%get3A_1934] {strides = array<i32>} : memref<128xf32, #tpu.memory_space<vmem>>, vector<16xf32>,
      %get3A_1936 = arith.constant 96 : index
      %get3A_1937 = tpu.vector_load %arg8[%get3A_1936] {strides = array<i32>} : memref<128xi32, #tpu.memory_space<vmem>>, vector<16xi32>,
      %gt3A_1938 = arith.cmpf ogt, %get3A_1935, %select_n3A_1932 : vector<16xf32>
      %select_n3A_1939 = arith.select %gt3A_1938, %get3A_1935, %select_n3A_1932 : vector<16xi1>, vector<16xf32>
      %select_n3A_1940 = arith.select %gt3A_1938, %get3A_1937, %select_n3A_1933 : vector<16xi1>, vector<16xi32>
      %get3A_1941 = arith.constant 112 : index
      %get3A_1942 = tpu.vector_load %arg7[%get3A_1941] {strides = array<i32>} : memref<128xf32, #tpu.memory_space<vmem>>, vector<16xf32>,
      %get3A_1943 = arith.constant 112 : index
      %get3A_1944 = tpu.vector_load %arg8[%get3A_1943] {strides = array<i32>} : memref<128xi32, #tpu.memory_space<vmem>>, vector<16xi32>,
      %gt3A_1945 = arith.cmpf ogt, %get3A_1942, %select_n3A_1939 : vector<16xf32>
      %select_n3A_1946 = arith.select %gt3A_1945, %get3A_1942, %select_n3A_1939 : vector<16xi1>, vector<16xf32>
      %select_n3A_1947 = arith.select %gt3A_1945, %get3A_1944, %select_n3A_1940 : vector<16xi1>, vector<16xi32>
      %reduce_max3A_1948 = arith.constant true
      %reduce_max3A_1949 = vector.broadcast %reduce_max3A_1948 : i1 to vector<16xi1>
      %reduce_max3A_1950 = tpu.scan <max>, %select_n3A_1946 masked %reduce_max3A_1949 : vector<16xf32>, vector<16xi1> -> vector<16xf32>
      %reduce_max3A_1951 = vector.extract %reduce_max3A_1950[15] : f32 from vector<16xf32>
      %eq3A_1952 = vector.broadcast %reduce_max3A_1951 : f32 to vector<16xf32>
      %eq3A_1953 = arith.cmpf oeq, %select_n3A_1946, %eq3A_1952 : vector<16xf32>
      %jit3A_1954 = arith.constant 2048 : i32
      %broadcast_in_dim3A_1955 = vector.broadcast %jit3A_1954 : i32 to vector<16xi32>
      %select_n3A_1956 = arith.select %eq3A_1953, %select_n3A_1947, %broadcast_in_dim3A_1955 : vector<16xi1>, vector<16xi32>
      %reduce_min3A_1957 = arith.constant true
      %reduce_min3A_1958 = vector.broadcast %reduce_min3A_1957 : i1 to vector<16xi1>
      %reduce_min3A_1959 = arith.constant -2147483648 : i32
      %reduce_min3A_1960 = vector.broadcast %reduce_min3A_1959 : i32 to vector<16xi32>
      %reduce_min3A_1961 = arith.xori %select_n3A_1956, %reduce_min3A_1960 : vector<16xi32>
      %reduce_min3A_1962 = tpu.scan <min>, %reduce_min3A_1961 masked %reduce_min3A_1958 : vector<16xi32>, vector<16xi1> -> vector<16xi32>
      %reduce_min3A_1963 = arith.xori %reduce_min3A_1962, %reduce_min3A_1960 : vector<16xi32>
      %reduce_min3A_1964 = vector.extract %reduce_min3A_1963[15] : i32 from vector<16xi32>
      %eq3A_1965 = arith.constant 6 : i32
      %eq3A_1966 = vector.broadcast %eq3A_1965 : i32 to vector<16xi32>
      %eq3A_1967 = arith.cmpi eq, %iota3A, %eq3A_1966 : vector<16xi32>
      %broadcast_in_dim3A_1968 = vector.broadcast %reduce_min3A_1964 : i32 to vector<16xi32>
      %select_n3A_1969 = arith.select %eq3A_1967, %broadcast_in_dim3A_1968, %select_n3A_1803 : vector<16xi1>, vector<16xi32>
      %eq3A_1970 = arith.constant 6 : i32
      %eq3A_1971 = vector.broadcast %eq3A_1970 : i32 to vector<16xi32>
      %eq3A_1972 = arith.cmpi eq, %iota3A, %eq3A_1971 : vector<16xi32>
      %broadcast_in_dim3A_1973 = vector.broadcast %reduce_max3A_1951 : f32 to vector<16xf32>
      %select_n3A_1974 = arith.select %eq3A_1972, %broadcast_in_dim3A_1973, %select_n3A_1808 : vector<16xi1>, vector<16xf32>
      %get3A_1975 = arith.constant 0 : index
      %get3A_1976 = tpu.vector_load %arg7[%get3A_1975] {strides = array<i32>} : memref<128xf32, #tpu.memory_space<vmem>>, vector<16xf32>,
      %get3A_1977 = arith.constant 0 : index
      %get3A_1978 = tpu.vector_load %arg8[%get3A_1977] {strides = array<i32>} : memref<128xi32, #tpu.memory_space<vmem>>, vector<16xi32>,
      %eq3A_1979 = vector.broadcast %reduce_min3A_1964 : i32 to vector<16xi32>
      %eq3A_1980 = arith.cmpi eq, %get3A_1978, %eq3A_1979 : vector<16xi32>
      %broadcast_in_dim3A_1981 = vector.broadcast %cond3A : f32 to vector<16xf32>
      %select_n3A_1982 = arith.select %eq3A_1980, %broadcast_in_dim3A_1981, %get3A_1976 : vector<16xi1>, vector<16xf32>
      %swap3A_1983 = arith.constant 0 : index
      %swap3A_1984 = tpu.vector_load %arg7[%swap3A_1983] {strides = array<i32>} : memref<128xf32, #tpu.memory_space<vmem>>, vector<16xf32>,
      tpu.vector_store %arg7[%swap3A_1983], %select_n3A_1982 {strides = array<i32>} : memref<128xf32, #tpu.memory_space<vmem>>, vector<16xf32>,
      %get3A_1985 = arith.constant 16 : index
      %get3A_1986 = tpu.vector_load %arg7[%get3A_1985] {strides = array<i32>} : memref<128xf32, #tpu.memory_space<vmem>>, vector<16xf32>,
      %get3A_1987 = arith.constant 16 : index
      %get3A_1988 = tpu.vector_load %arg8[%get3A_1987] {strides = array<i32>} : memref<128xi32, #tpu.memory_space<vmem>>, vector<16xi32>,
      %eq3A_1989 = vector.broadcast %reduce_min3A_1964 : i32 to vector<16xi32>
      %eq3A_1990 = arith.cmpi eq, %get3A_1988, %eq3A_1989 : vector<16xi32>
      %broadcast_in_dim3A_1991 = vector.broadcast %cond3A : f32 to vector<16xf32>
      %select_n3A_1992 = arith.select %eq3A_1990, %broadcast_in_dim3A_1991, %get3A_1986 : vector<16xi1>, vector<16xf32>
      %swap3A_1993 = arith.constant 16 : index
      %swap3A_1994 = tpu.vector_load %arg7[%swap3A_1993] {strides = array<i32>} : memref<128xf32, #tpu.memory_space<vmem>>, vector<16xf32>,
      tpu.vector_store %arg7[%swap3A_1993], %select_n3A_1992 {strides = array<i32>} : memref<128xf32, #tpu.memory_space<vmem>>, vector<16xf32>,
      %get3A_1995 = arith.constant 32 : index
      %get3A_1996 = tpu.vector_load %arg7[%get3A_1995] {strides = array<i32>} : memref<128xf32, #tpu.memory_space<vmem>>, vector<16xf32>,
      %get3A_1997 = arith.constant 32 : index
      %get3A_1998 = tpu.vector_load %arg8[%get3A_1997] {strides = array<i32>} : memref<128xi32, #tpu.memory_space<vmem>>, vector<16xi32>,
      %eq3A_1999 = vector.broadcast %reduce_min3A_1964 : i32 to vector<16xi32>
      %eq3A_2000 = arith.cmpi eq, %get3A_1998, %eq3A_1999 : vector<16xi32>
      %broadcast_in_dim3A_2001 = vector.broadcast %cond3A : f32 to vector<16xf32>
      %select_n3A_2002 = arith.select %eq3A_2000, %broadcast_in_dim3A_2001, %get3A_1996 : vector<16xi1>, vector<16xf32>
      %swap3A_2003 = arith.constant 32 : index
      %swap3A_2004 = tpu.vector_load %arg7[%swap3A_2003] {strides = array<i32>} : memref<128xf32, #tpu.memory_space<vmem>>, vector<16xf32>,
      tpu.vector_store %arg7[%swap3A_2003], %select_n3A_2002 {strides = array<i32>} : memref<128xf32, #tpu.memory_space<vmem>>, vector<16xf32>,
      %get3A_2005 = arith.constant 48 : index
      %get3A_2006 = tpu.vector_load %arg7[%get3A_2005] {strides = array<i32>} : memref<128xf32, #tpu.memory_space<vmem>>, vector<16xf32>,
      %get3A_2007 = arith.constant 48 : index
      %get3A_2008 = tpu.vector_load %arg8[%get3A_2007] {strides = array<i32>} : memref<128xi32, #tpu.memory_space<vmem>>, vector<16xi32>,
      %eq3A_2009 = vector.broadcast %reduce_min3A_1964 : i32 to vector<16xi32>
      %eq3A_2010 = arith.cmpi eq, %get3A_2008, %eq3A_2009 : vector<16xi32>
      %broadcast_in_dim3A_2011 = vector.broadcast %cond3A : f32 to vector<16xf32>
      %select_n3A_2012 = arith.select %eq3A_2010, %broadcast_in_dim3A_2011, %get3A_2006 : vector<16xi1>, vector<16xf32>
      %swap3A_2013 = arith.constant 48 : index
      %swap3A_2014 = tpu.vector_load %arg7[%swap3A_2013] {strides = array<i32>} : memref<128xf32, #tpu.memory_space<vmem>>, vector<16xf32>,
      tpu.vector_store %arg7[%swap3A_2013], %select_n3A_2012 {strides = array<i32>} : memref<128xf32, #tpu.memory_space<vmem>>, vector<16xf32>,
      %get3A_2015 = arith.constant 64 : index
      %get3A_2016 = tpu.vector_load %arg7[%get3A_2015] {strides = array<i32>} : memref<128xf32, #tpu.memory_space<vmem>>, vector<16xf32>,
      %get3A_2017 = arith.constant 64 : index
      %get3A_2018 = tpu.vector_load %arg8[%get3A_2017] {strides = array<i32>} : memref<128xi32, #tpu.memory_space<vmem>>, vector<16xi32>,
      %eq3A_2019 = vector.broadcast %reduce_min3A_1964 : i32 to vector<16xi32>
      %eq3A_2020 = arith.cmpi eq, %get3A_2018, %eq3A_2019 : vector<16xi32>
      %broadcast_in_dim3A_2021 = vector.broadcast %cond3A : f32 to vector<16xf32>
      %select_n3A_2022 = arith.select %eq3A_2020, %broadcast_in_dim3A_2021, %get3A_2016 : vector<16xi1>, vector<16xf32>
      %swap3A_2023 = arith.constant 64 : index
      %swap3A_2024 = tpu.vector_load %arg7[%swap3A_2023] {strides = array<i32>} : memref<128xf32, #tpu.memory_space<vmem>>, vector<16xf32>,
      tpu.vector_store %arg7[%swap3A_2023], %select_n3A_2022 {strides = array<i32>} : memref<128xf32, #tpu.memory_space<vmem>>, vector<16xf32>,
      %get3A_2025 = arith.constant 80 : index
      %get3A_2026 = tpu.vector_load %arg7[%get3A_2025] {strides = array<i32>} : memref<128xf32, #tpu.memory_space<vmem>>, vector<16xf32>,
      %get3A_2027 = arith.constant 80 : index
      %get3A_2028 = tpu.vector_load %arg8[%get3A_2027] {strides = array<i32>} : memref<128xi32, #tpu.memory_space<vmem>>, vector<16xi32>,
      %eq3A_2029 = vector.broadcast %reduce_min3A_1964 : i32 to vector<16xi32>
      %eq3A_2030 = arith.cmpi eq, %get3A_2028, %eq3A_2029 : vector<16xi32>
      %broadcast_in_dim3A_2031 = vector.broadcast %cond3A : f32 to vector<16xf32>
      %select_n3A_2032 = arith.select %eq3A_2030, %broadcast_in_dim3A_2031, %get3A_2026 : vector<16xi1>, vector<16xf32>
      %swap3A_2033 = arith.constant 80 : index
      %swap3A_2034 = tpu.vector_load %arg7[%swap3A_2033] {strides = array<i32>} : memref<128xf32, #tpu.memory_space<vmem>>, vector<16xf32>,
      tpu.vector_store %arg7[%swap3A_2033], %select_n3A_2032 {strides = array<i32>} : memref<128xf32, #tpu.memory_space<vmem>>, vector<16xf32>,
      %get3A_2035 = arith.constant 96 : index
      %get3A_2036 = tpu.vector_load %arg7[%get3A_2035] {strides = array<i32>} : memref<128xf32, #tpu.memory_space<vmem>>, vector<16xf32>,
      %get3A_2037 = arith.constant 96 : index
      %get3A_2038 = tpu.vector_load %arg8[%get3A_2037] {strides = array<i32>} : memref<128xi32, #tpu.memory_space<vmem>>, vector<16xi32>,
      %eq3A_2039 = vector.broadcast %reduce_min3A_1964 : i32 to vector<16xi32>
      %eq3A_2040 = arith.cmpi eq, %get3A_2038, %eq3A_2039 : vector<16xi32>
      %broadcast_in_dim3A_2041 = vector.broadcast %cond3A : f32 to vector<16xf32>
      %select_n3A_2042 = arith.select %eq3A_2040, %broadcast_in_dim3A_2041, %get3A_2036 : vector<16xi1>, vector<16xf32>
      %swap3A_2043 = arith.constant 96 : index
      %swap3A_2044 = tpu.vector_load %arg7[%swap3A_2043] {strides = array<i32>} : memref<128xf32, #tpu.memory_space<vmem>>, vector<16xf32>,
      tpu.vector_store %arg7[%swap3A_2043], %select_n3A_2042 {strides = array<i32>} : memref<128xf32, #tpu.memory_space<vmem>>, vector<16xf32>,
      %get3A_2045 = arith.constant 112 : index
      %get3A_2046 = tpu.vector_load %arg7[%get3A_2045] {strides = array<i32>} : memref<128xf32, #tpu.memory_space<vmem>>, vector<16xf32>,
      %get3A_2047 = arith.constant 112 : index
      %get3A_2048 = tpu.vector_load %arg8[%get3A_2047] {strides = array<i32>} : memref<128xi32, #tpu.memory_space<vmem>>, vector<16xi32>,
      %eq3A_2049 = vector.broadcast %reduce_min3A_1964 : i32 to vector<16xi32>
      %eq3A_2050 = arith.cmpi eq, %get3A_2048, %eq3A_2049 : vector<16xi32>
      %broadcast_in_dim3A_2051 = vector.broadcast %cond3A : f32 to vector<16xf32>
      %select_n3A_2052 = arith.select %eq3A_2050, %broadcast_in_dim3A_2051, %get3A_2046 : vector<16xi1>, vector<16xf32>
      %swap3A_2053 = arith.constant 112 : index
      %swap3A_2054 = tpu.vector_load %arg7[%swap3A_2053] {strides = array<i32>} : memref<128xf32, #tpu.memory_space<vmem>>, vector<16xf32>,
      tpu.vector_store %arg7[%swap3A_2053], %select_n3A_2052 {strides = array<i32>} : memref<128xf32, #tpu.memory_space<vmem>>, vector<16xf32>,
      %broadcast_in_dim3A_2055 = vector.broadcast %cond3A : f32 to vector<16xf32>
      %broadcast_in_dim3A_2056 = arith.constant 0 : i32
      %broadcast_in_dim3A_2057 = vector.broadcast %broadcast_in_dim3A_2056 : i32 to vector<16xi32>
      %get3A_2058 = arith.constant 0 : index
      %get3A_2059 = tpu.vector_load %arg7[%get3A_2058] {strides = array<i32>} : memref<128xf32, #tpu.memory_space<vmem>>, vector<16xf32>,
      %get3A_2060 = arith.constant 0 : index
      %get3A_2061 = tpu.vector_load %arg8[%get3A_2060] {strides = array<i32>} : memref<128xi32, #tpu.memory_space<vmem>>, vector<16xi32>,
      %gt3A_2062 = arith.cmpf ogt, %get3A_2059, %broadcast_in_dim3A_2055 : vector<16xf32>
      %select_n3A_2063 = arith.select %gt3A_2062, %get3A_2059, %broadcast_in_dim3A_2055 : vector<16xi1>, vector<16xf32>
      %select_n3A_2064 = arith.select %gt3A_2062, %get3A_2061, %broadcast_in_dim3A_2057 : vector<16xi1>, vector<16xi32>
      %get3A_2065 = arith.constant 16 : index
      %get3A_2066 = tpu.vector_load %arg7[%get3A_2065] {strides = array<i32>} : memref<128xf32, #tpu.memory_space<vmem>>, vector<16xf32>,
      %get3A_2067 = arith.constant 16 : index
      %get3A_2068 = tpu.vector_load %arg8[%get3A_2067] {strides = array<i32>} : memref<128xi32, #tpu.memory_space<vmem>>, vector<16xi32>,
      %gt3A_2069 = arith.cmpf ogt, %get3A_2066, %select_n3A_2063 : vector<16xf32>
      %select_n3A_2070 = arith.select %gt3A_2069, %get3A_2066, %select_n3A_2063 : vector<16xi1>, vector<16xf32>
      %select_n3A_2071 = arith.select %gt3A_2069, %get3A_2068, %select_n3A_2064 : vector<16xi1>, vector<16xi32>
      %get3A_2072 = arith.constant 32 : index
      %get3A_2073 = tpu.vector_load %arg7[%get3A_2072] {strides = array<i32>} : memref<128xf32, #tpu.memory_space<vmem>>, vector<16xf32>,
      %get3A_2074 = arith.constant 32 : index
      %get3A_2075 = tpu.vector_load %arg8[%get3A_2074] {strides = array<i32>} : memref<128xi32, #tpu.memory_space<vmem>>, vector<16xi32>,
      %gt3A_2076 = arith.cmpf ogt, %get3A_2073, %select_n3A_2070 : vector<16xf32>
      %select_n3A_2077 = arith.select %gt3A_2076, %get3A_2073, %select_n3A_2070 : vector<16xi1>, vector<16xf32>
      %select_n3A_2078 = arith.select %gt3A_2076, %get3A_2075, %select_n3A_2071 : vector<16xi1>, vector<16xi32>
      %get3A_2079 = arith.constant 48 : index
      %get3A_2080 = tpu.vector_load %arg7[%get3A_2079] {strides = array<i32>} : memref<128xf32, #tpu.memory_space<vmem>>, vector<16xf32>,
      %get3A_2081 = arith.constant 48 : index
      %get3A_2082 = tpu.vector_load %arg8[%get3A_2081] {strides = array<i32>} : memref<128xi32, #tpu.memory_space<vmem>>, vector<16xi32>,
      %gt3A_2083 = arith.cmpf ogt, %get3A_2080, %select_n3A_2077 : vector<16xf32>
      %select_n3A_2084 = arith.select %gt3A_2083, %get3A_2080, %select_n3A_2077 : vector<16xi1>, vector<16xf32>
      %select_n3A_2085 = arith.select %gt3A_2083, %get3A_2082, %select_n3A_2078 : vector<16xi1>, vector<16xi32>
      %get3A_2086 = arith.constant 64 : index
      %get3A_2087 = tpu.vector_load %arg7[%get3A_2086] {strides = array<i32>} : memref<128xf32, #tpu.memory_space<vmem>>, vector<16xf32>,
      %get3A_2088 = arith.constant 64 : index
      %get3A_2089 = tpu.vector_load %arg8[%get3A_2088] {strides = array<i32>} : memref<128xi32, #tpu.memory_space<vmem>>, vector<16xi32>,
      %gt3A_2090 = arith.cmpf ogt, %get3A_2087, %select_n3A_2084 : vector<16xf32>
      %select_n3A_2091 = arith.select %gt3A_2090, %get3A_2087, %select_n3A_2084 : vector<16xi1>, vector<16xf32>
      %select_n3A_2092 = arith.select %gt3A_2090, %get3A_2089, %select_n3A_2085 : vector<16xi1>, vector<16xi32>
      %get3A_2093 = arith.constant 80 : index
      %get3A_2094 = tpu.vector_load %arg7[%get3A_2093] {strides = array<i32>} : memref<128xf32, #tpu.memory_space<vmem>>, vector<16xf32>,
      %get3A_2095 = arith.constant 80 : index
      %get3A_2096 = tpu.vector_load %arg8[%get3A_2095] {strides = array<i32>} : memref<128xi32, #tpu.memory_space<vmem>>, vector<16xi32>,
      %gt3A_2097 = arith.cmpf ogt, %get3A_2094, %select_n3A_2091 : vector<16xf32>
      %select_n3A_2098 = arith.select %gt3A_2097, %get3A_2094, %select_n3A_2091 : vector<16xi1>, vector<16xf32>
      %select_n3A_2099 = arith.select %gt3A_2097, %get3A_2096, %select_n3A_2092 : vector<16xi1>, vector<16xi32>
      %get3A_2100 = arith.constant 96 : index
      %get3A_2101 = tpu.vector_load %arg7[%get3A_2100] {strides = array<i32>} : memref<128xf32, #tpu.memory_space<vmem>>, vector<16xf32>,
      %get3A_2102 = arith.constant 96 : index
      %get3A_2103 = tpu.vector_load %arg8[%get3A_2102] {strides = array<i32>} : memref<128xi32, #tpu.memory_space<vmem>>, vector<16xi32>,
      %gt3A_2104 = arith.cmpf ogt, %get3A_2101, %select_n3A_2098 : vector<16xf32>
      %select_n3A_2105 = arith.select %gt3A_2104, %get3A_2101, %select_n3A_2098 : vector<16xi1>, vector<16xf32>
      %select_n3A_2106 = arith.select %gt3A_2104, %get3A_2103, %select_n3A_2099 : vector<16xi1>, vector<16xi32>
      %get3A_2107 = arith.constant 112 : index
      %get3A_2108 = tpu.vector_load %arg7[%get3A_2107] {strides = array<i32>} : memref<128xf32, #tpu.memory_space<vmem>>, vector<16xf32>,
      %get3A_2109 = arith.constant 112 : index
      %get3A_2110 = tpu.vector_load %arg8[%get3A_2109] {strides = array<i32>} : memref<128xi32, #tpu.memory_space<vmem>>, vector<16xi32>,
      %gt3A_2111 = arith.cmpf ogt, %get3A_2108, %select_n3A_2105 : vector<16xf32>
      %select_n3A_2112 = arith.select %gt3A_2111, %get3A_2108, %select_n3A_2105 : vector<16xi1>, vector<16xf32>
      %select_n3A_2113 = arith.select %gt3A_2111, %get3A_2110, %select_n3A_2106 : vector<16xi1>, vector<16xi32>
      %reduce_max3A_2114 = arith.constant true
      %reduce_max3A_2115 = vector.broadcast %reduce_max3A_2114 : i1 to vector<16xi1>
      %reduce_max3A_2116 = tpu.scan <max>, %select_n3A_2112 masked %reduce_max3A_2115 : vector<16xf32>, vector<16xi1> -> vector<16xf32>
      %reduce_max3A_2117 = vector.extract %reduce_max3A_2116[15] : f32 from vector<16xf32>
      %eq3A_2118 = vector.broadcast %reduce_max3A_2117 : f32 to vector<16xf32>
      %eq3A_2119 = arith.cmpf oeq, %select_n3A_2112, %eq3A_2118 : vector<16xf32>
      %jit3A_2120 = arith.constant 2048 : i32
      %broadcast_in_dim3A_2121 = vector.broadcast %jit3A_2120 : i32 to vector<16xi32>
      %select_n3A_2122 = arith.select %eq3A_2119, %select_n3A_2113, %broadcast_in_dim3A_2121 : vector<16xi1>, vector<16xi32>
      %reduce_min3A_2123 = arith.constant true
      %reduce_min3A_2124 = vector.broadcast %reduce_min3A_2123 : i1 to vector<16xi1>
      %reduce_min3A_2125 = arith.constant -2147483648 : i32
      %reduce_min3A_2126 = vector.broadcast %reduce_min3A_2125 : i32 to vector<16xi32>
      %reduce_min3A_2127 = arith.xori %select_n3A_2122, %reduce_min3A_2126 : vector<16xi32>
      %reduce_min3A_2128 = tpu.scan <min>, %reduce_min3A_2127 masked %reduce_min3A_2124 : vector<16xi32>, vector<16xi1> -> vector<16xi32>
      %reduce_min3A_2129 = arith.xori %reduce_min3A_2128, %reduce_min3A_2126 : vector<16xi32>
      %reduce_min3A_2130 = vector.extract %reduce_min3A_2129[15] : i32 from vector<16xi32>
      %eq3A_2131 = arith.constant 7 : i32
      %eq3A_2132 = vector.broadcast %eq3A_2131 : i32 to vector<16xi32>
      %eq3A_2133 = arith.cmpi eq, %iota3A, %eq3A_2132 : vector<16xi32>
      %broadcast_in_dim3A_2134 = vector.broadcast %reduce_min3A_2130 : i32 to vector<16xi32>
      %select_n3A_2135 = arith.select %eq3A_2133, %broadcast_in_dim3A_2134, %select_n3A_1969 : vector<16xi1>, vector<16xi32>
      %eq3A_2136 = arith.constant 7 : i32
      %eq3A_2137 = vector.broadcast %eq3A_2136 : i32 to vector<16xi32>
      %eq3A_2138 = arith.cmpi eq, %iota3A, %eq3A_2137 : vector<16xi32>
      %broadcast_in_dim3A_2139 = vector.broadcast %reduce_max3A_2117 : f32 to vector<16xf32>
      %select_n3A_2140 = arith.select %eq3A_2138, %broadcast_in_dim3A_2139, %select_n3A_1974 : vector<16xi1>, vector<16xf32>
      %get3A_2141 = arith.constant 0 : index
      %get3A_2142 = tpu.vector_load %arg7[%get3A_2141] {strides = array<i32>} : memref<128xf32, #tpu.memory_space<vmem>>, vector<16xf32>,
      %get3A_2143 = arith.constant 0 : index
      %get3A_2144 = tpu.vector_load %arg8[%get3A_2143] {strides = array<i32>} : memref<128xi32, #tpu.memory_space<vmem>>, vector<16xi32>,
      %eq3A_2145 = vector.broadcast %reduce_min3A_2130 : i32 to vector<16xi32>
      %eq3A_2146 = arith.cmpi eq, %get3A_2144, %eq3A_2145 : vector<16xi32>
      %broadcast_in_dim3A_2147 = vector.broadcast %cond3A : f32 to vector<16xf32>
      %select_n3A_2148 = arith.select %eq3A_2146, %broadcast_in_dim3A_2147, %get3A_2142 : vector<16xi1>, vector<16xf32>
      %swap3A_2149 = arith.constant 0 : index
      %swap3A_2150 = tpu.vector_load %arg7[%swap3A_2149] {strides = array<i32>} : memref<128xf32, #tpu.memory_space<vmem>>, vector<16xf32>,
      tpu.vector_store %arg7[%swap3A_2149], %select_n3A_2148 {strides = array<i32>} : memref<128xf32, #tpu.memory_space<vmem>>, vector<16xf32>,
      %get3A_2151 = arith.constant 16 : index
      %get3A_2152 = tpu.vector_load %arg7[%get3A_2151] {strides = array<i32>} : memref<128xf32, #tpu.memory_space<vmem>>, vector<16xf32>,
      %get3A_2153 = arith.constant 16 : index
      %get3A_2154 = tpu.vector_load %arg8[%get3A_2153] {strides = array<i32>} : memref<128xi32, #tpu.memory_space<vmem>>, vector<16xi32>,
      %eq3A_2155 = vector.broadcast %reduce_min3A_2130 : i32 to vector<16xi32>
      %eq3A_2156 = arith.cmpi eq, %get3A_2154, %eq3A_2155 : vector<16xi32>
      %broadcast_in_dim3A_2157 = vector.broadcast %cond3A : f32 to vector<16xf32>
      %select_n3A_2158 = arith.select %eq3A_2156, %broadcast_in_dim3A_2157, %get3A_2152 : vector<16xi1>, vector<16xf32>
      %swap3A_2159 = arith.constant 16 : index
      %swap3A_2160 = tpu.vector_load %arg7[%swap3A_2159] {strides = array<i32>} : memref<128xf32, #tpu.memory_space<vmem>>, vector<16xf32>,
      tpu.vector_store %arg7[%swap3A_2159], %select_n3A_2158 {strides = array<i32>} : memref<128xf32, #tpu.memory_space<vmem>>, vector<16xf32>,
      %get3A_2161 = arith.constant 32 : index
      %get3A_2162 = tpu.vector_load %arg7[%get3A_2161] {strides = array<i32>} : memref<128xf32, #tpu.memory_space<vmem>>, vector<16xf32>,
      %get3A_2163 = arith.constant 32 : index
      %get3A_2164 = tpu.vector_load %arg8[%get3A_2163] {strides = array<i32>} : memref<128xi32, #tpu.memory_space<vmem>>, vector<16xi32>,
      %eq3A_2165 = vector.broadcast %reduce_min3A_2130 : i32 to vector<16xi32>
      %eq3A_2166 = arith.cmpi eq, %get3A_2164, %eq3A_2165 : vector<16xi32>
      %broadcast_in_dim3A_2167 = vector.broadcast %cond3A : f32 to vector<16xf32>
      %select_n3A_2168 = arith.select %eq3A_2166, %broadcast_in_dim3A_2167, %get3A_2162 : vector<16xi1>, vector<16xf32>
      %swap3A_2169 = arith.constant 32 : index
      %swap3A_2170 = tpu.vector_load %arg7[%swap3A_2169] {strides = array<i32>} : memref<128xf32, #tpu.memory_space<vmem>>, vector<16xf32>,
      tpu.vector_store %arg7[%swap3A_2169], %select_n3A_2168 {strides = array<i32>} : memref<128xf32, #tpu.memory_space<vmem>>, vector<16xf32>,
      %get3A_2171 = arith.constant 48 : index
      %get3A_2172 = tpu.vector_load %arg7[%get3A_2171] {strides = array<i32>} : memref<128xf32, #tpu.memory_space<vmem>>, vector<16xf32>,
      %get3A_2173 = arith.constant 48 : index
      %get3A_2174 = tpu.vector_load %arg8[%get3A_2173] {strides = array<i32>} : memref<128xi32, #tpu.memory_space<vmem>>, vector<16xi32>,
      %eq3A_2175 = vector.broadcast %reduce_min3A_2130 : i32 to vector<16xi32>
      %eq3A_2176 = arith.cmpi eq, %get3A_2174, %eq3A_2175 : vector<16xi32>
      %broadcast_in_dim3A_2177 = vector.broadcast %cond3A : f32 to vector<16xf32>
      %select_n3A_2178 = arith.select %eq3A_2176, %broadcast_in_dim3A_2177, %get3A_2172 : vector<16xi1>, vector<16xf32>
      %swap3A_2179 = arith.constant 48 : index
      %swap3A_2180 = tpu.vector_load %arg7[%swap3A_2179] {strides = array<i32>} : memref<128xf32, #tpu.memory_space<vmem>>, vector<16xf32>,
      tpu.vector_store %arg7[%swap3A_2179], %select_n3A_2178 {strides = array<i32>} : memref<128xf32, #tpu.memory_space<vmem>>, vector<16xf32>,
      %get3A_2181 = arith.constant 64 : index
      %get3A_2182 = tpu.vector_load %arg7[%get3A_2181] {strides = array<i32>} : memref<128xf32, #tpu.memory_space<vmem>>, vector<16xf32>,
      %get3A_2183 = arith.constant 64 : index
      %get3A_2184 = tpu.vector_load %arg8[%get3A_2183] {strides = array<i32>} : memref<128xi32, #tpu.memory_space<vmem>>, vector<16xi32>,
      %eq3A_2185 = vector.broadcast %reduce_min3A_2130 : i32 to vector<16xi32>
      %eq3A_2186 = arith.cmpi eq, %get3A_2184, %eq3A_2185 : vector<16xi32>
      %broadcast_in_dim3A_2187 = vector.broadcast %cond3A : f32 to vector<16xf32>
      %select_n3A_2188 = arith.select %eq3A_2186, %broadcast_in_dim3A_2187, %get3A_2182 : vector<16xi1>, vector<16xf32>
      %swap3A_2189 = arith.constant 64 : index
      %swap3A_2190 = tpu.vector_load %arg7[%swap3A_2189] {strides = array<i32>} : memref<128xf32, #tpu.memory_space<vmem>>, vector<16xf32>,
      tpu.vector_store %arg7[%swap3A_2189], %select_n3A_2188 {strides = array<i32>} : memref<128xf32, #tpu.memory_space<vmem>>, vector<16xf32>,
      %get3A_2191 = arith.constant 80 : index
      %get3A_2192 = tpu.vector_load %arg7[%get3A_2191] {strides = array<i32>} : memref<128xf32, #tpu.memory_space<vmem>>, vector<16xf32>,
      %get3A_2193 = arith.constant 80 : index
      %get3A_2194 = tpu.vector_load %arg8[%get3A_2193] {strides = array<i32>} : memref<128xi32, #tpu.memory_space<vmem>>, vector<16xi32>,
      %eq3A_2195 = vector.broadcast %reduce_min3A_2130 : i32 to vector<16xi32>
      %eq3A_2196 = arith.cmpi eq, %get3A_2194, %eq3A_2195 : vector<16xi32>
      %broadcast_in_dim3A_2197 = vector.broadcast %cond3A : f32 to vector<16xf32>
      %select_n3A_2198 = arith.select %eq3A_2196, %broadcast_in_dim3A_2197, %get3A_2192 : vector<16xi1>, vector<16xf32>
      %swap3A_2199 = arith.constant 80 : index
      %swap3A_2200 = tpu.vector_load %arg7[%swap3A_2199] {strides = array<i32>} : memref<128xf32, #tpu.memory_space<vmem>>, vector<16xf32>,
      tpu.vector_store %arg7[%swap3A_2199], %select_n3A_2198 {strides = array<i32>} : memref<128xf32, #tpu.memory_space<vmem>>, vector<16xf32>,
      %get3A_2201 = arith.constant 96 : index
      %get3A_2202 = tpu.vector_load %arg7[%get3A_2201] {strides = array<i32>} : memref<128xf32, #tpu.memory_space<vmem>>, vector<16xf32>,
      %get3A_2203 = arith.constant 96 : index
      %get3A_2204 = tpu.vector_load %arg8[%get3A_2203] {strides = array<i32>} : memref<128xi32, #tpu.memory_space<vmem>>, vector<16xi32>,
      %eq3A_2205 = vector.broadcast %reduce_min3A_2130 : i32 to vector<16xi32>
      %eq3A_2206 = arith.cmpi eq, %get3A_2204, %eq3A_2205 : vector<16xi32>
      %broadcast_in_dim3A_2207 = vector.broadcast %cond3A : f32 to vector<16xf32>
      %select_n3A_2208 = arith.select %eq3A_2206, %broadcast_in_dim3A_2207, %get3A_2202 : vector<16xi1>, vector<16xf32>
      %swap3A_2209 = arith.constant 96 : index
      %swap3A_2210 = tpu.vector_load %arg7[%swap3A_2209] {strides = array<i32>} : memref<128xf32, #tpu.memory_space<vmem>>, vector<16xf32>,
      tpu.vector_store %arg7[%swap3A_2209], %select_n3A_2208 {strides = array<i32>} : memref<128xf32, #tpu.memory_space<vmem>>, vector<16xf32>,
      %get3A_2211 = arith.constant 112 : index
      %get3A_2212 = tpu.vector_load %arg7[%get3A_2211] {strides = array<i32>} : memref<128xf32, #tpu.memory_space<vmem>>, vector<16xf32>,
      %get3A_2213 = arith.constant 112 : index
      %get3A_2214 = tpu.vector_load %arg8[%get3A_2213] {strides = array<i32>} : memref<128xi32, #tpu.memory_space<vmem>>, vector<16xi32>,
      %eq3A_2215 = vector.broadcast %reduce_min3A_2130 : i32 to vector<16xi32>
      %eq3A_2216 = arith.cmpi eq, %get3A_2214, %eq3A_2215 : vector<16xi32>
      %broadcast_in_dim3A_2217 = vector.broadcast %cond3A : f32 to vector<16xf32>
      %select_n3A_2218 = arith.select %eq3A_2216, %broadcast_in_dim3A_2217, %get3A_2212 : vector<16xi1>, vector<16xf32>
      %swap3A_2219 = arith.constant 112 : index
      %swap3A_2220 = tpu.vector_load %arg7[%swap3A_2219] {strides = array<i32>} : memref<128xf32, #tpu.memory_space<vmem>>, vector<16xf32>,
      tpu.vector_store %arg7[%swap3A_2219], %select_n3A_2218 {strides = array<i32>} : memref<128xf32, #tpu.memory_space<vmem>>, vector<16xf32>,
      %swap3A_2221 = arith.constant 0 : index
      %swap3A_2222 = tpu.vector_load %arg11[%swap3A_2221] {strides = array<i32>} : memref<16xi32, #tpu.memory_space<vmem>>, vector<16xi32>,
      tpu.vector_store %arg11[%swap3A_2221], %select_n3A_2135 {strides = array<i32>} : memref<16xi32, #tpu.memory_space<vmem>>, vector<16xi32>,
      %swap3A_2223 = arith.constant 0 : index
      %swap3A_2224 = tpu.vector_load %arg12[%swap3A_2223] {strides = array<i32>} : memref<16xf32, #tpu.memory_space<vmem>>, vector<16xf32>,
      tpu.vector_store %arg12[%swap3A_2223], %select_n3A_2140 {strides = array<i32>} : memref<16xf32, #tpu.memory_space<vmem>>, vector<16xf32>,
      %mul3A_2225 = arith.constant 16 : i32
      %mul3A_2226 = arith.muli %mul3A_2225, %add3A : i32
      "tpu.region"() ({
        %run_scoped3A = tpu.sem_alloc : memref<!tpu.dma_semaphore, #tpu.memory_space<semaphore_mem>>
        %dma_start3A_2239 = tpu.memref_slice %arg5[%mul3A_2226] : memref<64xf32, #tpu.memory_space<hbm>> -> memref<16xf32, #tpu.memory_space<hbm>>
        %dma_start3A_2240 = tpu.memref_slice %arg5[%mul3A_2226] : memref<64xf32, #tpu.memory_space<hbm>> -> memref<16xf32, #tpu.memory_space<hbm>>
        tpu.enqueue_dma source(%arg12 : memref<16xf32, #tpu.memory_space<vmem>>) target(%dma_start3A_2240 : memref<16xf32, #tpu.memory_space<hbm>>) target_semaphore(%run_scoped3A : memref<!tpu.dma_semaphore, #tpu.memory_space<semaphore_mem>>)
        %dma_wait3A_2241 = tpu.memref_slice %arg5[%mul3A_2226] : memref<64xf32, #tpu.memory_space<hbm>> -> memref<16xf32, #tpu.memory_space<hbm>>
        %dma_wait3A_2242 = tpu.memref_slice %arg5[%mul3A_2226] : memref<64xf32, #tpu.memory_space<hbm>> -> memref<16xf32, #tpu.memory_space<hbm>>
        tpu.wait_dma2 semaphore(%run_scoped3A : memref<!tpu.dma_semaphore, #tpu.memory_space<semaphore_mem>>) src(%arg12 : memref<16xf32, #tpu.memory_space<vmem>>) dst(%dma_wait3A_2242 : memref<16xf32, #tpu.memory_space<hbm>>)
        tpu.yield
      }) : () -> ()
      %dma_start3A = arith.constant 0 : i32
      %dma_start3A_2227 = tpu.memref_slice %arg11[%dma_start3A] : memref<16xi32, #tpu.memory_space<vmem>> -> memref<8xi32, #tpu.memory_space<vmem>>
      %dma_start3A_2228 = arith.constant 0 : i32
      %dma_start3A_2229 = arith.constant 0 : i32
      %dma_start3A_2230 = arith.constant 0 : i32
      %dma_start3A_2231 = tpu.memref_slice %arg3[%dma_start3A_2228, %dma_start3A_2229, %dma_start3A_2230] : memref<1024x8x768xf32, #tpu.memory_space<hbm>> -> memref<1024x8x768xf32, #tpu.memory_space<hbm>>
      tpu.enqueue_indirect_dma source(%dma_start3A_2231 : memref<1024x8x768xf32, #tpu.memory_space<hbm>>) target(%arg13 : memref<8x8x768xf32, #tpu.memory_space<vmem>>) offsets(%dma_start3A_2227 : memref<8xi32, #tpu.memory_space<vmem>>) semaphore(%arg16 : memref<!tpu.dma_semaphore, #tpu.memory_space<semaphore_mem>>)
      %dma_wait3A = arith.constant 0 : i32
      %dma_wait3A_2232 = tpu.memref_slice %arg11[%dma_wait3A] : memref<16xi32, #tpu.memory_space<vmem>> -> memref<8xi32, #tpu.memory_space<vmem>>
      %dma_wait3A_2233 = arith.constant 0 : i32
      %dma_wait3A_2234 = arith.constant 0 : i32
      %dma_wait3A_2235 = arith.constant 0 : i32
      %dma_wait3A_2236 = tpu.memref_slice %arg3[%dma_wait3A_2233, %dma_wait3A_2234, %dma_wait3A_2235] : memref<1024x8x768xf32, #tpu.memory_space<hbm>> -> memref<1024x8x768xf32, #tpu.memory_space<hbm>>
      tpu.wait_indirect_dma semaphore(%arg16 : memref<!tpu.dma_semaphore, #tpu.memory_space<semaphore_mem>>) src(%dma_wait3A_2236 : memref<1024x8x768xf32, #tpu.memory_space<hbm>>) dst(%arg13 : memref<8x8x768xf32, #tpu.memory_space<vmem>>)
      %mul3A_2237 = arith.constant 8 : i32
      %mul3A_2238 = arith.muli %mul3A_2237, %add3A : i32
      "tpu.region"() ({
        %run_scoped3A = tpu.sem_alloc : memref<!tpu.dma_semaphore, #tpu.memory_space<semaphore_mem>>
        %dma_start3A_2239 = arith.constant 0 : i32
        %dma_start3A_2240 = arith.constant 0 : i32
        %dma_start3A_2241 = tpu.memref_slice %arg4[%mul3A_2238, %dma_start3A_2239, %dma_start3A_2240] : memref<32x8x768xf32, #tpu.memory_space<hbm>> -> memref<8x8x768xf32, #tpu.memory_space<hbm>>
        %dma_start3A_2242 = arith.constant 0 : i32
        %dma_start3A_2243 = arith.constant 0 : i32
        %dma_start3A_2244 = tpu.memref_slice %arg4[%mul3A_2238, %dma_start3A_2242, %dma_start3A_2243] : memref<32x8x768xf32, #tpu.memory_space<hbm>> -> memref<8x8x768xf32, #tpu.memory_space<hbm>>
        tpu.enqueue_dma source(%arg13 : memref<8x8x768xf32, #tpu.memory_space<vmem>>) target(%dma_start3A_2244 : memref<8x8x768xf32, #tpu.memory_space<hbm>>) target_semaphore(%run_scoped3A : memref<!tpu.dma_semaphore, #tpu.memory_space<semaphore_mem>>)
        %dma_wait3A_2245 = arith.constant 0 : i32
        %dma_wait3A_2246 = arith.constant 0 : i32
        %dma_wait3A_2247 = tpu.memref_slice %arg4[%mul3A_2238, %dma_wait3A_2245, %dma_wait3A_2246] : memref<32x8x768xf32, #tpu.memory_space<hbm>> -> memref<8x8x768xf32, #tpu.memory_space<hbm>>
        %dma_wait3A_2248 = arith.constant 0 : i32
        %dma_wait3A_2249 = arith.constant 0 : i32
        %dma_wait3A_2250 = tpu.memref_slice %arg4[%mul3A_2238, %dma_wait3A_2248, %dma_wait3A_2249] : memref<32x8x768xf32, #tpu.memory_space<hbm>> -> memref<8x8x768xf32, #tpu.memory_space<hbm>>
        tpu.wait_dma2 semaphore(%run_scoped3A : memref<!tpu.dma_semaphore, #tpu.memory_space<semaphore_mem>>) src(%arg13 : memref<8x8x768xf32, #tpu.memory_space<vmem>>) dst(%dma_wait3A_2250 : memref<8x8x768xf32, #tpu.memory_space<hbm>>)
        tpu.yield
      }) : () -> ()
    } else {
    }
    return
  }
}

module attributes {stable_mosaic.version = 14 : i64} {
  func.func @_copy_score_body(%arg0: i32, %arg1: memref<4x64x768xf32, #tpu.memory_space<vmem>>, %arg2: memref<4x64x768xf32, #tpu.memory_space<vmem>>, %arg3: memref<4x64x768xf32, #tpu.memory_space<vmem>>, %arg4: memref<4x64x768xf32, #tpu.memory_space<vmem>>, %arg5: memref<4x64x768xf32, #tpu.memory_space<vmem>>, %arg6: memref<4x64x768xf32, #tpu.memory_space<vmem>>, %arg7: memref<4x64x768xf32, #tpu.memory_space<vmem>>, %arg8: memref<4x64x768xf32, #tpu.memory_space<vmem>>, %arg9: memref<1024x768xf32, #tpu.memory_space<vmem>>, %arg10: memref<4x512x768xf32, #tpu.memory_space<vmem>>, %arg11: memref<4x1024xf32, #tpu.memory_space<vmem>>, %arg12: memref<4x768xf32, #tpu.memory_space<vmem>>) attributes {dimension_semantics = [#tpu.dimension_semantics<arbitrary>], iteration_bounds = array<i64: 17>, scalar_prefetch = 0 : i64, scratch_operands = 1 : i64, tpu.core_type = #tpu.core_type<tc>, window_params = [{transform_indices = @transform_0, window_bounds = array<i64: 4, 64, 768>}, {transform_indices = @transform_1, window_bounds = array<i64: 4, 64, 768>}, {transform_indices = @transform_2, window_bounds = array<i64: 4, 64, 768>}, {transform_indices = @transform_3, window_bounds = array<i64: 4, 64, 768>}, {transform_indices = @transform_4, window_bounds = array<i64: 4, 64, 768>}, {transform_indices = @transform_5, window_bounds = array<i64: 4, 64, 768>}, {transform_indices = @transform_6, window_bounds = array<i64: 4, 64, 768>}, {transform_indices = @transform_7, window_bounds = array<i64: 4, 64, 768>}, {pipeline_mode = #tpu.pipeline_mode<synchronous>, transform_indices = @transform_8, window_bounds = array<i64: 1024, 768>}, {transform_indices = @transform_9, window_bounds = array<i64: 4, 512, 768>}, {pipeline_mode = #tpu.pipeline_mode<synchronous>, transform_indices = @transform_10, window_bounds = array<i64: 4, 1024>}]} {
    %get3A = arith.constant 0 : index
    %get3A_0 = arith.constant 0 : index
    %get3A_1 = arith.constant 0 : index
    %get3A_2 = vector.load %arg1[%get3A, %get3A_0, %get3A_1] : memref<4x64x768xf32, #tpu.memory_space<vmem>>, vector<4x64x768xf32>
    %swap3A = arith.constant 0 : index
    %swap3A_3 = arith.constant 0 : index
    %swap3A_4 = arith.constant 0 : index
    %swap3A_5 = vector.load %arg10[%swap3A, %swap3A_3, %swap3A_4] : memref<4x512x768xf32, #tpu.memory_space<vmem>>, vector<4x64x768xf32>
    tpu.vector_store %arg10[%swap3A, %swap3A_3, %swap3A_4], %get3A_2 {strides = array<i32>} : memref<4x512x768xf32, #tpu.memory_space<vmem>>, vector<4x64x768xf32>,
    %get3A_6 = arith.constant 0 : index
    %get3A_7 = arith.constant 0 : index
    %get3A_8 = arith.constant 0 : index
    %get3A_9 = vector.load %arg2[%get3A_6, %get3A_7, %get3A_8] : memref<4x64x768xf32, #tpu.memory_space<vmem>>, vector<4x64x768xf32>
    %swap3A_10 = arith.constant 0 : index
    %swap3A_11 = arith.constant 64 : index
    %swap3A_12 = arith.constant 0 : index
    %swap3A_13 = vector.load %arg10[%swap3A_10, %swap3A_11, %swap3A_12] : memref<4x512x768xf32, #tpu.memory_space<vmem>>, vector<4x64x768xf32>
    tpu.vector_store %arg10[%swap3A_10, %swap3A_11, %swap3A_12], %get3A_9 {strides = array<i32>} : memref<4x512x768xf32, #tpu.memory_space<vmem>>, vector<4x64x768xf32>,
    %get3A_14 = arith.constant 0 : index
    %get3A_15 = arith.constant 0 : index
    %get3A_16 = arith.constant 0 : index
    %get3A_17 = vector.load %arg3[%get3A_14, %get3A_15, %get3A_16] : memref<4x64x768xf32, #tpu.memory_space<vmem>>, vector<4x64x768xf32>
    %swap3A_18 = arith.constant 0 : index
    %swap3A_19 = arith.constant 128 : index
    %swap3A_20 = arith.constant 0 : index
    %swap3A_21 = vector.load %arg10[%swap3A_18, %swap3A_19, %swap3A_20] : memref<4x512x768xf32, #tpu.memory_space<vmem>>, vector<4x64x768xf32>
    tpu.vector_store %arg10[%swap3A_18, %swap3A_19, %swap3A_20], %get3A_17 {strides = array<i32>} : memref<4x512x768xf32, #tpu.memory_space<vmem>>, vector<4x64x768xf32>,
    %get3A_22 = arith.constant 0 : index
    %get3A_23 = arith.constant 0 : index
    %get3A_24 = arith.constant 0 : index
    %get3A_25 = vector.load %arg4[%get3A_22, %get3A_23, %get3A_24] : memref<4x64x768xf32, #tpu.memory_space<vmem>>, vector<4x64x768xf32>
    %swap3A_26 = arith.constant 0 : index
    %swap3A_27 = arith.constant 192 : index
    %swap3A_28 = arith.constant 0 : index
    %swap3A_29 = vector.load %arg10[%swap3A_26, %swap3A_27, %swap3A_28] : memref<4x512x768xf32, #tpu.memory_space<vmem>>, vector<4x64x768xf32>
    tpu.vector_store %arg10[%swap3A_26, %swap3A_27, %swap3A_28], %get3A_25 {strides = array<i32>} : memref<4x512x768xf32, #tpu.memory_space<vmem>>, vector<4x64x768xf32>,
    %get3A_30 = arith.constant 0 : index
    %get3A_31 = arith.constant 0 : index
    %get3A_32 = arith.constant 0 : index
    %get3A_33 = vector.load %arg5[%get3A_30, %get3A_31, %get3A_32] : memref<4x64x768xf32, #tpu.memory_space<vmem>>, vector<4x64x768xf32>
    %swap3A_34 = arith.constant 0 : index
    %swap3A_35 = arith.constant 256 : index
    %swap3A_36 = arith.constant 0 : index
    %swap3A_37 = vector.load %arg10[%swap3A_34, %swap3A_35, %swap3A_36] : memref<4x512x768xf32, #tpu.memory_space<vmem>>, vector<4x64x768xf32>
    tpu.vector_store %arg10[%swap3A_34, %swap3A_35, %swap3A_36], %get3A_33 {strides = array<i32>} : memref<4x512x768xf32, #tpu.memory_space<vmem>>, vector<4x64x768xf32>,
    %get3A_38 = arith.constant 0 : index
    %get3A_39 = arith.constant 0 : index
    %get3A_40 = arith.constant 0 : index
    %get3A_41 = vector.load %arg6[%get3A_38, %get3A_39, %get3A_40] : memref<4x64x768xf32, #tpu.memory_space<vmem>>, vector<4x64x768xf32>
    %swap3A_42 = arith.constant 0 : index
    %swap3A_43 = arith.constant 320 : index
    %swap3A_44 = arith.constant 0 : index
    %swap3A_45 = vector.load %arg10[%swap3A_42, %swap3A_43, %swap3A_44] : memref<4x512x768xf32, #tpu.memory_space<vmem>>, vector<4x64x768xf32>
    tpu.vector_store %arg10[%swap3A_42, %swap3A_43, %swap3A_44], %get3A_41 {strides = array<i32>} : memref<4x512x768xf32, #tpu.memory_space<vmem>>, vector<4x64x768xf32>,
    %get3A_46 = arith.constant 0 : index
    %get3A_47 = arith.constant 0 : index
    %get3A_48 = arith.constant 0 : index
    %get3A_49 = vector.load %arg7[%get3A_46, %get3A_47, %get3A_48] : memref<4x64x768xf32, #tpu.memory_space<vmem>>, vector<4x64x768xf32>
    %swap3A_50 = arith.constant 0 : index
    %swap3A_51 = arith.constant 384 : index
    %swap3A_52 = arith.constant 0 : index
    %swap3A_53 = vector.load %arg10[%swap3A_50, %swap3A_51, %swap3A_52] : memref<4x512x768xf32, #tpu.memory_space<vmem>>, vector<4x64x768xf32>
    tpu.vector_store %arg10[%swap3A_50, %swap3A_51, %swap3A_52], %get3A_49 {strides = array<i32>} : memref<4x512x768xf32, #tpu.memory_space<vmem>>, vector<4x64x768xf32>,
    %get3A_54 = arith.constant 0 : index
    %get3A_55 = arith.constant 0 : index
    %get3A_56 = arith.constant 0 : index
    %get3A_57 = vector.load %arg8[%get3A_54, %get3A_55, %get3A_56] : memref<4x64x768xf32, #tpu.memory_space<vmem>>, vector<4x64x768xf32>
    %swap3A_58 = arith.constant 0 : index
    %swap3A_59 = arith.constant 448 : index
    %swap3A_60 = arith.constant 0 : index
    %swap3A_61 = vector.load %arg10[%swap3A_58, %swap3A_59, %swap3A_60] : memref<4x512x768xf32, #tpu.memory_space<vmem>>, vector<4x64x768xf32>
    tpu.vector_store %arg10[%swap3A_58, %swap3A_59, %swap3A_60], %get3A_57 {strides = array<i32>} : memref<4x512x768xf32, #tpu.memory_space<vmem>>, vector<4x64x768xf32>,
    %get3A_62 = arith.constant 0 : index
    %get3A_63 = arith.constant 0 : index
    %get3A_64 = arith.constant 0 : index
    %get3A_65 = vector.load %arg2[%get3A_62, %get3A_63, %get3A_64] : memref<4x64x768xf32, #tpu.memory_space<vmem>>, vector<4x64x768xf32>
    %reduce_sum3A = arith.constant dense<0.000000e+00> : vector<4x768xf32>
    %reduce_sum3A_66 = vector.multi_reduction <add>, %get3A_65, %reduce_sum3A [1] : vector<4x64x768xf32> to vector<4x768xf32>
    %get3A_67 = arith.constant 0 : index
    %get3A_68 = arith.constant 0 : index
    %get3A_69 = arith.constant 0 : index
    %get3A_70 = vector.load %arg3[%get3A_67, %get3A_68, %get3A_69] : memref<4x64x768xf32, #tpu.memory_space<vmem>>, vector<4x64x768xf32>
    %reduce_sum3A_71 = arith.constant dense<0.000000e+00> : vector<4x768xf32>
    %reduce_sum3A_72 = vector.multi_reduction <add>, %get3A_70, %reduce_sum3A_71 [1] : vector<4x64x768xf32> to vector<4x768xf32>
    %add3A = arith.addf %reduce_sum3A_66, %reduce_sum3A_72 : vector<4x768xf32>
    %get3A_73 = arith.constant 0 : index
    %get3A_74 = arith.constant 0 : index
    %get3A_75 = arith.constant 0 : index
    %get3A_76 = vector.load %arg4[%get3A_73, %get3A_74, %get3A_75] : memref<4x64x768xf32, #tpu.memory_space<vmem>>, vector<4x64x768xf32>
    %reduce_sum3A_77 = arith.constant dense<0.000000e+00> : vector<4x768xf32>
    %reduce_sum3A_78 = vector.multi_reduction <add>, %get3A_76, %reduce_sum3A_77 [1] : vector<4x64x768xf32> to vector<4x768xf32>
    %add3A_79 = arith.addf %add3A, %reduce_sum3A_78 : vector<4x768xf32>
    %get3A_80 = arith.constant 0 : index
    %get3A_81 = arith.constant 0 : index
    %get3A_82 = arith.constant 0 : index
    %get3A_83 = vector.load %arg5[%get3A_80, %get3A_81, %get3A_82] : memref<4x64x768xf32, #tpu.memory_space<vmem>>, vector<4x64x768xf32>
    %reduce_sum3A_84 = arith.constant dense<0.000000e+00> : vector<4x768xf32>
    %reduce_sum3A_85 = vector.multi_reduction <add>, %get3A_83, %reduce_sum3A_84 [1] : vector<4x64x768xf32> to vector<4x768xf32>
    %add3A_86 = arith.addf %add3A_79, %reduce_sum3A_85 : vector<4x768xf32>
    %get3A_87 = arith.constant 0 : index
    %get3A_88 = arith.constant 0 : index
    %get3A_89 = arith.constant 0 : index
    %get3A_90 = vector.load %arg6[%get3A_87, %get3A_88, %get3A_89] : memref<4x64x768xf32, #tpu.memory_space<vmem>>, vector<4x64x768xf32>
    %reduce_sum3A_91 = arith.constant dense<0.000000e+00> : vector<4x768xf32>
    %reduce_sum3A_92 = vector.multi_reduction <add>, %get3A_90, %reduce_sum3A_91 [1] : vector<4x64x768xf32> to vector<4x768xf32>
    %add3A_93 = arith.addf %add3A_86, %reduce_sum3A_92 : vector<4x768xf32>
    %get3A_94 = arith.constant 0 : index
    %get3A_95 = arith.constant 0 : index
    %get3A_96 = arith.constant 0 : index
    %get3A_97 = vector.load %arg7[%get3A_94, %get3A_95, %get3A_96] : memref<4x64x768xf32, #tpu.memory_space<vmem>>, vector<4x64x768xf32>
    %reduce_sum3A_98 = arith.constant dense<0.000000e+00> : vector<4x768xf32>
    %reduce_sum3A_99 = vector.multi_reduction <add>, %get3A_97, %reduce_sum3A_98 [1] : vector<4x64x768xf32> to vector<4x768xf32>
    %add3A_100 = arith.addf %add3A_93, %reduce_sum3A_99 : vector<4x768xf32>
    %get3A_101 = arith.constant 0 : index
    %get3A_102 = arith.constant 0 : index
    %get3A_103 = arith.constant 0 : index
    %get3A_104 = vector.load %arg8[%get3A_101, %get3A_102, %get3A_103] : memref<4x64x768xf32, #tpu.memory_space<vmem>>, vector<4x64x768xf32>
    %reduce_sum3A_105 = arith.constant dense<0.000000e+00> : vector<4x768xf32>
    %reduce_sum3A_106 = vector.multi_reduction <add>, %get3A_104, %reduce_sum3A_105 [1] : vector<4x64x768xf32> to vector<4x768xf32>
    %add3A_107 = arith.addf %add3A_100, %reduce_sum3A_106 : vector<4x768xf32>
    %eq3A = arith.constant 0 : i32
    %eq3A_108 = arith.cmpi eq, %arg0, %eq3A : i32
    %convert_element_type3A = arith.extui %eq3A_108 : i1 to i32
    %cond3A = arith.constant 0 : i32
    %cond3A_109 = arith.cmpi ne, %convert_element_type3A, %cond3A : i32
    scf.if %cond3A_109 {
      %swap3A_120 = arith.constant 0 : index
      %swap3A_121 = arith.constant 0 : index
      %swap3A_122 = vector.load %arg12[%swap3A_120, %swap3A_121] : memref<4x768xf32, #tpu.memory_space<vmem>>, vector<4x768xf32>
      tpu.vector_store %arg12[%swap3A_120, %swap3A_121], %add3A_107 {strides = array<i32>} : memref<4x768xf32, #tpu.memory_space<vmem>>, vector<4x768xf32>,
    } else {
    }
    %gt3A = arith.constant 0 : i32
    %gt3A_110 = arith.cmpi sgt, %arg0, %gt3A : i32
    %lt3A = arith.constant 16 : i32
    %lt3A_111 = arith.cmpi slt, %arg0, %lt3A : i32
    %and3A = arith.andi %gt3A_110, %lt3A_111 : i1
    %convert_element_type3A_112 = arith.extui %and3A : i1 to i32
    %cond3A_113 = arith.constant 0 : i32
    %cond3A_114 = arith.cmpi ne, %convert_element_type3A_112, %cond3A_113 : i32
    scf.if %cond3A_114 {
      %get3A_120 = arith.constant 0 : index
      %get3A_121 = arith.constant 0 : index
      %get3A_122 = vector.load %arg12[%get3A_120, %get3A_121] : memref<4x768xf32, #tpu.memory_space<vmem>>, vector<4x768xf32>
      %add3A_123 = arith.addf %get3A_122, %add3A_107 : vector<4x768xf32>
      %get3A_124 = arith.constant 0 : index
      %get3A_125 = arith.constant 0 : index
      %get3A_126 = arith.constant 0 : index
      %get3A_127 = vector.load %arg1[%get3A_124, %get3A_125, %get3A_126] : memref<4x64x768xf32, #tpu.memory_space<vmem>>, vector<4x64x768xf32>
      %reduce_sum3A_128 = arith.constant dense<0.000000e+00> : vector<4x768xf32>
      %reduce_sum3A_129 = vector.multi_reduction <add>, %get3A_127, %reduce_sum3A_128 [1] : vector<4x64x768xf32> to vector<4x768xf32>
      %add3A_130 = arith.addf %add3A_123, %reduce_sum3A_129 : vector<4x768xf32>
      %swap3A_131 = arith.constant 0 : index
      %swap3A_132 = arith.constant 0 : index
      %swap3A_133 = vector.load %arg12[%swap3A_131, %swap3A_132] : memref<4x768xf32, #tpu.memory_space<vmem>>, vector<4x768xf32>
      tpu.vector_store %arg12[%swap3A_131, %swap3A_132], %add3A_130 {strides = array<i32>} : memref<4x768xf32, #tpu.memory_space<vmem>>, vector<4x768xf32>,
    } else {
    }
    %eq3A_115 = arith.constant 16 : i32
    %eq3A_116 = arith.cmpi eq, %arg0, %eq3A_115 : i32
    %convert_element_type3A_117 = arith.extui %eq3A_116 : i1 to i32
    %cond3A_118 = arith.constant 0 : i32
    %cond3A_119 = arith.cmpi ne, %convert_element_type3A_117, %cond3A_118 : i32
    scf.if %cond3A_119 {
      %get3A_120 = arith.constant 0 : index
      %get3A_121 = arith.constant 0 : index
      %get3A_122 = vector.load %arg12[%get3A_120, %get3A_121] : memref<4x768xf32, #tpu.memory_space<vmem>>, vector<4x768xf32>
      %get3A_123 = arith.constant 0 : index
      %get3A_124 = arith.constant 0 : index
      %get3A_125 = arith.constant 0 : index
      %get3A_126 = vector.load %arg1[%get3A_123, %get3A_124, %get3A_125] : memref<4x64x768xf32, #tpu.memory_space<vmem>>, vector<4x64x768xf32>
      %reduce_sum3A_127 = arith.constant dense<0.000000e+00> : vector<4x768xf32>
      %reduce_sum3A_128 = vector.multi_reduction <add>, %get3A_126, %reduce_sum3A_127 [1] : vector<4x64x768xf32> to vector<4x768xf32>
      %add3A_129 = arith.addf %get3A_122, %reduce_sum3A_128 : vector<4x768xf32>
      %swap3A_130 = arith.constant 0 : index
      %swap3A_131 = arith.constant 0 : index
      %swap3A_132 = vector.load %arg12[%swap3A_130, %swap3A_131] : memref<4x768xf32, #tpu.memory_space<vmem>>, vector<4x768xf32>
      tpu.vector_store %arg12[%swap3A_130, %swap3A_131], %add3A_129 {strides = array<i32>} : memref<4x768xf32, #tpu.memory_space<vmem>>, vector<4x768xf32>,
      %get3A_133 = arith.constant 0 : index
      %get3A_134 = arith.constant 0 : index
      %get3A_135 = vector.load %arg12[%get3A_133, %get3A_134] : memref<4x768xf32, #tpu.memory_space<vmem>>, vector<4x768xf32>
      %mul3A = arith.constant 1.22070313E-4 : f32
      %mul3A_136 = vector.broadcast %mul3A : f32 to vector<4x768xf32>
      %mul3A_137 = arith.mulf %get3A_135, %mul3A_136 : vector<4x768xf32>
      %mul3A_138 = arith.mulf %mul3A_137, %mul3A_137 : vector<4x768xf32>
      %reduce_sum3A_139 = arith.constant dense<0.000000e+00> : vector<4xf32>
      %reduce_sum3A_140 = vector.multi_reduction <add>, %mul3A_138, %reduce_sum3A_139 [1] : vector<4x768xf32> to vector<4xf32>
      %broadcast_in_dim3A = vector.shape_cast %reduce_sum3A_140 : vector<4xf32> to vector<4x1xf32>
      %sqrt3A = math.sqrt %broadcast_in_dim3A : vector<4x1xf32>
      %max3A = arith.constant 9.99999996E-13 : f32
      %max3A_141 = vector.broadcast %max3A : f32 to vector<4x1xf32>
      %max3A_142 = arith.maximumf %sqrt3A, %max3A_141 : vector<4x1xf32>
      %div3A = vector.broadcast %max3A_142 : vector<4x1xf32> to vector<4x768xf32>
      %div3A_143 = arith.divf %mul3A_137, %div3A : vector<4x768xf32>
      %get3A_144 = arith.constant 0 : index
      %get3A_145 = arith.constant 0 : index
      %get3A_146 = vector.load %arg9[%get3A_144, %get3A_145] : memref<1024x768xf32, #tpu.memory_space<vmem>>, vector<1024x768xf32>
      %mul3A_147 = arith.mulf %get3A_146, %get3A_146 : vector<1024x768xf32>
      %reduce_sum3A_148 = arith.constant dense<0.000000e+00> : vector<1024xf32>
      %reduce_sum3A_149 = vector.multi_reduction <add>, %mul3A_147, %reduce_sum3A_148 [1] : vector<1024x768xf32> to vector<1024xf32>
      %sqrt3A_150 = math.sqrt %reduce_sum3A_149 : vector<1024xf32>
      %max3A_151 = arith.constant 9.99999996E-13 : f32
      %max3A_152 = vector.broadcast %max3A_151 : f32 to vector<1024xf32>
      %max3A_153 = arith.maximumf %sqrt3A_150, %max3A_152 : vector<1024xf32>
      %div3A_154 = arith.constant 1.000000e+00 : f32
      %div3A_155 = vector.broadcast %div3A_154 : f32 to vector<1024xf32>
      %div3A_156 = arith.divf %div3A_155, %max3A_153 : vector<1024xf32>
      %dot_general3A = arith.constant dense<0.000000e+00> : vector<4x1024xf32>
      %dot_general3A_157 = tpu.matmul %div3A_143, %get3A_146, %dot_general3A {dimension_numbers = #tpu.dot_dimension_numbers<[1], [1], [0], [0], [0, 0, 1, 0], [], []>, transpose_lhs_hint = false} : vector<4x768xf32>, vector<1024x768xf32>, vector<4x1024xf32> -> vector<4x1024xf32>
      %broadcast_in_dim3A_158 = vector.shape_cast %div3A_156 : vector<1024xf32> to vector<1x1024xf32>
      %mul3A_159 = vector.broadcast %broadcast_in_dim3A_158 : vector<1x1024xf32> to vector<4x1024xf32>
      %mul3A_160 = arith.mulf %dot_general3A_157, %mul3A_159 : vector<4x1024xf32>
      %swap3A_161 = arith.constant 0 : index
      %swap3A_162 = arith.constant 0 : index
      %swap3A_163 = vector.load %arg11[%swap3A_161, %swap3A_162] : memref<4x1024xf32, #tpu.memory_space<vmem>>, vector<4x1024xf32>
      tpu.vector_store %arg11[%swap3A_161, %swap3A_162], %mul3A_160 {strides = array<i32>} : memref<4x1024xf32, #tpu.memory_space<vmem>>, vector<4x1024xf32>,
    } else {
    }
    return
  }
  func.func @transform_0(%arg0: i32) -> (i32, i32, i32) {
    %mul3A = arith.constant 8 : i32
    %mul3A_0 = arith.muli %mul3A, %arg0 : i32
    %add3A = arith.constant 0 : i32
    %add3A_1 = arith.addi %mul3A_0, %add3A : i32
    %sub3A = arith.constant 1 : i32
    %sub3A_2 = arith.subi %add3A_1, %sub3A : i32
    %jit3A = arith.constant 0 : i32
    %jit3A_3 = arith.constant 127 : i32
    %max3A = arith.maxsi %jit3A, %sub3A_2 : i32
    %min3A = arith.minsi %jit3A_3, %max3A : i32
    %c0_i32 = arith.constant 0 : i32
    %c0_i32_4 = arith.constant 0 : i32
    %c0_i32_5 = arith.constant 0 : i32
    return %c0_i32, %min3A, %c0_i32_4 : i32, i32, i32
  }
  func.func @transform_1(%arg0: i32) -> (i32, i32, i32) {
    %mul3A = arith.constant 8 : i32
    %mul3A_0 = arith.muli %mul3A, %arg0 : i32
    %add3A = arith.constant 1 : i32
    %add3A_1 = arith.addi %mul3A_0, %add3A : i32
    %sub3A = arith.constant 1 : i32
    %sub3A_2 = arith.subi %add3A_1, %sub3A : i32
    %jit3A = arith.constant 0 : i32
    %jit3A_3 = arith.constant 127 : i32
    %max3A = arith.maxsi %jit3A, %sub3A_2 : i32
    %min3A = arith.minsi %jit3A_3, %max3A : i32
    %c0_i32 = arith.constant 0 : i32
    %c0_i32_4 = arith.constant 0 : i32
    %c0_i32_5 = arith.constant 0 : i32
    return %c0_i32, %min3A, %c0_i32_4 : i32, i32, i32
  }
  func.func @transform_2(%arg0: i32) -> (i32, i32, i32) {
    %mul3A = arith.constant 8 : i32
    %mul3A_0 = arith.muli %mul3A, %arg0 : i32
    %add3A = arith.constant 2 : i32
    %add3A_1 = arith.addi %mul3A_0, %add3A : i32
    %sub3A = arith.constant 1 : i32
    %sub3A_2 = arith.subi %add3A_1, %sub3A : i32
    %jit3A = arith.constant 0 : i32
    %jit3A_3 = arith.constant 127 : i32
    %max3A = arith.maxsi %jit3A, %sub3A_2 : i32
    %min3A = arith.minsi %jit3A_3, %max3A : i32
    %c0_i32 = arith.constant 0 : i32
    %c0_i32_4 = arith.constant 0 : i32
    %c0_i32_5 = arith.constant 0 : i32
    return %c0_i32, %min3A, %c0_i32_4 : i32, i32, i32
  }
  func.func @transform_3(%arg0: i32) -> (i32, i32, i32) {
    %mul3A = arith.constant 8 : i32
    %mul3A_0 = arith.muli %mul3A, %arg0 : i32
    %add3A = arith.constant 3 : i32
    %add3A_1 = arith.addi %mul3A_0, %add3A : i32
    %sub3A = arith.constant 1 : i32
    %sub3A_2 = arith.subi %add3A_1, %sub3A : i32
    %jit3A = arith.constant 0 : i32
    %jit3A_3 = arith.constant 127 : i32
    %max3A = arith.maxsi %jit3A, %sub3A_2 : i32
    %min3A = arith.minsi %jit3A_3, %max3A : i32
    %c0_i32 = arith.constant 0 : i32
    %c0_i32_4 = arith.constant 0 : i32
    %c0_i32_5 = arith.constant 0 : i32
    return %c0_i32, %min3A, %c0_i32_4 : i32, i32, i32
  }
  func.func @transform_4(%arg0: i32) -> (i32, i32, i32) {
    %mul3A = arith.constant 8 : i32
    %mul3A_0 = arith.muli %mul3A, %arg0 : i32
    %add3A = arith.constant 4 : i32
    %add3A_1 = arith.addi %mul3A_0, %add3A : i32
    %sub3A = arith.constant 1 : i32
    %sub3A_2 = arith.subi %add3A_1, %sub3A : i32
    %jit3A = arith.constant 0 : i32
    %jit3A_3 = arith.constant 127 : i32
    %max3A = arith.maxsi %jit3A, %sub3A_2 : i32
    %min3A = arith.minsi %jit3A_3, %max3A : i32
    %c0_i32 = arith.constant 0 : i32
    %c0_i32_4 = arith.constant 0 : i32
    %c0_i32_5 = arith.constant 0 : i32
    return %c0_i32, %min3A, %c0_i32_4 : i32, i32, i32
  }
  func.func @transform_5(%arg0: i32) -> (i32, i32, i32) {
    %mul3A = arith.constant 8 : i32
    %mul3A_0 = arith.muli %mul3A, %arg0 : i32
    %add3A = arith.constant 5 : i32
    %add3A_1 = arith.addi %mul3A_0, %add3A : i32
    %sub3A = arith.constant 1 : i32
    %sub3A_2 = arith.subi %add3A_1, %sub3A : i32
    %jit3A = arith.constant 0 : i32
    %jit3A_3 = arith.constant 127 : i32
    %max3A = arith.maxsi %jit3A, %sub3A_2 : i32
    %min3A = arith.minsi %jit3A_3, %max3A : i32
    %c0_i32 = arith.constant 0 : i32
    %c0_i32_4 = arith.constant 0 : i32
    %c0_i32_5 = arith.constant 0 : i32
    return %c0_i32, %min3A, %c0_i32_4 : i32, i32, i32
  }
  func.func @transform_6(%arg0: i32) -> (i32, i32, i32) {
    %mul3A = arith.constant 8 : i32
    %mul3A_0 = arith.muli %mul3A, %arg0 : i32
    %add3A = arith.constant 6 : i32
    %add3A_1 = arith.addi %mul3A_0, %add3A : i32
    %sub3A = arith.constant 1 : i32
    %sub3A_2 = arith.subi %add3A_1, %sub3A : i32
    %jit3A = arith.constant 0 : i32
    %jit3A_3 = arith.constant 127 : i32
    %max3A = arith.maxsi %jit3A, %sub3A_2 : i32
    %min3A = arith.minsi %jit3A_3, %max3A : i32
    %c0_i32 = arith.constant 0 : i32
    %c0_i32_4 = arith.constant 0 : i32
    %c0_i32_5 = arith.constant 0 : i32
    return %c0_i32, %min3A, %c0_i32_4 : i32, i32, i32
  }
  func.func @transform_7(%arg0: i32) -> (i32, i32, i32) {
    %mul3A = arith.constant 8 : i32
    %mul3A_0 = arith.muli %mul3A, %arg0 : i32
    %add3A = arith.constant 7 : i32
    %add3A_1 = arith.addi %mul3A_0, %add3A : i32
    %sub3A = arith.constant 1 : i32
    %sub3A_2 = arith.subi %add3A_1, %sub3A : i32
    %jit3A = arith.constant 0 : i32
    %jit3A_3 = arith.constant 127 : i32
    %max3A = arith.maxsi %jit3A, %sub3A_2 : i32
    %min3A = arith.minsi %jit3A_3, %max3A : i32
    %c0_i32 = arith.constant 0 : i32
    %c0_i32_4 = arith.constant 0 : i32
    %c0_i32_5 = arith.constant 0 : i32
    return %c0_i32, %min3A, %c0_i32_4 : i32, i32, i32
  }
  func.func @transform_8(%arg0: i32) -> (i32, i32) {
    %c0_i32 = arith.constant 0 : i32
    %c0_i32_0 = arith.constant 0 : i32
    %c0_i32_1 = arith.constant 0 : i32
    return %c0_i32, %c0_i32_0 : i32, i32
  }
  func.func @transform_9(%arg0: i32) -> (i32, i32, i32) {
    %c0_i32 = arith.constant 0 : i32
    %c0_i32_0 = arith.constant 0 : i32
    %c0_i32_1 = arith.constant 0 : i32
    return %c0_i32, %arg0, %c0_i32_0 : i32, i32, i32
  }
  func.func @transform_10(%arg0: i32) -> (i32, i32) {
    %c0_i32 = arith.constant 0 : i32
    %c0_i32_0 = arith.constant 0 : i32
    %c0_i32_1 = arith.constant 0 : i32
    return %c0_i32, %c0_i32_0 : i32, i32
  }
}

module attributes {stable_mosaic.version = 14 : i64} {
  func.func @_paste_body(%arg0: i32, %arg1: memref<32x8x768xf32, #tpu.memory_space<vmem>>, %arg2: memref<1x64xf32, #tpu.memory_space<vmem>>, %arg3: memref<4x8256x768xf32, #tpu.memory_space<any>>, %arg4: memref<4x64x768xf32, #tpu.memory_space<vmem>>, %arg5: memref<1x1xf32, #tpu.memory_space<vmem>>) attributes {dimension_semantics = [#tpu.dimension_semantics<arbitrary>], iteration_bounds = array<i64: 1>, scalar_prefetch = 0 : i64, scratch_operands = 0 : i64, tpu.core_type = #tpu.core_type<tc>, window_params = [{pipeline_mode = #tpu.pipeline_mode<synchronous>, transform_indices = @transform_0, window_bounds = array<i64: 32, 8, 768>}, {pipeline_mode = #tpu.pipeline_mode<synchronous>, transform_indices = @transform_1, window_bounds = array<i64: 1, 64>}, {}, {transform_indices = @transform_3, window_bounds = array<i64: 4, 64, 768>}, {pipeline_mode = #tpu.pipeline_mode<synchronous>, transform_indices = @transform_4, window_bounds = array<i64: 1, 1>}]} {
    %get3A = arith.constant 0 : index
    %get3A_0 = arith.constant 0 : index
    %get3A_1 = arith.constant 0 : index
    %get3A_2 = vector.load %arg1[%get3A, %get3A_0, %get3A_1] : memref<32x8x768xf32, #tpu.memory_space<vmem>>, vector<32x8x768xf32>
    %reshape3A = vector.shape_cast %get3A_2 : vector<32x8x768xf32> to vector<4x64x768xf32>
    %swap3A = arith.constant 0 : index
    %swap3A_3 = arith.constant 0 : index
    %swap3A_4 = arith.constant 0 : index
    %swap3A_5 = vector.load %arg4[%swap3A, %swap3A_3, %swap3A_4] : memref<4x64x768xf32, #tpu.memory_space<vmem>>, vector<4x64x768xf32>
    tpu.vector_store %arg4[%swap3A, %swap3A_3, %swap3A_4], %reshape3A {strides = array<i32>} : memref<4x64x768xf32, #tpu.memory_space<vmem>>, vector<4x64x768xf32>,
    %get3A_6 = arith.constant 0 : index
    %get3A_7 = arith.constant 0 : index
    %get3A_8 = vector.load %arg2[%get3A_6, %get3A_7] : memref<1x64xf32, #tpu.memory_space<vmem>>, vector<1x64xf32>
    %reduce_sum3A = vector.shape_cast %get3A_8 : vector<1x64xf32> to vector<1x1x64xf32>
    %reduce_sum3A_9 = arith.constant dense<0.000000e+00> : vector<1xf32>
    %reduce_sum3A_10 = vector.multi_reduction <add>, %reduce_sum3A, %reduce_sum3A_9 [1, 2] : vector<1x1x64xf32> to vector<1xf32>
    %reduce_sum3A_11 = vector.shape_cast %reduce_sum3A_10 : vector<1xf32> to vector<1x1x1xf32>
    %reduce_sum3A_12 = vector.extract %reduce_sum3A_11[0, 0, 0] : f32 from vector<1x1x1xf32>
    %mul3A = arith.constant 2.500000e-01 : f32
    %mul3A_13 = arith.mulf %reduce_sum3A_12, %mul3A : f32
    %reshape3A_14 = vector.broadcast %mul3A_13 : f32 to vector<1x1xf32>
    %swap3A_15 = arith.constant 0 : index
    %swap3A_16 = arith.constant 0 : index
    %swap3A_17 = vector.load %arg5[%swap3A_15, %swap3A_16] : memref<1x1xf32, #tpu.memory_space<vmem>>, vector<1x1xf32>
    tpu.vector_store %arg5[%swap3A_15, %swap3A_16], %reshape3A_14 {strides = array<i32>} : memref<1x1xf32, #tpu.memory_space<vmem>>, vector<1x1xf32>,
    return
  }
  func.func @transform_0(%arg0: i32) -> (i32, i32, i32) {
    %c0_i32 = arith.constant 0 : i32
    %c0_i32_0 = arith.constant 0 : i32
    %c0_i32_1 = arith.constant 0 : i32
    %c0_i32_2 = arith.constant 0 : i32
    return %c0_i32, %c0_i32_0, %c0_i32_1 : i32, i32, i32
  }
  func.func @transform_1(%arg0: i32) -> (i32, i32) {
    %c0_i32 = arith.constant 0 : i32
    %c0_i32_0 = arith.constant 0 : i32
    %c0_i32_1 = arith.constant 0 : i32
    return %c0_i32, %c0_i32_0 : i32, i32
  }
  func.func @transform_3(%arg0: i32) -> (i32, i32, i32) {
    %c0_i32 = arith.constant 0 : i32
    %c0_i32_0 = arith.constant 0 : i32
    %c0_i32_1 = arith.constant 0 : i32
    %c0_i32_2 = arith.constant 0 : i32
    return %c0_i32, %c0_i32_0, %c0_i32_1 : i32, i32, i32
  }
  func.func @transform_4(%arg0: i32) -> (i32, i32) {
    %c0_i32 = arith.constant 0 : i32
    %c0_i32_0 = arith.constant 0 : i32
    %c0_i32_1 = arith.constant 0 : i32
    return %c0_i32, %c0_i32_0 : i32, i32
  }
}

</mosaic_0001>

<sc_bundles>
// kernel: kernel.5.cloned.1.call-start
scs
__scs_entry_jumppad:
0x0: {  	(pc) =	sbr.rel $0x88, $3  }
0x1: {  	(tag) =	ssettag $0x0;
	lr =	simm.s32 $0x1  }
0x2: {  	[smem:$0x3F9E] =	sst lr;
	_ =	strace $0xD0000000  }
0x3: {  	_ = 	snop  }
0x4: {  	_ = 	snop  }
0x5: {  	_ = 	snop  }
0x6: {  	_ = 	snop  }
0x7: {  	_ = 	snop  }
__scs_overlays_trampoline_lowered:
0x8: {  	[smem:$0x3FAD] =	sst s0  }
0x9: {  	[smem:$0x3FAE] =	sst s1  }
0xa: {  	[smem:$0x3FAF] =	sst s2  }
0xb: {  	[smem:$0x3FB0] =	sst s3  }
0xc: {  	[smem:$0x3FB1] =	sst s4  }
0xd: {  	[smem:$0x3FB2] =	sst s5  }
0xe: {  	[smem:$0x3FB3] =	sst s6  }
0xf: {  	[smem:$0x3FB4] =	sst s7  }
0x10: {  	[smem:$0x3FB5] =	sst s8  }
0x11: {  	[smem:$0x3FB6] =	sst s9;
	s0 =	simm.s32 @!p0 $0x0  }
0x12: {  	s1 =	sld [smem:$0x3F9C];
	s0 =	simm.s32 @p0 $0x1  }
0x13: {  	[smem:$0x3FB7] =	sst s0;
	s0 =	simm.s32 @!p1 $0x0  }
0x14: {  	s2 =	sld [smem:$0x3F9B];
	s0 =	simm.s32 @p1 $0x1  }
0x15: {  	[smem:$0x3FB8] =	sst s0;
	s0 =	simm.s32 @!p2 $0x0  }
0x16: {  	s3 =	sld [smem:$0x3FDB];
	s0 =	simm.s32 @p2 $0x1  }
0x17: {  	s4 =	simm.s32 $0x1BF5;
	[smem:$0x3FBA] =	sst s0  }
0x18: {  	s0 =	sld [smem:$0x3F9D];
	_ =	swait.ge [sflag:s4], $0x0  }
0x19: {  	s7 =	sld [smem:$0x3F9E]  }
0x1a: {  	s8 =	sadd.s32 $0xFFFFE003, lr  }
0x1b: {  	s9 =	sadd.s32 $0xFFFFFEF7, lr;
	s5 =	simm.s32 $0xFFFFFFFF;
	p2 =	slt.u32 s8, $0xFFFFF086  }
0x1c: {  	p1 =	slt.u32 s9, $0xF7A;
	s5 =	simm.s32 @!p2 $0x0  }
0x1d: {  	s5 =	simm.s32 @p1 $0x1;
	p0 =	seq.s32 s7, s2  }
0x1e: {  	s7 =	smul.u32 @!p0 $0xF7A, s2;
	p2 =	seq.s32 @!p0 s5, $0x0  }
0x1f: {  	s9 =	smul.u32 $0xF7A, s1;
	s8 =	simm.s32 @!p0 $0x1BF5;
	p2 =	por !p2, p0  }
0x20: {  	[sflag:s8] =	ssyncset.s32 @!p0 $0xFFFFF086;
	s6 =	sadd.s32 @!p0 s3, s7;
	s7 =	simm.s32 @!p0 $0x108  }
0x21: {  	s3 =	sadd.s32 s3, s9;
	s6 =	sadd.s32 @!p0 $0x88, s6;
	s7 =	simm.s32 @p2 $0x1082  }
0x22: {  	[simem:s7], [sflag:s8] =	dma.local @!p0 [hbm:s6], $0xF7A  }
0x23: {  	s9 =	sor.u32 $0xD0000000, s2;
	s6 =	simm.s32 $0x108;
	_ =	swait.ge @!p0 [sflag:s8], $0x0  }
0x24: {  	s3 =	sadd.s32 $0x88, s3;
	s6 =	simm.s32 @!p1 $0x1082;
	[sflag:s4] =	ssyncset.s32 $0xFFFFF086  }
0x25: {  	[simem:s6], [sflag:s4] =	dma.local [hbm:s3], $0xF7A  }
0x26: {  	[smem:$0x3F9E] =	sst s1;
	(tag) =	ssettag s2;
	_ =	strace s9  }
0x27: {  	s1 =	sld [smem:$0x3FAE]  }
0x28: {  	s2 =	sld [smem:$0x3FAF]  }
0x29: {  	s4 =	sld [smem:$0x3FB1]  }
0x2a: {  	p0 =	seq.s32 s5, $0x0;
	s5 =	sld [smem:$0x3FB2]  }
0x2b: {  	s6 =	sld [smem:$0x3FB3]  }
0x2c: {  	s7 =	sld [smem:$0x3FB4]  }
0x2d: {  	s3 =	simm.s32 $0x108;
	s8 =	sld [smem:$0x3FB5]  }
0x2e: {  	s3 =	simm.s32 @!p0 $0x1082;
	s9 =	sld [smem:$0x3FB6]  }
0x2f: {  	lr =	sadd.s32 s0, s3;
	s0 =	sld [smem:$0x3FAD]  }
0x30: {  	s3 =	sld [smem:$0x3FB0]  }
0x31: {  	[smem:$0x3FB9] =	sst s10  }
0x32: {  	s10 =	sld [smem:$0x3FB7];
	_ =	sdelay $0x3  }
0x33: {  	p0 =	seq.s32 s10, $0x1;
	s10 =	sld [smem:$0x3FB9];
	_ =	sdelay $0x3  }
0x34: {  	[smem:$0x3FB9] =	sst s10  }
0x35: {  	s10 =	sld [smem:$0x3FB8];
	_ =	sdelay $0x3  }
0x36: {  	p1 =	seq.s32 s10, $0x1;
	s10 =	sld [smem:$0x3FB9];
	_ =	sdelay $0x3  }
0x37: {  	[smem:$0x3FB9] =	sst s10  }
0x38: {  	s10 =	sld [smem:$0x3FBA]  }
0x39: {  	_ = 	snop;
	(pc) =	sbr.ind lr, $3  }
0x3a: {  	_ = 	snop  }
0x3b: {  	_ = 	snop  }
0x3c: {  	p2 =	seq.s32 s10, $0x1;
	s10 =	sld [smem:$0x3FB9]  }
0x3d: {  	_ =	shalt  }
0x3e: {  	_ =	shalt  }
0x3f: {  	_ =	shalt  }
0x40: {  	_ =	shalt  }
0x41: {  	_ =	shalt  }
0x42: {  	_ =	shalt  }
0x43: {  	_ =	shalt  }
0x44: {  	_ =	shalt  }
0x45: {  	_ =	shalt  }
0x46: {  	_ =	shalt  }
0x47: {  	_ =	shalt  }
0x48: {  	_ =	shalt  }
0x49: {  	_ =	shalt  }
0x4a: {  	_ =	shalt  }
0x4b: {  	_ =	shalt  }
0x4c: {  	_ =	shalt  }
0x4d: {  	_ =	shalt  }
0x4e: {  	_ =	shalt  }
0x4f: {  	_ =	shalt  }
0x50: {  	_ =	shalt  }
0x51: {  	_ =	shalt  }
0x52: {  	_ =	shalt  }
0x53: {  	_ =	shalt  }
0x54: {  	_ =	shalt  }
0x55: {  	_ =	shalt  }
0x56: {  	_ =	shalt  }
0x57: {  	_ =	shalt  }
0x58: {  	_ =	shalt  }
0x59: {  	_ =	shalt  }
0x5a: {  	_ =	shalt  }
0x5b: {  	_ =	shalt  }
0x5c: {  	_ =	shalt  }
0x5d: {  	_ =	shalt  }
0x5e: {  	_ =	shalt  }
0x5f: {  	_ =	shalt  }
0x60: {  	_ =	shalt  }
0x61: {  	_ =	shalt  }
0x62: {  	_ =	shalt  }
0x63: {  	_ =	shalt  }
0x64: {  	_ =	shalt  }
0x65: {  	_ =	shalt  }
0x66: {  	_ =	shalt  }
0x67: {  	_ =	shalt  }
0x68: {  	_ =	shalt  }
0x69: {  	_ =	shalt  }
0x6a: {  	_ =	shalt  }
0x6b: {  	_ =	shalt  }
0x6c: {  	_ =	shalt  }
0x6d: {  	_ =	shalt  }
0x6e: {  	_ =	shalt  }
0x6f: {  	_ =	shalt  }
0x70: {  	_ =	shalt  }
0x71: {  	_ =	shalt  }
0x72: {  	_ =	shalt  }
0x73: {  	_ =	shalt  }
0x74: {  	_ =	shalt  }
0x75: {  	_ =	shalt  }
0x76: {  	_ =	shalt  }
0x77: {  	_ =	shalt  }
0x78: {  	_ =	shalt  }
0x79: {  	_ =	shalt  }
0x7a: {  	_ =	shalt  }
0x7b: {  	_ =	shalt  }
0x7c: {  	_ =	shalt  }
0x7d: {  	_ =	shalt  }
0x7e: {  	_ =	shalt  }
0x7f: {  	_ =	shalt  }
0x80: {  	_ =	shalt  }
0x81: {  	_ =	shalt  }
0x82: {  	_ =	shalt  }
0x83: {  	_ =	shalt  }
0x84: {  	_ =	shalt  }
0x85: {  	_ =	shalt  }
0x86: {  	_ =	shalt  }
0x87: {  	_ =	shalt  }
.Lfunc_end0:
.L_simem_size_0:
called_computation_lowered:
.L_overlay_start_0:
0x88: {  	s2 =	sld [smem:$0x3FD9]  }
0x89: {  	s3 =	sld [smem:$0x3FFE];
	_ =	sdelay $0x1  }
0x8a: {  	s1 =	srdreg.scid  }
0x8b: {  	s0 =	sand.u32 $0x1, s1  }
0x8c: {  	s14 =	sshll.u32 s0, $0xA;
	s2 =	sadd.s32 s3, s2  }
0x8d: {  	s2 =	sadd.s32 s2, s14  }
0x8e: {  	[smem:$0x3FC5] =	sst s2  }
0x8f: {  	_ = 	snop  }
0x90: {  	s2 =	sld [smem:$0x3FD0];
	_ =	sdelay $0x2  }
0x91: {  	s4 =	simm.s32 $0xA;
	s5 =	simm.s32 $0x10;
	s15 =	sld [smem:$0x3FC8]  }
0x92: {  	[smem:s5], [sflag:s4] =	dma.local [hbm:s2], $0x1  }
0x93: {  	_ =	swait.eq [sflag:s4], $0x1  }
0x94: {  	[sflag:s4] =	ssyncset.done $0x0  }
0x95: {  	[sflag:s4] =	ssyncadd.s32 $0xFFFFFFFF  }
0x96: {  	s16 =	sld [smem:$0x11];
	(tm) =	ssettm $0x1  }
0x97: {  	s17 =	sld [smem:$0x3FFB];
	_ =	sdelay $0x3  }
0x98: {  	_ =	strace s17  }
0x99: {  	s4 =	sld [smem:$0x3FFC];
	_ =	sdelay $0x3  }
0x9a: {  	_ =	strace s4  }
0x9b: {  	s4 =	sld [smem:$0x3FFD];
	_ =	sdelay $0x3  }
0x9c: {  	_ =	strace s4  }
0x9d: {  	_ =	strace $0x8FFFFFFF  }
0x9e: {  	s18 =	sld [smem:$0x3FDB];
	_ =	sdelay $0x1  }
0x9f: {  	s19 =	simm.s32 $_scs_section_size  }
0xa0: {  	s6 =	simm.s32 $_size__tile_overlayer_lowered;
	s7 =	simm.s32 $_tile_overlayer_lowered  }
0xa1: {  	s22 =	simm.s32 $0x1BFF;
	s21 =	sshll.u32 s7, $0x1;
	s4 =	sadd.s32 s19, s18  }
0xa2: {  	s8 =	simm.s32 $0x0;
	s20 =	sshll.u32 s6, $0x1;
	s6 =	sadd.s32 s21, s4  }
0xa3: {  	[timem:s8], [sflag:s22] =	dma.local [hbm:s6], s20  }
0xa4: {  	_ =	swait.ge [sflag:s22], s20  }
0xa5: {  	s5 =	ssub.s32 $0x0, s20;
	[sflag:s22] =	ssyncset.done $0x0  }
0xa6: {  	[sflag:s22] =	ssyncadd.s32 s5;
	_ =	sdelay $0x1  }
0xa7: {  	s23 =	simm.s32 $0x1B8B  }
0xa8: {  	_ =	swait.ge [sflag:s23], $0x1  }
0xa9: {  	[sflag:s23] =	ssyncset.done $0x0  }
0xaa: {  	s25 =	simm.s32 $0x1B8E;
	s24 =	sld [smem:$0x3FFE];
	[sflag:s23] =	ssyncadd.s32 $0xFFFFFFFF  }
0xab: {  	s26 =	simm.s32 $execute0_lowered;
	[smem:$0x3FD2] =	sst s25  }
0xac: {  	s6 =	sshll.u32 s26, $0x1;
	_ =	strace $0x80000046;
	[dreg:$0x1] =	wrdreg $0xFFFFFFFF  }
0xad: {  	s28 =	simm.s32 $_size_execute0_lowered;
	s4 =	sadd.s32 s4, s6;
	[dreg:$0x0] =	wrdreg $0x0  }
0xae: {  	s6 =	sshll.u32 s28, $0x1;
	[dreg:$0x2] =	wrdreg s4  }
0xaf: {  	[dreg:$0x3] =	wrdreg s6  }
0xb0: {  	[dreg:$0x4] =	wrdreg $0xC0  }
0xb1: {  	_ =	task [dreg:s8], $0x5FFFF  }
0xb2: {  	[dreg:$0x1] =	wrdreg $0xFFFFFFFF  }
0xb3: {  	[dreg:$0x0] =	wrdreg $0x60  }
0xb4: {  	[dreg:$0x2] =	wrdreg s24  }
0xb5: {  	[dreg:$0x3] =	wrdreg s15  }
0xb6: {  	[dreg:$0x4] =	wrdreg s16  }
0xb7: {  	[dreg:$0x5] =	wrdreg $0xC3800  }
0xb8: {  	[dreg:$0x6] =	wrdreg $0xC3900  }
0xb9: {  	[dreg:$0x7] =	wrdreg $0x9  }
0xba: {  	_ =	task.clear_ibuf [dreg:s8], $0x8FFFF;
	_ =	strace $0x90000046  }
0xbb: {  	s29 =	simm.s32 $0x9;
	_ =	strace $0x80000048  }
0xbc: {  	_ =	swait.ge [sflag:s29], $0x1  }
0xbd: {  	[sflag:s29] =	ssyncadd.s32 $0xFFFFFFFF  }
0xbe: {  	_ =	strace $0x90000048  }
0xbf: {  	_ =	sfence  }
0xc0: {  	s30 =	sld [smem:$0x0];
	_ =	sdelay $0x2  }
0xc1: {  	s31 =	sshll.u32 s1, $0xD;
	s1 =	sshrl.u32 s1, $0x2  }
0xc2: {  	s3 =	sand.u32 $0x4000, s31;
	s1 =	sadd.s32 s1, s30  }
0xc3: {  	s0 =	sor.u32 s3, s0;
	s1 =	sshll.u32 s1, $0x11  }
0xc4: {  	s0 =	sor.u32 s1, s0  }
0xc5: {  	s0 =	sadd.s32 $0x8F2B, s0  }
0xc6: {  	[sflag:s0] =	ssyncadd.remote.s32 $0x1  }
0xc7: {  	_ =	sfence.sel $0xFFFF  }
0xc8: {  	[dreg:$0x0] =	wrdreg $0xFFFFFFFF;
	(pc) =	sbr.abs _section_cstart, $3  }
0xc9: {  	[dreg:$0x1] =	wrdreg $0xFFFFFFFF  }
0xca: {  	_ =	task.clear_ibuf [dreg:s8], $0x2FFFF;
	_ =	strace $0x9FFFFFFF  }
0xcb: {  	(tm) =	ssettm $0x7FFFFFFF  }
tec
execute0_lowered:
.L_overlay_start_1:
0x0: {  	(tag) =	ssettag $0x1  }
0x1: {  	s4 =	rddreg [dreg:$0x0]  }
0x2: {  	s1 =	rddreg [dreg:$0x1]  }
0x3: {  	s10 =	rddreg [dreg:$0x2]  }
0x4: {  	s2 =	srdreg.scid;
	s8 =	rddreg [dreg:$0x3]  }
0x5: {  	s0 =	stileid.u32;
	s9 =	rddreg [dreg:$0x4];
	s3 =	simm.s32 $0x0  }
0x6: {  	s18 =	simm.s32 $0x300;
	s19 =	simm.s32 $0x380;
	s20 =	simm.s32 $0x1  }
0x7: {  	s5 =	sand.u32 $0x1, s2;
	s6 =	sshrl.u32 s0, $0x3;
	s2 =	rddreg [dreg:$0x5]  }
0x8: {  	[smem:$0x7FF] =	sst s3;
	s13 =	sand.u32 $0x7, s0;
	s7 =	sshll.u32 s5, $0x1  }
0x9: {  	_ =	strace $0x80000047;
	s12 =	sshll.u32 s13, $0x4;
	s5 =	ssub.s32 $0x2, s5  }
0xa: {  	s17 =	sshll.u32 s6, $0x7;
	p0 =	sne.s32 s13, $0x0;
	s11 =	sor.u32 s6, s7  }
0xb: {  	s14 =	sadd.s32 s12, s4;
	s29 =	sshrl.u32 s5, $0x1;
	s31 =	sor.u32 s12, s17  }
0xc: {  	s7 =	smul.u32 $0x1800, s11;
	s16 =	ssub.s32 s5, s29;
	s30 =	sshll.u32 s11, $0x7  }
0xd: {  	v0 =	vlaneseq.u32;
	v9 =	vimm.f32 $-Inf;
	vm2 =	vcmask $0x720;
	s6 =	sadd.s32 s31, s8;
	s8 =	sadd.s32 s17, s8;
	s11 =	sshll.u32 s11, $0x1  }
.Ltmp0:
0xe: {  	vm3 =	vcmask $0xB20;
	vm4 =	vcmask $0xF20;
	vm5 =	vcmask $0x1320;
	s5 =	sadd.s32 s30, s14;
	s10 =	sadd.s32 s10, s11;
	(pc) =	sbr.rel .LBB2_1-.Ltmp0, $4  }
0xf: {  	vm6 =	vcmask $0x1720;
	vm8 =	vcmask $0x704;
	v2 =	vor.u32 $0x80000010, v0;
	s12 =	smax.u32 s16, $0x1;
	s14 =	simm.s32 $0x180;
	s16 =	simm.s32 $0x80  }
0x10: {  	v1 =	vor.u32 $0x80000000, v0;
	v3 =	vor.u32 $0x80000020, v0;
	v4 =	vor.u32 $0x80000030, v0;
	s15 =	sadd.s32 s7, s4;
	s4 =	sshll.u32 s13, $0x7;
	s5 =	sadd.s32 $0x1200, s5  }
0x11: {  	v5 =	vor.u32 $0x80000040, v0;
	v6 =	vor.u32 $0x80000050, v0;
	v7 =	vor.u32 $0x80000060, v0;
	s7 =	sadd.s32 s31, s9;
	s9 =	sadd.s32 s17, s9;
	s13 =	simm.s32 $0x2  }
0x12: {  	vm0 =	vmmov $0x1;
	vm15 =	vcmask $0x1B20;
	v8 =	vor.u32 $0x80000070, v0;
	[tilespmem:$0x1FFF0] =	vst v1;
	s17 =	simm.s32 $0x100;
	s11 =	sadd.s32 $0x1400, s15;
	s15 =	simm.s32 $0x200  }
.LBB2_3:
0x13: {  	s12 =	sadd.s32 $0xFFFFFFFF, s12  }
0x14: {  	p1 =	sne.s32 s12, $0x0  }
.Ltmp1:
0x15: {  	_ = 	snop;
	(pc) =	sbr.rel @!p1 .LBB2_4-.Ltmp1, $1  }
0x16: {  	_ =	sdelay $0x3  }
.LBB2_1:
0x17: {  	[tilespmem:s3], [sflag:$0x2] =	stream.linear.gather [hbm4b:s5+s3], $0x80, $0x38;
	[tilespmem:$0xC3A0] =	vst v63  }
0x18: {  	_ =	swait.ge [sflag:s13], $0x80  }
0x19: {  	[sflag:s13] =	ssyncset.done $0x0  }
0x1a: {  	[sflag:s13] =	ssyncadd.s32 $0xFFFFFF80  }
0x1b: {  	v0 =	vld [tilespmem:$0x0];
	_ =	sdelay $0x2  }
0x1c: {  	v10 =	vld [tilespmem:$0x10];
	_ =	sdelay $0x1  }
0x1d: {  	v11 =	vld [tilespmem:$0x20];
	vm9 =	vlt.f32 v0, $-Inf;
	vm10 =	vgt.f32 v0, $-Inf  }
0x1e: {  	vm9 =	vmor vm10, vm9  }
0x1f: {  	v12 =	vld [tilespmem:$0x30];
	v0 =	vnsel vm9, $0xFF800000, v0  }
0x20: {  	vm10 =	vgt.f32 v10, v0  }
0x21: {  	v0 =	vsel vm10, v10, v0;
	v10 =	vld [tilespmem:$0x40]  }
0x22: {  	vm11 =	vgt.f32 v11, v0  }
0x23: {  	v0 =	vsel vm11, v11, v0;
	v11 =	vld [tilespmem:$0x50]  }
0x24: {  	vm12 =	vgt.f32 v12, v0  }
0x25: {  	v48 =	vld [tilespmem:$0x60];
	v0 =	vsel vm12, v12, v0  }
0x26: {  	vm13 =	vgt.f32 v10, v0  }
0x27: {  	v0 =	vsel vm13, v10, v0;
	v10 =	vld [tilespmem:$0x70]  }
0x28: {  	vm14 =	vgt.f32 v11, v0  }
0x29: {  	v0 =	vsel vm14, v11, v0  }
0x2a: {  	vm1 =	vgt.f32 v48, v0  }
0x2b: {  	v0 =	vsel vm1, v48, v0  }
0x2c: {  	vm7 =	vgt.f32 v10, v0  }
0x2d: {  	v0 =	vsel vm7, v10, v0  }
0x2e: {  	(xrf0) =	vmax.scan.msk.f32 $0xffff, v0;
	_ =	sdelay $0x1  }
0x2f: {  	v10 =	vnsel vm9, $0x80000000, v1  }
0x30: {  	v10 =	vsel vm10, v2, v10  }
0x31: {  	v10 =	vsel vm11, v3, v10  }
0x32: {  	v10 =	vsel vm12, v4, v10  }
0x33: {  	v49 =	vsel vm13, v5, v10;
	v11, _, _ =	vpop (xrf0)  }
0x34: {  	v10 =	vbroadcast v11, $0xF;
	v11 =	vsel vm14, v6, v49  }
0x35: {  	v11 =	vsel vm1, v7, v11  }
0x36: {  	vm1 =	veq.f32 v0, v10;
	v0 =	vsel vm7, v8, v11  }
0x37: {  	v0 =	vnsel vm1, $0x80000800, v0  }
0x38: {  	(xrf0) =	vmin.scan.msk.u32 $0xffff, v0;
	_ =	sdelay $0x5  }
0x39: {  	v0, _, _ =	vpop (xrf0)  }
0x3a: {  	(v2sf) =	vpush v0, $0xF;
	_ =	sdelay $0xe  }
0x3b: {  	s21 =	spop (v2sf)  }
0x3c: {  	s21 =	sxor.u32 $0x80000000, s21  }
0x3d: {  	v0 =	vmov s21;
	_ =	sdelay $0x4  }
0x3e: {  	[tilespmem:v0+s3+$0x0] =	vst.idx.msk $0x1, v9  }
0x3f: {  	v0 =	vld [tilespmem:$0x0];
	_ =	sdelay $0x2  }
0x40: {  	v11 =	vld [tilespmem:$0x10];
	_ =	sdelay $0x1  }
0x41: {  	v50 =	vld [tilespmem:$0x20];
	vm1 =	vlt.f32 v0, $-Inf;
	vm7 =	vgt.f32 v0, $-Inf  }
0x42: {  	vm1 =	vmor vm7, vm1  }
0x43: {  	v13 =	vld [tilespmem:$0x30];
	v0 =	vnsel vm1, $0xFF800000, v0  }
0x44: {  	vm7 =	vgt.f32 v11, v0  }
0x45: {  	v0 =	vsel vm7, v11, v0;
	v11 =	vld [tilespmem:$0x40]  }
0x46: {  	vm9 =	vgt.f32 v50, v0  }
0x47: {  	v51 =	vld [tilespmem:$0x50];
	v0 =	vsel vm9, v50, v0  }
0x48: {  	vm10 =	vgt.f32 v13, v0  }
0x49: {  	v52 =	vld [tilespmem:$0x60];
	v0 =	vsel vm10, v13, v0  }
0x4a: {  	vm11 =	vgt.f32 v11, v0  }
0x4b: {  	v0 =	vsel vm11, v11, v0;
	v11 =	vld [tilespmem:$0x70]  }
0x4c: {  	vm12 =	vgt.f32 v51, v0  }
0x4d: {  	v0 =	vsel vm12, v51, v0  }
0x4e: {  	vm13 =	vgt.f32 v52, v0  }
0x4f: {  	v0 =	vsel vm13, v52, v0  }
0x50: {  	vm14 =	vgt.f32 v11, v0  }
0x51: {  	v0 =	vsel vm14, v11, v0  }
0x52: {  	(xrf0) =	vmax.scan.msk.f32 $0xffff, v0;
	_ =	sdelay $0x1  }
0x53: {  	v11 =	vnsel vm1, $0x80000000, v1  }
0x54: {  	v11 =	vsel vm7, v2, v11  }
0x55: {  	v11 =	vsel vm9, v3, v11  }
0x56: {  	v11 =	vsel vm10, v4, v11  }
0x57: {  	v54 =	vsel vm11, v5, v11;
	v53, _, _ =	vpop (xrf0)  }
0x58: {  	v55 =	vsel vm12, v6, v54;
	v11 =	vbroadcast v53, $0xF  }
0x59: {  	v12 =	vsel vm13, v7, v55  }
0x5a: {  	vm1 =	veq.f32 v0, v11;
	v0 =	vsel vm14, v8, v12  }
0x5b: {  	v0 =	vnsel vm1, $0x80000800, v0  }
0x5c: {  	(xrf0) =	vmin.scan.msk.u32 $0xffff, v0;
	_ =	sdelay $0x5  }
0x5d: {  	v0, _, _ =	vpop (xrf0)  }
0x5e: {  	(v2sf) =	vpush v0, $0xF;
	_ =	sdelay $0xe  }
0x5f: {  	s22 =	spop (v2sf)  }
0x60: {  	s22 =	sxor.u32 $0x80000000, s22  }
0x61: {  	v0 =	vmov s22;
	_ =	sdelay $0x4  }
0x62: {  	[tilespmem:v0+s3+$0x0] =	vst.idx.msk $0x1, v9  }
0x63: {  	v0 =	vld [tilespmem:$0x0];
	_ =	sdelay $0x2  }
0x64: {  	v56 =	vld [tilespmem:$0x10];
	_ =	sdelay $0x1  }
0x65: {  	v57 =	vld [tilespmem:$0x20];
	vm1 =	vlt.f32 v0, $-Inf;
	vm7 =	vgt.f32 v0, $-Inf  }
0x66: {  	vm1 =	vmor vm7, vm1  }
0x67: {  	v14 =	vld [tilespmem:$0x30];
	v0 =	vnsel vm1, $0xFF800000, v0  }
0x68: {  	vm7 =	vgt.f32 v56, v0  }
0x69: {  	v58 =	vld [tilespmem:$0x40];
	v0 =	vsel vm7, v56, v0  }
0x6a: {  	vm9 =	vgt.f32 v57, v0  }
0x6b: {  	v59 =	vld [tilespmem:$0x50];
	v0 =	vsel vm9, v57, v0  }
0x6c: {  	vm10 =	vgt.f32 v14, v0  }
0x6d: {  	v60 =	vld [tilespmem:$0x60];
	v0 =	vsel vm10, v14, v0  }
0x6e: {  	vm11 =	vgt.f32 v58, v0  }
0x6f: {  	v61 =	vld [tilespmem:$0x70];
	v0 =	vsel vm11, v58, v0  }
0x70: {  	vm12 =	vgt.f32 v59, v0  }
0x71: {  	v0 =	vsel vm12, v59, v0  }
0x72: {  	vm13 =	vgt.f32 v60, v0  }
0x73: {  	v0 =	vsel vm13, v60, v0  }
0x74: {  	vm14 =	vgt.f32 v61, v0  }
0x75: {  	v0 =	vsel vm14, v61, v0  }
0x76: {  	(xrf0) =	vmax.scan.msk.f32 $0xffff, v0;
	_ =	sdelay $0x1  }
0x77: {  	v62 =	vnsel vm1, $0x80000000, v1  }
0x78: {  	v12 =	vsel vm7, v2, v62  }
0x79: {  	v12 =	vsel vm9, v3, v12  }
0x7a: {  	v12 =	vsel vm10, v4, v12  }
0x7b: {  	v16 =	vsel vm11, v5, v12;
	v63, _, _ =	vpop (xrf0)  }
0x7c: {  	v17 =	vsel vm12, v6, v16;
	v12 =	vbroadcast v63, $0xF  }
0x7d: {  	v13 =	vsel vm13, v7, v17  }
0x7e: {  	vm1 =	veq.f32 v0, v12;
	v0 =	vsel vm14, v8, v13  }
0x7f: {  	v0 =	vnsel vm1, $0x80000800, v0  }
0x80: {  	(xrf0) =	vmin.scan.msk.u32 $0xffff, v0;
	_ =	sdelay $0x5  }
0x81: {  	v0, _, _ =	vpop (xrf0)  }
0x82: {  	(v2sf) =	vpush v0, $0xF;
	_ =	sdelay $0xe  }
0x83: {  	s23 =	spop (v2sf)  }
0x84: {  	s23 =	sxor.u32 $0x80000000, s23  }
0x85: {  	v0 =	vmov s23;
	_ =	sdelay $0x4  }
0x86: {  	[tilespmem:v0+s3+$0x0] =	vst.idx.msk $0x1, v9  }
0x87: {  	v0 =	vld [tilespmem:$0x0];
	_ =	sdelay $0x2  }
0x88: {  	v18 =	vld [tilespmem:$0x10];
	_ =	sdelay $0x1  }
0x89: {  	v19 =	vld [tilespmem:$0x20];
	vm1 =	vlt.f32 v0, $-Inf;
	vm7 =	vgt.f32 v0, $-Inf  }
0x8a: {  	vm1 =	vmor vm7, vm1  }
0x8b: {  	v15 =	vld [tilespmem:$0x30];
	v0 =	vnsel vm1, $0xFF800000, v0  }
0x8c: {  	vm7 =	vgt.f32 v18, v0  }
0x8d: {  	v20 =	vld [tilespmem:$0x40];
	v0 =	vsel vm7, v18, v0  }
0x8e: {  	vm9 =	vgt.f32 v19, v0  }
0x8f: {  	v21 =	vld [tilespmem:$0x50];
	v0 =	vsel vm9, v19, v0  }
0x90: {  	vm10 =	vgt.f32 v15, v0  }
0x91: {  	v22 =	vld [tilespmem:$0x60];
	v0 =	vsel vm10, v15, v0  }
0x92: {  	vm11 =	vgt.f32 v20, v0  }
0x93: {  	v23 =	vld [tilespmem:$0x70];
	v0 =	vsel vm11, v20, v0  }
0x94: {  	vm12 =	vgt.f32 v21, v0  }
0x95: {  	v0 =	vsel vm12, v21, v0  }
0x96: {  	vm13 =	vgt.f32 v22, v0  }
0x97: {  	v0 =	vsel vm13, v22, v0  }
0x98: {  	vm14 =	vgt.f32 v23, v0  }
0x99: {  	v0 =	vsel vm14, v23, v0  }
0x9a: {  	(xrf0) =	vmax.scan.msk.f32 $0xffff, v0;
	_ =	sdelay $0x1  }
0x9b: {  	v24 =	vnsel vm1, $0x80000000, v1  }
0x9c: {  	v13 =	vsel vm7, v2, v24  }
0x9d: {  	v13 =	vsel vm9, v3, v13  }
0x9e: {  	v13 =	vsel vm10, v4, v13  }
0x9f: {  	v26 =	vsel vm11, v5, v13;
	v25, _, _ =	vpop (xrf0)  }
0xa0: {  	v28 =	vsel vm12, v6, v26;
	v27 =	vbroadcast v25, $0xF  }
0xa1: {  	v14 =	vsel vm13, v7, v28  }
0xa2: {  	vm1 =	veq.f32 v0, v27;
	v0 =	vsel vm14, v8, v14  }
0xa3: {  	v0 =	vnsel vm1, $0x80000800, v0  }
0xa4: {  	(xrf0) =	vmin.scan.msk.u32 $0xffff, v0;
	_ =	sdelay $0x5  }
0xa5: {  	v0, _, _ =	vpop (xrf0)  }
0xa6: {  	(v2sf) =	vpush v0, $0xF;
	_ =	sdelay $0xe  }
0xa7: {  	s24 =	spop (v2sf)  }
0xa8: {  	s24 =	sxor.u32 $0x80000000, s24  }
0xa9: {  	v0 =	vmov s24;
	_ =	sdelay $0x4  }
0xaa: {  	[tilespmem:v0+s3+$0x0] =	vst.idx.msk $0x1, v9  }
0xab: {  	v0 =	vld [tilespmem:$0x0];
	_ =	sdelay $0x2  }
0xac: {  	v29 =	vld [tilespmem:$0x10];
	_ =	sdelay $0x1  }
0xad: {  	v30 =	vld [tilespmem:$0x20];
	vm1 =	vlt.f32 v0, $-Inf;
	vm7 =	vgt.f32 v0, $-Inf  }
0xae: {  	vm1 =	vmor vm7, vm1  }
0xaf: {  	v16 =	vld [tilespmem:$0x30];
	v0 =	vnsel vm1, $0xFF800000, v0  }
0xb0: {  	vm7 =	vgt.f32 v29, v0  }
0xb1: {  	v31 =	vld [tilespmem:$0x40];
	v0 =	vsel vm7, v29, v0  }
0xb2: {  	vm9 =	vgt.f32 v30, v0  }
0xb3: {  	v32 =	vld [tilespmem:$0x50];
	v0 =	vsel vm9, v30, v0  }
0xb4: {  	vm10 =	vgt.f32 v16, v0  }
0xb5: {  	v33 =	vld [tilespmem:$0x60];
	v0 =	vsel vm10, v16, v0  }
0xb6: {  	vm11 =	vgt.f32 v31, v0  }
0xb7: {  	v34 =	vld [tilespmem:$0x70];
	v0 =	vsel vm11, v31, v0  }
0xb8: {  	vm12 =	vgt.f32 v32, v0  }
0xb9: {  	v0 =	vsel vm12, v32, v0  }
0xba: {  	vm13 =	vgt.f32 v33, v0  }
0xbb: {  	v0 =	vsel vm13, v33, v0  }
0xbc: {  	vm14 =	vgt.f32 v34, v0  }
0xbd: {  	v0 =	vsel vm14, v34, v0  }
0xbe: {  	(xrf0) =	vmax.scan.msk.f32 $0xffff, v0;
	_ =	sdelay $0x1  }
0xbf: {  	v35 =	vnsel vm1, $0x80000000, v1  }
0xc0: {  	v14 =	vsel vm7, v2, v35  }
0xc1: {  	v14 =	vsel vm9, v3, v14  }
0xc2: {  	v14 =	vsel vm10, v4, v14  }
0xc3: {  	v37 =	vsel vm11, v5, v14;
	v36, _, _ =	vpop (xrf0)  }
0xc4: {  	v39 =	vsel vm12, v6, v37;
	v38 =	vbroadcast v36, $0xF  }
0xc5: {  	v15 =	vsel vm13, v7, v39  }
0xc6: {  	vm1 =	veq.f32 v0, v38;
	v0 =	vsel vm14, v8, v15  }
0xc7: {  	v0 =	vnsel vm1, $0x80000800, v0  }
0xc8: {  	(xrf0) =	vmin.scan.msk.u32 $0xffff, v0;
	_ =	sdelay $0x5  }
0xc9: {  	v0, _, _ =	vpop (xrf0)  }
0xca: {  	(v2sf) =	vpush v0, $0xF;
	_ =	sdelay $0xe  }
0xcb: {  	s25 =	spop (v2sf)  }
0xcc: {  	s25 =	sxor.u32 $0x80000000, s25  }
0xcd: {  	v0 =	vmov s25;
	_ =	sdelay $0x4  }
0xce: {  	[tilespmem:v0+s3+$0x0] =	vst.idx.msk $0x1, v9  }
0xcf: {  	v0 =	vld [tilespmem:$0x0];
	_ =	sdelay $0x2  }
0xd0: {  	v40 =	vld [tilespmem:$0x10];
	_ =	sdelay $0x1  }
0xd1: {  	v41 =	vld [tilespmem:$0x20];
	vm1 =	vlt.f32 v0, $-Inf;
	vm7 =	vgt.f32 v0, $-Inf  }
0xd2: {  	vm1 =	vmor vm7, vm1  }
0xd3: {  	v17 =	vld [tilespmem:$0x30];
	v0 =	vnsel vm1, $0xFF800000, v0  }
0xd4: {  	vm7 =	vgt.f32 v40, v0  }
0xd5: {  	v42 =	vld [tilespmem:$0x40];
	v0 =	vsel vm7, v40, v0  }
0xd6: {  	vm9 =	vgt.f32 v41, v0  }
0xd7: {  	v43 =	vld [tilespmem:$0x50];
	v0 =	vsel vm9, v41, v0  }
0xd8: {  	vm10 =	vgt.f32 v17, v0  }
0xd9: {  	v44 =	vld [tilespmem:$0x60];
	v0 =	vsel vm10, v17, v0  }
0xda: {  	vm11 =	vgt.f32 v42, v0  }
0xdb: {  	v45 =	vld [tilespmem:$0x70];
	v0 =	vsel vm11, v42, v0  }
0xdc: {  	vm12 =	vgt.f32 v43, v0  }
0xdd: {  	v0 =	vsel vm12, v43, v0  }
0xde: {  	vm13 =	vgt.f32 v44, v0  }
0xdf: {  	v0 =	vsel vm13, v44, v0  }
0xe0: {  	vm14 =	vgt.f32 v45, v0  }
0xe1: {  	v0 =	vsel vm14, v45, v0  }
0xe2: {  	(xrf0) =	vmax.scan.msk.f32 $0xffff, v0;
	_ =	sdelay $0x1  }
0xe3: {  	v46 =	vnsel vm1, $0x80000000, v1  }
0xe4: {  	v15 =	vsel vm7, v2, v46  }
0xe5: {  	v15 =	vsel vm9, v3, v15  }
0xe6: {  	v15 =	vsel vm10, v4, v15  }
0xe7: {  	v15 =	vsel vm11, v5, v15;
	v47, _, _ =	vpop (xrf0)  }
0xe8: {  	v15 =	vsel vm12, v6, v15;
	v16 =	vbroadcast v47, $0xF  }
0xe9: {  	v15 =	vsel vm13, v7, v15  }
0xea: {  	vm1 =	veq.f32 v0, v16;
	v0 =	vsel vm14, v8, v15  }
0xeb: {  	v0 =	vnsel vm1, $0x80000800, v0  }
0xec: {  	(xrf0) =	vmin.scan.msk.u32 $0xffff, v0;
	_ =	sdelay $0x5  }
0xed: {  	v0, _, _ =	vpop (xrf0)  }
0xee: {  	(v2sf) =	vpush v0, $0xF;
	_ =	sdelay $0xe  }
0xef: {  	s26 =	spop (v2sf)  }
0xf0: {  	s26 =	sxor.u32 $0x80000000, s26  }
0xf1: {  	v0 =	vmov s26;
	_ =	sdelay $0x4  }
0xf2: {  	[tilespmem:v0+s3+$0x0] =	vst.idx.msk $0x1, v9  }
0xf3: {  	v0 =	vld [tilespmem:$0x0];
	_ =	sdelay $0x2  }
0xf4: {  	v48 =	vld [tilespmem:$0x10];
	_ =	sdelay $0x1  }
0xf5: {  	v49 =	vld [tilespmem:$0x20];
	vm1 =	vlt.f32 v0, $-Inf;
	vm7 =	vgt.f32 v0, $-Inf  }
0xf6: {  	vm1 =	vmor vm7, vm1  }
0xf7: {  	v18 =	vld [tilespmem:$0x30];
	v0 =	vnsel vm1, $0xFF800000, v0  }
0xf8: {  	vm7 =	vgt.f32 v48, v0  }
0xf9: {  	v50 =	vld [tilespmem:$0x40];
	v0 =	vsel vm7, v48, v0  }
0xfa: {  	vm9 =	vgt.f32 v49, v0  }
0xfb: {  	v51 =	vld [tilespmem:$0x50];
	v0 =	vsel vm9, v49, v0  }
0xfc: {  	vm10 =	vgt.f32 v18, v0  }
0xfd: {  	v52 =	vld [tilespmem:$0x60];
	v0 =	vsel vm10, v18, v0  }
0xfe: {  	vm11 =	vgt.f32 v50, v0  }
0xff: {  	v53 =	vld [tilespmem:$0x70];
	v0 =	vsel vm11, v50, v0  }
0x100: {  	vm12 =	vgt.f32 v51, v0  }
0x101: {  	v0 =	vsel vm12, v51, v0  }
0x102: {  	vm13 =	vgt.f32 v52, v0  }
0x103: {  	v0 =	vsel vm13, v52, v0  }
0x104: {  	vm14 =	vgt.f32 v53, v0  }
0x105: {  	v0 =	vsel vm14, v53, v0  }
0x106: {  	(xrf0) =	vmax.scan.msk.f32 $0xffff, v0;
	_ =	sdelay $0x1  }
0x107: {  	v54 =	vnsel vm1, $0x80000000, v1  }
0x108: {  	v15 =	vsel vm7, v2, v54  }
0x109: {  	v15 =	vsel vm9, v3, v15  }
0x10a: {  	v15 =	vsel vm10, v4, v15  }
0x10b: {  	v15 =	vsel vm11, v5, v15;
	v55, _, _ =	vpop (xrf0)  }
0x10c: {  	v15 =	vsel vm12, v6, v15;
	v17 =	vbroadcast v55, $0xF  }
0x10d: {  	v15 =	vsel vm13, v7, v15  }
0x10e: {  	vm1 =	veq.f32 v0, v17;
	v0 =	vsel vm14, v8, v15  }
0x10f: {  	v0 =	vnsel vm1, $0x80000800, v0  }
0x110: {  	(xrf0) =	vmin.scan.msk.u32 $0xffff, v0;
	_ =	sdelay $0x5  }
0x111: {  	v0, _, _ =	vpop (xrf0)  }
0x112: {  	(v2sf) =	vpush v0, $0xF;
	_ =	sdelay $0xe  }
0x113: {  	s28 =	spop (v2sf)  }
0x114: {  	s28 =	sxor.u32 $0x80000000, s28  }
0x115: {  	v0 =	vmov s28;
	_ =	sdelay $0x4  }
0x116: {  	[tilespmem:v0+s3+$0x0] =	vst.idx.msk $0x1, v9  }
0x117: {  	v0 =	vld [tilespmem:$0x0];
	_ =	sdelay $0x2  }
0x118: {  	v56 =	vld [tilespmem:$0x10];
	_ =	sdelay $0x1  }
0x119: {  	v57 =	vld [tilespmem:$0x20];
	vm1 =	vlt.f32 v0, $-Inf;
	vm7 =	vgt.f32 v0, $-Inf  }
0x11a: {  	vm1 =	vmor vm7, vm1  }
0x11b: {  	v19 =	vld [tilespmem:$0x30];
	v0 =	vnsel vm1, $0xFF800000, v0  }
0x11c: {  	vm7 =	vgt.f32 v56, v0  }
0x11d: {  	v58 =	vld [tilespmem:$0x40];
	v0 =	vsel vm7, v56, v0  }
0x11e: {  	vm9 =	vgt.f32 v57, v0  }
0x11f: {  	v59 =	vld [tilespmem:$0x50];
	v0 =	vsel vm9, v57, v0  }
0x120: {  	vm10 =	vgt.f32 v19, v0  }
0x121: {  	v60 =	vld [tilespmem:$0x60];
	v0 =	vsel vm10, v19, v0  }
0x122: {  	vm11 =	vgt.f32 v58, v0  }
0x123: {  	v61 =	vld [tilespmem:$0x70];
	v0 =	vsel vm11, v58, v0  }
0x124: {  	vm12 =	vgt.f32 v59, v0  }
0x125: {  	v0 =	vsel vm12, v59, v0  }
0x126: {  	vm13 =	vgt.f32 v60, v0  }
0x127: {  	v0 =	vsel vm13, v60, v0  }
0x128: {  	vm14 =	vgt.f32 v61, v0  }
0x129: {  	v0 =	vsel vm14, v61, v0  }
0x12a: {  	(xrf0) =	vmax.scan.msk.f32 $0xffff, v0;
	_ =	sdelay $0x1  }
0x12b: {  	v62 =	vnsel vm1, $0x80000000, v1  }
0x12c: {  	v15 =	vsel vm7, v2, v62  }
0x12d: {  	v15 =	vsel vm9, v3, v15  }
0x12e: {  	v15 =	vsel vm10, v4, v15  }
0x12f: {  	v15 =	vsel vm11, v5, v15;
	v63, _, _ =	vpop (xrf0)  }
0x130: {  	v15 =	vsel vm12, v6, v15;
	v18 =	vbroadcast v63, $0xF  }
0x131: {  	v15 =	vsel vm13, v7, v15  }
0x132: {  	v15 =	vsel vm14, v8, v15;
	vm1 =	veq.f32 v0, v18  }
0x133: {  	v0 =	vnsel vm1, $0x80000800, v15  }
0x134: {  	(xrf0) =	vmin.scan.msk.u32 $0xffff, v0;
	_ =	sdelay $0x5  }
0x135: {  	v0, _, _ =	vpop (xrf0)  }
0x136: {  	(v2sf) =	vpush v0, $0xF;
	_ =	sdelay $0xd  }
0x137: {  	s21 =	sadd.s32 s4, s21;
	vm1 =	vcmask $0x320;
	v0 =	vnsel vm0, $0xFF800000, v10  }
0x138: {  	v10 =	vmov s21;
	v0 =	vsel vm1, v0, v11;
	vm1 =	vcmask $0x300;
	s29 =	spop (v2sf)  }
0x139: {  	s30 =	sadd.s32 s4, s22;
	v10 =	vnsel vm1, $0x0, v10;
	v0 =	vsel vm2, v0, v12;
	s31 =	sxor.u32 $0x80000000, s29  }
0x13a: {  	s23 =	sadd.s32 s4, s23;
	vm1 =	vcmask $0xB08;
	v10 =	vsel vm8, s30, v10;
	v11 =	vmov s31  }
0x13b: {  	s24 =	sadd.s32 s4, s24;
	v0 =	vsel vm3, v0, v27;
	v10 =	vsel vm1, s23, v10;
	vm1 =	vcmask $0xF0C  }
0x13c: {  	s25 =	sadd.s32 s4, s25;
	v0 =	vsel vm4, v0, v38;
	v10 =	vsel vm1, s24, v10;
	vm1 =	vcmask $0x1310  }
0x13d: {  	v0 =	vsel vm5, v0, v16;
	v10 =	vsel vm1, s25, v10;
	vm1 =	vcmask $0x1714;
	s29 =	sadd.s32 s4, s26  }
0x13e: {  	s30 =	sadd.s32 s4, s28;
	v0 =	vsel vm6, v0, v17;
	v10 =	vsel vm1, s29, v10;
	vm1 =	vcmask $0x1B18  }
0x13f: {  	v0 =	vsel vm15, v0, v18;
	s31 =	sadd.s32 s4, s31;
	v10 =	vsel vm1, s30, v10;
	vm1 =	vcmask $0x1F1C;
	[tilespmem:v11+s3+$0x0] =	vst.idx.msk $0x1, v9  }
0x140: {  	v10 =	vsel vm1, s31, v10;
	[tilespmem:$0x180] =	vst v0  }
0x141: {  	[tilespmem:$0x200] =	vst v10  }
0x142: {  	[spmem:s6] =	stream.linear.scatter [tilespmem:s14], [sflag:$0x2], $0x10, $0x38;
	[tilespmem:$0xC3A0] =	vst v63  }
0x143: {  	_ =	swait.ge [sflag:s13], $0x10  }
0x144: {  	[sflag:s13] =	ssyncset.done $0x0  }
0x145: {  	[sflag:s13] =	ssyncadd.s32 $0xFFFFFFF0  }
0x146: {  	[spmem:s7] =	stream.linear.scatter [tilespmem:s15], [sflag:$0x2], $0x10, $0x38;
	[tilespmem:$0xC3A0] =	vst v63  }
.Ltmp2:
0x147: {  	_ =	swait.ge [sflag:s13], $0x10;
	(pc) =	sbr.rel @p0 .LBB2_3-.Ltmp2, $3  }
0x148: {  	[sflag:s13] =	ssyncset.done $0x0  }
0x149: {  	[sflag:s13] =	ssyncadd.s32 $0xFFFFFFF0  }
0x14a: {  	[bflag:$0x0] =	sbarrier.arrive $0xFFFF;
	_ =	sdelay $0x1  }
0x14b: {  	[tilespmem:s16], [sflag:$0x2] =	stream.linear.gather [spmem:s8], $0x80, $0x38;
	[tilespmem:$0xC3A0] =	vst v63  }
0x14c: {  	_ =	swait.ge [sflag:s13], $0x80  }
0x14d: {  	[sflag:s13] =	ssyncset.done $0x0  }
0x14e: {  	[sflag:s13] =	ssyncadd.s32 $0xFFFFFF80  }
0x14f: {  	[tilespmem:s17], [sflag:$0x2] =	stream.linear.gather [spmem:s9], $0x80, $0x38;
	[tilespmem:$0xC3A0] =	vst v63  }
0x150: {  	_ =	swait.ge [sflag:s13], $0x80  }
0x151: {  	[sflag:s13] =	ssyncset.done $0x0  }
0x152: {  	[sflag:s13] =	ssyncadd.s32 $0xFFFFFF80  }
0x153: {  	v0 =	vld [tilespmem:$0x80];
	_ =	sdelay $0x2  }
0x154: {  	v11 =	vld [tilespmem:$0x90];
	_ =	sdelay $0x1  }
0x155: {  	v12 =	vld [tilespmem:$0xA0];
	vm1 =	vlt.f32 v0, $-Inf;
	vm7 =	vgt.f32 v0, $-Inf  }
0x156: {  	vm1 =	vmor vm7, vm1  }
0x157: {  	v16 =	vld [tilespmem:$0xB0];
	v10 =	vnsel vm1, $0xFF800000, v0  }
0x158: {  	vm7 =	vgt.f32 v11, v10  }
0x159: {  	v17 =	vld [tilespmem:$0xC0];
	v10 =	vsel vm7, v11, v10  }
0x15a: {  	vm9 =	vgt.f32 v12, v10  }
0x15b: {  	v18 =	vld [tilespmem:$0xD0];
	v10 =	vsel vm9, v12, v10  }
0x15c: {  	vm10 =	vgt.f32 v16, v10  }
0x15d: {  	v19 =	vld [tilespmem:$0xE0];
	v10 =	vsel vm10, v16, v10  }
0x15e: {  	vm11 =	vgt.f32 v17, v10  }
0x15f: {  	v20 =	vld [tilespmem:$0xF0];
	v10 =	vsel vm11, v17, v10  }
0x160: {  	vm12 =	vgt.f32 v18, v10  }
0x161: {  	v10 =	vsel vm12, v18, v10  }
0x162: {  	v13 =	vld [tilespmem:$0x100];
	vm13 =	vgt.f32 v19, v10  }
0x163: {  	v14 =	vld [tilespmem:$0x110];
	v10 =	vsel vm13, v19, v10  }
0x164: {  	v15 =	vld [tilespmem:$0x120];
	vm14 =	vgt.f32 v20, v10  }
0x165: {  	v21 =	vld [tilespmem:$0x130];
	v22 =	vsel vm14, v20, v10  }
0x166: {  	v10 =	vld [tilespmem:$0x140];
	(xrf0) =	vmax.scan.msk.f32 $0xffff, v22  }
0x167: {  	v24 =	vld [tilespmem:$0x150];
	v23 =	vnsel vm1, $0x0, v13  }
0x168: {  	v60 =	vld [tilespmem:$0x160];
	v14 =	vsel vm7, v14, v23  }
0x169: {  	v61 =	vld [tilespmem:$0x170];
	v14 =	vsel vm9, v15, v14  }
0x16a: {  	v14 =	vsel vm10, v21, v14  }
0x16b: {  	v10 =	vsel vm11, v10, v14  }
0x16c: {  	v10 =	vsel vm12, v24, v10;
	v62, _, _ =	vpop (xrf0)  }
0x16d: {  	v63 =	vsel vm13, v60, v10;
	v9 =	vbroadcast v62, $0xF  }
0x16e: {  	v24 =	vsel vm14, v61, v63  }
0x16f: {  	v14 =	vxor.u32 $0x80000000, v24;
	vm1 =	veq.f32 v22, v9  }
0x170: {  	v14 =	vnsel vm1, $0x80000800, v14  }
0x171: {  	(xrf0) =	vmin.scan.msk.u32 $0xffff, v14;
	_ =	sdelay $0x5  }
0x172: {  	v14, _, _ =	vpop (xrf0)  }
0x173: {  	(v2sf) =	vpush v14, $0xF;
	_ =	sdelay $0xe  }
0x174: {  	v25 =	vld [tilespmem:$0x110];
	s21 =	spop (v2sf)  }
0x175: {  	s21 =	sxor.u32 $0x80000000, s21  }
0x176: {  	v26 =	vld [tilespmem:$0x120];
	vm1 =	veq.s32 v13, s21  }
0x177: {  	v13 =	vsel vm1, $0xFF800000, v0  }
0x178: {  	v0 =	vld [tilespmem:$0x130];
	vm1 =	vlt.f32 v13, $-Inf;
	vm7 =	vgt.f32 v13, $-Inf  }
0x179: {  	vm10 =	veq.s32 v25, s21;
	vm9 =	vmor vm7, vm1  }
0x17a: {  	v14 =	vsel vm10, $0xFF800000, v11;
	v11 =	vld [tilespmem:$0x140];
	v27 =	vnsel vm9, $0xFF800000, v13  }
0x17b: {  	vm1 =	veq.s32 v26, s21;
	vm10 =	vgt.f32 v14, v27  }
0x17c: {  	v28 =	vld [tilespmem:$0x150];
	v15 =	vsel vm1, $0xFF800000, v12;
	v21 =	vsel vm10, v14, v27  }
0x17d: {  	vm1 =	veq.s32 v0, s21;
	vm11 =	vgt.f32 v15, v21  }
0x17e: {  	v0 =	vld [tilespmem:$0x160];
	v16 =	vsel vm1, $0xFF800000, v16;
	v21 =	vsel vm11, v15, v21  }
0x17f: {  	vm1 =	veq.s32 v11, s21;
	vm7 =	vgt.f32 v16, v21  }
0x180: {  	v11 =	vld [tilespmem:$0x170];
	v17 =	vsel vm1, $0xFF800000, v17;
	v21 =	vsel vm7, v16, v21  }
0x181: {  	vm1 =	veq.s32 v28, s21;
	vm12 =	vgt.f32 v17, v21  }
0x182: {  	v18 =	vsel vm1, $0xFF800000, v18;
	v29 =	vsel vm12, v17, v21  }
0x183: {  	vm1 =	veq.s32 v0, s21;
	vm13 =	vgt.f32 v18, v29  }
0x184: {  	v19 =	vsel vm1, $0xFF800000, v19;
	v0 =	vsel vm13, v18, v29  }
0x185: {  	v30 =	vld [tilespmem:$0x100];
	vm1 =	veq.s32 v11, s21;
	vm14 =	vgt.f32 v19, v0  }
0x186: {  	v11 =	vld [tilespmem:$0x110];
	v20 =	vsel vm1, $0xFF800000, v20;
	v0 =	vsel vm14, v19, v0  }
0x187: {  	v31 =	vld [tilespmem:$0x120];
	vm1 =	vgt.f32 v20, v0  }
0x188: {  	v32 =	vld [tilespmem:$0x130];
	v0 =	vsel vm1, v20, v0  }
0x189: {  	v33 =	vld [tilespmem:$0x140];
	(xrf0) =	vmax.scan.msk.f32 $0xffff, v0  }
0x18a: {  	v25 =	vld [tilespmem:$0x150];
	v34 =	vnsel vm9, $0x0, v30  }
0x18b: {  	v35 =	vld [tilespmem:$0x160];
	v11 =	vsel vm10, v11, v34  }
0x18c: {  	v36 =	vld [tilespmem:$0x170];
	v11 =	vsel vm11, v31, v11  }
0x18d: {  	v11 =	vsel vm7, v32, v11  }
0x18e: {  	v11 =	vsel vm12, v33, v11  }
0x18f: {  	v11 =	vsel vm13, v25, v11;
	v37, _, _ =	vpop (xrf0)  }
0x190: {  	[tilespmem:$0x1FFA0] =	vst v9;
	v38 =	vsel vm14, v35, v11;
	v9 =	vbroadcast v37, $0xF  }
0x191: {  	v21 =	vsel vm1, v36, v38  }
0x192: {  	vm1 =	veq.f32 v0, v9;
	v0 =	vxor.u32 $0x80000000, v21  }
0x193: {  	v0 =	vnsel vm1, $0x80000800, v0  }
0x194: {  	(xrf0) =	vmin.scan.msk.u32 $0xffff, v0;
	_ =	sdelay $0x5  }
0x195: {  	v0, _, _ =	vpop (xrf0)  }
0x196: {  	(v2sf) =	vpush v0, $0xF;
	_ =	sdelay $0xe  }
0x197: {  	v0 =	vld [tilespmem:$0x110];
	s22 =	spop (v2sf)  }
0x198: {  	s22 =	sxor.u32 $0x80000000, s22  }
0x199: {  	v39 =	vld [tilespmem:$0x120];
	vm1 =	veq.s32 v30, s22  }
0x19a: {  	v21 =	vsel vm1, $0xFF800000, v13  }
0x19b: {  	v40 =	vld [tilespmem:$0x130];
	vm1 =	vlt.f32 v21, $-Inf;
	vm7 =	vgt.f32 v21, $-Inf  }
0x19c: {  	vm10 =	veq.s32 v0, s22;
	vm9 =	vmor vm7, vm1  }
0x19d: {  	v0 =	vld [tilespmem:$0x140];
	v22 =	vsel vm10, $0xFF800000, v14;
	v41 =	vnsel vm9, $0xFF800000, v21  }
0x19e: {  	vm1 =	veq.s32 v39, s22;
	vm10 =	vgt.f32 v22, v41  }
0x19f: {  	v42 =	vld [tilespmem:$0x150];
	v23 =	vsel vm1, $0xFF800000, v15;
	v25 =	vsel vm10, v22, v41  }
0x1a0: {  	vm1 =	veq.s32 v40, s22;
	vm11 =	vgt.f32 v23, v25  }
0x1a1: {  	v27 =	vld [tilespmem:$0x160];
	v24 =	vsel vm1, $0xFF800000, v16;
	v26 =	vsel vm11, v23, v25  }
0x1a2: {  	vm1 =	veq.s32 v0, s22;
	vm7 =	vgt.f32 v24, v26  }
0x1a3: {  	v0 =	vld [tilespmem:$0x170];
	v25 =	vsel vm1, $0xFF800000, v17;
	v28 =	vsel vm7, v24, v26  }
0x1a4: {  	vm1 =	veq.s32 v42, s22;
	vm12 =	vgt.f32 v25, v28  }
0x1a5: {  	v26 =	vsel vm1, $0xFF800000, v18;
	v43 =	vsel vm12, v25, v28  }
0x1a6: {  	vm1 =	veq.s32 v27, s22;
	vm13 =	vgt.f32 v26, v43  }
0x1a7: {  	v27 =	vsel vm1, $0xFF800000, v19;
	v12 =	vsel vm13, v26, v43  }
0x1a8: {  	vm1 =	veq.s32 v0, s22;
	v0 =	vld [tilespmem:$0x100];
	vm14 =	vgt.f32 v27, v12  }
0x1a9: {  	v44 =	vld [tilespmem:$0x110];
	v10 =	vsel vm1, $0xFF800000, v20;
	v12 =	vsel vm14, v27, v12  }
0x1aa: {  	v30 =	vld [tilespmem:$0x120];
	vm1 =	vgt.f32 v10, v12  }
0x1ab: {  	v31 =	vld [tilespmem:$0x130];
	v32 =	vsel vm1, v10, v12  }
0x1ac: {  	v45 =	vld [tilespmem:$0x140];
	(xrf0) =	vmax.scan.msk.f32 $0xffff, v32  }
0x1ad: {  	v34 =	vld [tilespmem:$0x150];
	v33 =	vnsel vm9, $0x0, v0  }
0x1ae: {  	v46 =	vld [tilespmem:$0x160];
	v28 =	vsel vm10, v44, v33  }
0x1af: {  	v47 =	vld [tilespmem:$0x170];
	v28 =	vsel vm11, v30, v28  }
0x1b0: {  	v28 =	vsel vm7, v31, v28  }
0x1b1: {  	v12 =	vsel vm12, v45, v28  }
0x1b2: {  	v12 =	vsel vm13, v34, v12;
	v48, _, _ =	vpop (xrf0)  }
0x1b3: {  	[tilespmem:$0x1FFB0] =	vst v9;
	v49 =	vsel vm14, v46, v12;
	v9 =	vbroadcast v48, $0xF  }
0x1b4: {  	v50 =	vsel vm1, v47, v49  }
0x1b5: {  	v28 =	vxor.u32 $0x80000000, v50;
	vm1 =	veq.f32 v32, v9  }
0x1b6: {  	v28 =	vnsel vm1, $0x80000800, v28  }
0x1b7: {  	(xrf0) =	vmin.scan.msk.u32 $0xffff, v28;
	_ =	sdelay $0x5  }
0x1b8: {  	v28, _, _ =	vpop (xrf0)  }
0x1b9: {  	(v2sf) =	vpush v28, $0xF;
	_ =	sdelay $0xe  }
0x1ba: {  	v51 =	vld [tilespmem:$0x110];
	s23 =	spop (v2sf)  }
0x1bb: {  	s23 =	sxor.u32 $0x80000000, s23  }
0x1bc: {  	vm1 =	veq.s32 v0, s23;
	v0 =	vld [tilespmem:$0x120]  }
0x1bd: {  	v30 =	vsel vm1, $0xFF800000, v21  }
0x1be: {  	v52 =	vld [tilespmem:$0x130];
	vm1 =	vlt.f32 v30, $-Inf;
	vm7 =	vgt.f32 v30, $-Inf  }
0x1bf: {  	vm10 =	veq.s32 v51, s23;
	vm9 =	vmor vm7, vm1  }
0x1c0: {  	v53 =	vld [tilespmem:$0x140];
	v31 =	vsel vm10, $0xFF800000, v22;
	v54 =	vnsel vm9, $0xFF800000, v30  }
0x1c1: {  	vm1 =	veq.s32 v0, s23;
	vm10 =	vgt.f32 v31, v54  }
0x1c2: {  	v0 =	vld [tilespmem:$0x150];
	v32 =	vsel vm1, $0xFF800000, v23;
	v34 =	vsel vm10, v31, v54  }
0x1c3: {  	vm1 =	veq.s32 v52, s23;
	vm11 =	vgt.f32 v32, v34  }
0x1c4: {  	v36 =	vld [tilespmem:$0x160];
	v33 =	vsel vm1, $0xFF800000, v24;
	v35 =	vsel vm11, v32, v34  }
0x1c5: {  	vm1 =	veq.s32 v53, s23;
	vm7 =	vgt.f32 v33, v35  }
0x1c6: {  	v55 =	vld [tilespmem:$0x170];
	v34 =	vsel vm1, $0xFF800000, v25;
	v37 =	vsel vm7, v33, v35  }
0x1c7: {  	vm1 =	veq.s32 v0, s23;
	vm12 =	vgt.f32 v34, v37  }
0x1c8: {  	v35 =	vsel vm1, $0xFF800000, v26;
	v0 =	vsel vm12, v34, v37  }
0x1c9: {  	vm1 =	veq.s32 v36, s23;
	vm13 =	vgt.f32 v35, v0  }
0x1ca: {  	v36 =	vsel vm1, $0xFF800000, v27;
	v0 =	vsel vm13, v35, v0  }
0x1cb: {  	v38 =	vld [tilespmem:$0x100];
	vm1 =	veq.s32 v55, s23;
	vm14 =	vgt.f32 v36, v0  }
0x1cc: {  	v56 =	vld [tilespmem:$0x110];
	v37 =	vsel vm1, $0xFF800000, v10;
	v0 =	vsel vm14, v36, v0  }
0x1cd: {  	v39 =	vld [tilespmem:$0x120];
	vm1 =	vgt.f32 v37, v0  }
0x1ce: {  	v40 =	vld [tilespmem:$0x130];
	v0 =	vsel vm1, v37, v0  }
0x1cf: {  	v41 =	vld [tilespmem:$0x140];
	(xrf0) =	vmax.scan.msk.f32 $0xffff, v0  }
0x1d0: {  	v43 =	vld [tilespmem:$0x150];
	v42 =	vnsel vm9, $0x0, v38  }
0x1d1: {  	v57 =	vld [tilespmem:$0x160];
	v28 =	vsel vm10, v56, v42  }
0x1d2: {  	v58 =	vld [tilespmem:$0x170];
	v28 =	vsel vm11, v39, v28  }
0x1d3: {  	v28 =	vsel vm7, v40, v28  }
0x1d4: {  	v28 =	vsel vm12, v41, v28  }
0x1d5: {  	v28 =	vsel vm13, v43, v28;
	v59, _, _ =	vpop (xrf0)  }
0x1d6: {  	[tilespmem:$0x1FFC0] =	vst v9;
	v60 =	vsel vm14, v57, v28;
	v9 =	vbroadcast v59, $0xF  }
0x1d7: {  	v39 =	vsel vm1, v58, v60  }
0x1d8: {  	vm1 =	veq.f32 v0, v9;
	v0 =	vxor.u32 $0x80000000, v39  }
0x1d9: {  	v0 =	vnsel vm1, $0x80000800, v0  }
0x1da: {  	(xrf0) =	vmin.scan.msk.u32 $0xffff, v0;
	_ =	sdelay $0x5  }
0x1db: {  	v0, _, _ =	vpop (xrf0)  }
0x1dc: {  	(v2sf) =	vpush v0, $0xF;
	_ =	sdelay $0xe  }
0x1dd: {  	v0 =	vld [tilespmem:$0x110];
	s24 =	spop (v2sf)  }
0x1de: {  	s24 =	sxor.u32 $0x80000000, s24  }
0x1df: {  	v61 =	vld [tilespmem:$0x120];
	vm1 =	veq.s32 v38, s24  }
0x1e0: {  	v39 =	vsel vm1, $0xFF800000, v30  }
0x1e1: {  	v62 =	vld [tilespmem:$0x130];
	vm1 =	vlt.f32 v39, $-Inf;
	vm7 =	vgt.f32 v39, $-Inf  }
0x1e2: {  	vm10 =	veq.s32 v0, s24;
	vm9 =	vmor vm7, vm1  }
0x1e3: {  	v0 =	vld [tilespmem:$0x140];
	v40 =	vsel vm10, $0xFF800000, v31;
	v63 =	vnsel vm9, $0xFF800000, v39  }
0x1e4: {  	vm1 =	veq.s32 v61, s24;
	vm10 =	vgt.f32 v40, v63  }
0x1e5: {  	v12 =	vld [tilespmem:$0x150];
	v41 =	vsel vm1, $0xFF800000, v32;
	v43 =	vsel vm10, v40, v63  }
0x1e6: {  	vm1 =	veq.s32 v62, s24;
	vm11 =	vgt.f32 v41, v43  }
0x1e7: {  	v45 =	vld [tilespmem:$0x160];
	v42 =	vsel vm1, $0xFF800000, v33;
	v44 =	vsel vm11, v41, v43  }
0x1e8: {  	vm1 =	veq.s32 v0, s24;
	vm7 =	vgt.f32 v42, v44  }
0x1e9: {  	v0 =	vld [tilespmem:$0x170];
	v43 =	vsel vm1, $0xFF800000, v34;
	v46 =	vsel vm7, v42, v44  }
0x1ea: {  	vm1 =	veq.s32 v12, s24;
	vm12 =	vgt.f32 v43, v46  }
0x1eb: {  	v44 =	vsel vm1, $0xFF800000, v35;
	v28 =	vsel vm12, v43, v46  }
0x1ec: {  	vm1 =	veq.s32 v45, s24;
	vm13 =	vgt.f32 v44, v28  }
0x1ed: {  	v45 =	vsel vm1, $0xFF800000, v36;
	v38 =	vsel vm13, v44, v28  }
0x1ee: {  	vm1 =	veq.s32 v0, s24;
	v0 =	vld [tilespmem:$0x100];
	vm14 =	vgt.f32 v45, v38  }
0x1ef: {  	v47 =	vld [tilespmem:$0x110];
	v46 =	vsel vm1, $0xFF800000, v37;
	v38 =	vsel vm14, v45, v38  }
0x1f0: {  	v48 =	vld [tilespmem:$0x120];
	vm1 =	vgt.f32 v46, v38  }
0x1f1: {  	v49 =	vld [tilespmem:$0x130];
	v50 =	vsel vm1, v46, v38  }
0x1f2: {  	v29 =	vld [tilespmem:$0x140];
	(xrf0) =	vmax.scan.msk.f32 $0xffff, v50  }
0x1f3: {  	v52 =	vld [tilespmem:$0x150];
	v51 =	vnsel vm9, $0x0, v0  }
0x1f4: {  	v56 =	vld [tilespmem:$0x160];
	v47 =	vsel vm10, v47, v51  }
0x1f5: {  	v57 =	vld [tilespmem:$0x170];
	v47 =	vsel vm11, v48, v47  }
0x1f6: {  	v47 =	vsel vm7, v49, v47  }
0x1f7: {  	v38 =	vsel vm12, v29, v47  }
0x1f8: {  	v38 =	vsel vm13, v52, v38;
	v58, _, _ =	vpop (xrf0)  }
0x1f9: {  	[tilespmem:$0x1FFD0] =	vst v9;
	v59 =	vsel vm14, v56, v38;
	v9 =	vbroadcast v58, $0xF  }
0x1fa: {  	v60 =	vsel vm1, v57, v59  }
0x1fb: {  	v47 =	vxor.u32 $0x80000000, v60;
	vm1 =	veq.f32 v50, v9  }
0x1fc: {  	v47 =	vnsel vm1, $0x80000800, v47  }
0x1fd: {  	(xrf0) =	vmin.scan.msk.u32 $0xffff, v47;
	_ =	sdelay $0x5  }
0x1fe: {  	v47, _, _ =	vpop (xrf0)  }
0x1ff: {  	(v2sf) =	vpush v47, $0xF;
	_ =	sdelay $0xe  }
0x200: {  	v61 =	vld [tilespmem:$0x110];
	s25 =	spop (v2sf)  }
0x201: {  	s25 =	sxor.u32 $0x80000000, s25  }
0x202: {  	vm1 =	veq.s32 v0, s25;
	v0 =	vld [tilespmem:$0x120]  }
0x203: {  	v48 =	vsel vm1, $0xFF800000, v39  }
0x204: {  	v62 =	vld [tilespmem:$0x130];
	vm1 =	vlt.f32 v48, $-Inf;
	vm7 =	vgt.f32 v48, $-Inf  }
0x205: {  	vm10 =	veq.s32 v61, s25;
	vm9 =	vmor vm7, vm1  }
0x206: {  	v63 =	vld [tilespmem:$0x140];
	v49 =	vsel vm10, $0xFF800000, v40;
	v12 =	vnsel vm9, $0xFF800000, v48  }
0x207: {  	vm1 =	veq.s32 v0, s25;
	vm10 =	vgt.f32 v49, v12  }
0x208: {  	v0 =	vld [tilespmem:$0x150];
	v50 =	vsel vm1, $0xFF800000, v41;
	v52 =	vsel vm10, v49, v12  }
0x209: {  	vm1 =	veq.s32 v62, s25;
	vm11 =	vgt.f32 v50, v52  }
0x20a: {  	v54 =	vld [tilespmem:$0x160];
	v51 =	vsel vm1, $0xFF800000, v42;
	v53 =	vsel vm11, v50, v52  }
0x20b: {  	vm1 =	veq.s32 v63, s25;
	vm7 =	vgt.f32 v51, v53  }
0x20c: {  	v28 =	vld [tilespmem:$0x170];
	v52 =	vsel vm1, $0xFF800000, v43;
	v55 =	vsel vm7, v51, v53  }
0x20d: {  	vm1 =	veq.s32 v0, s25;
	vm12 =	vgt.f32 v52, v55  }
0x20e: {  	v53 =	vsel vm1, $0xFF800000, v44;
	v0 =	vsel vm12, v52, v55  }
0x20f: {  	vm1 =	veq.s32 v54, s25;
	vm13 =	vgt.f32 v53, v0  }
0x210: {  	v54 =	vsel vm1, $0xFF800000, v45;
	v0 =	vsel vm13, v53, v0  }
0x211: {  	v56 =	vld [tilespmem:$0x100];
	vm1 =	veq.s32 v28, s25;
	vm14 =	vgt.f32 v54, v0  }
0x212: {  	v29 =	vld [tilespmem:$0x110];
	v55 =	vsel vm1, $0xFF800000, v46;
	v0 =	vsel vm14, v54, v0  }
0x213: {  	v57 =	vld [tilespmem:$0x120];
	vm1 =	vgt.f32 v55, v0  }
0x214: {  	v58 =	vld [tilespmem:$0x130];
	v0 =	vsel vm1, v55, v0  }
0x215: {  	v59 =	vld [tilespmem:$0x140];
	(xrf0) =	vmax.scan.msk.f32 $0xffff, v0  }
0x216: {  	v61 =	vld [tilespmem:$0x150];
	v60 =	vnsel vm9, $0x0, v56  }
0x217: {  	v38 =	vld [tilespmem:$0x160];
	v47 =	vsel vm10, v29, v60  }
0x218: {  	v63 =	vld [tilespmem:$0x170];
	v47 =	vsel vm11, v57, v47  }
0x219: {  	v47 =	vsel vm7, v58, v47  }
0x21a: {  	v47 =	vsel vm12, v59, v47  }
0x21b: {  	v47 =	vsel vm13, v61, v47;
	v12, _, _ =	vpop (xrf0)  }
0x21c: {  	v28 =	vsel vm14, v38, v47;
	v47 =	vbroadcast v12, $0xF  }
0x21d: {  	v57 =	vsel vm1, v63, v28  }
0x21e: {  	vm1 =	veq.f32 v0, v47;
	v0 =	vxor.u32 $0x80000000, v57  }
0x21f: {  	v0 =	vnsel vm1, $0x80000800, v0  }
0x220: {  	(xrf0) =	vmin.scan.msk.u32 $0xffff, v0;
	_ =	sdelay $0x5  }
0x221: {  	v0, _, _ =	vpop (xrf0)  }
0x222: {  	(v2sf) =	vpush v0, $0xF;
	_ =	sdelay $0xe  }
0x223: {  	v0 =	vld [tilespmem:$0x110];
	s26 =	spop (v2sf)  }
0x224: {  	s26 =	sxor.u32 $0x80000000, s26  }
0x225: {  	v29 =	vld [tilespmem:$0x120];
	vm1 =	veq.s32 v56, s26  }
0x226: {  	v57 =	vsel vm1, $0xFF800000, v48  }
0x227: {  	v38 =	vld [tilespmem:$0x130];
	vm1 =	vlt.f32 v57, $-Inf;
	vm7 =	vgt.f32 v57, $-Inf  }
0x228: {  	vm10 =	veq.s32 v0, s26;
	vm9 =	vmor vm7, vm1  }
0x229: {  	v0 =	vld [tilespmem:$0x140];
	v58 =	vsel vm10, $0xFF800000, v49;
	v12 =	vnsel vm9, $0xFF800000, v57  }
0x22a: {  	vm1 =	veq.s32 v29, s26;
	vm10 =	vgt.f32 v58, v12  }
0x22b: {  	v28 =	vld [tilespmem:$0x150];
	v59 =	vsel vm1, $0xFF800000, v50;
	v61 =	vsel vm10, v58, v12  }
0x22c: {  	vm1 =	veq.s32 v38, s26;
	vm11 =	vgt.f32 v59, v61  }
0x22d: {  	v63 =	vld [tilespmem:$0x160];
	v60 =	vsel vm1, $0xFF800000, v51;
	v62 =	vsel vm11, v59, v61  }
0x22e: {  	vm1 =	veq.s32 v0, s26;
	vm7 =	vgt.f32 v60, v62  }
0x22f: {  	[tilespmem:$0x1FFE0] =	vst v9;
	v0 =	vld [tilespmem:$0x170];
	v61 =	vsel vm1, $0xFF800000, v52;
	v9 =	vsel vm7, v60, v62  }
0x230: {  	vm1 =	veq.s32 v28, s26;
	vm12 =	vgt.f32 v61, v9  }
0x231: {  	v62 =	vsel vm1, $0xFF800000, v53;
	v9 =	vsel vm12, v61, v9  }
0x232: {  	vm1 =	veq.s32 v63, s26;
	vm13 =	vgt.f32 v62, v9  }
0x233: {  	v63 =	vsel vm1, $0xFF800000, v54;
	v9 =	vsel vm13, v62, v9  }
0x234: {  	v56 =	vld [tilespmem:$0x100];
	vm1 =	veq.s32 v0, s26;
	vm14 =	vgt.f32 v63, v9  }
0x235: {  	v1 =	vld [tilespmem:$0x110];
	v0 =	vsel vm1, $0xFF800000, v55;
	v9 =	vsel vm14, v63, v9  }
0x236: {  	v29 =	vld [tilespmem:$0x120];
	vm1 =	vgt.f32 v0, v9  }
0x237: {  	v28 =	vmov v2;
	v2 =	vld [tilespmem:$0x130];
	v9 =	vsel vm1, v0, v9  }
0x238: {  	v38 =	vmov v3;
	v3 =	vld [tilespmem:$0x140];
	(xrf0) =	vmax.scan.msk.f32 $0xffff, v9  }
0x239: {  	v11 =	vmov v5;
	v5 =	vld [tilespmem:$0x150];
	v12 =	vmov v4;
	v4 =	vnsel vm9, $0x0, v56  }
0x23a: {  	v1 =	vsel vm10, v1, v4;
	v4 =	vld [tilespmem:$0x160]  }
0x23b: {  	v1 =	vsel vm11, v29, v1;
	v29 =	vld [tilespmem:$0x170]  }
0x23c: {  	v1 =	vsel vm7, v2, v1  }
0x23d: {  	v1 =	vsel vm12, v3, v1  }
0x23e: {  	v1 =	vsel vm13, v5, v1;
	v2, _, _ =	vpop (xrf0)  }
0x23f: {  	v3 =	vsel vm14, v4, v1;
	v1 =	vbroadcast v2, $0xF  }
0x240: {  	v2 =	vsel vm1, v29, v3  }
0x241: {  	v2 =	vxor.u32 $0x80000000, v2;
	vm1 =	veq.f32 v9, v1  }
0x242: {  	v2 =	vnsel vm1, $0x80000800, v2  }
0x243: {  	(xrf0) =	vmin.scan.msk.u32 $0xffff, v2;
	_ =	sdelay $0x5  }
0x244: {  	v2, _, _ =	vpop (xrf0)  }
0x245: {  	(v2sf) =	vpush v2, $0xF;
	_ =	sdelay $0xe  }
0x246: {  	v2 =	vld [tilespmem:$0x110];
	s28 =	spop (v2sf)  }
0x247: {  	s28 =	sxor.u32 $0x80000000, s28  }
0x248: {  	v3 =	vld [tilespmem:$0x120];
	vm1 =	veq.s32 v56, s28  }
0x249: {  	v4 =	vsel vm1, $0xFF800000, v57  }
0x24a: {  	v5 =	vld [tilespmem:$0x130];
	vm1 =	vlt.f32 v4, $-Inf;
	vm7 =	vgt.f32 v4, $-Inf  }
0x24b: {  	vm10 =	veq.s32 v2, s28;
	vm9 =	vmor vm7, vm1  }
0x24c: {  	v9 =	vld [tilespmem:$0x140];
	v2 =	vsel vm10, $0xFF800000, v58;
	v29 =	vnsel vm9, $0xFF800000, v4  }
0x24d: {  	vm1 =	veq.s32 v3, s28;
	vm10 =	vgt.f32 v2, v29  }
0x24e: {  	v56 =	vld [tilespmem:$0x150];
	v3 =	vsel vm1, $0xFF800000, v59;
	v29 =	vsel vm10, v2, v29  }
0x24f: {  	[tilespmem:$0x80] =	vst v13;
	vm1 =	veq.s32 v5, s28;
	vm11 =	vgt.f32 v3, v29  }
0x250: {  	[tilespmem:$0x90] =	vst v14;
	v13 =	vld [tilespmem:$0x160];
	v5 =	vsel vm1, $0xFF800000, v60;
	v14 =	vsel vm11, v3, v29  }
0x251: {  	vm1 =	veq.s32 v9, s28;
	vm12 =	vgt.f32 v5, v14  }
0x252: {  	v9 =	vsel vm1, $0xFF800000, v61;
	v29 =	vld [tilespmem:$0x170];
	v14 =	vsel vm12, v5, v14  }
0x253: {  	vm1 =	veq.s32 v56, s28;
	vm13 =	vgt.f32 v9, v14  }
0x254: {  	[tilespmem:$0xB0] =	vst v16;
	v16 =	vsel vm1, $0xFF800000, v62;
	v14 =	vsel vm13, v9, v14  }
0x255: {  	vm1 =	veq.s32 v13, s28;
	vm14 =	vgt.f32 v16, v14  }
0x256: {  	[tilespmem:$0xA0] =	vst v15;
	v13 =	vsel vm1, $0xFF800000, v63;
	v14 =	vsel vm14, v16, v14  }
0x257: {  	[tilespmem:$0xC0] =	vst v17;
	v15 =	vld [tilespmem:$0x100];
	vm1 =	veq.s32 v29, s28;
	vm7 =	vgt.f32 v13, v14  }
0x258: {  	[tilespmem:$0xD0] =	vst v18;
	v29 =	vld [tilespmem:$0x110];
	v17 =	vsel vm1, $0xFF800000, v0;
	v14 =	vsel vm7, v13, v14  }
0x259: {  	[tilespmem:$0xE0] =	vst v19;
	v19 =	vld [tilespmem:$0x120];
	vm1 =	vgt.f32 v17, v14  }
0x25a: {  	[tilespmem:$0xB0] =	vst v24;
	v56 =	vld [tilespmem:$0x130];
	v14 =	vsel vm1, v17, v14  }
0x25b: {  	[tilespmem:$0xC0] =	vst v25;
	v24 =	vld [tilespmem:$0x140];
	(xrf0) =	vmax.scan.msk.f32 $0xffff, v14  }
0x25c: {  	[tilespmem:$0xD0] =	vst v26;
	v26 =	vld [tilespmem:$0x150];
	v25 =	vnsel vm9, $0x0, v15  }
0x25d: {  	[tilespmem:$0xF0] =	vst v20;
	v18 =	vsel vm10, v29, v25;
	v29 =	vld [tilespmem:$0x160]  }
0x25e: {  	[tilespmem:$0xF0] =	vst v10;
	v10 =	vld [tilespmem:$0x170];
	v18 =	vsel vm11, v19, v18  }
0x25f: {  	v18 =	vsel vm12, v56, v18  }
0x260: {  	[tilespmem:$0x80] =	vst v21;
	v18 =	vsel vm13, v24, v18  }
0x261: {  	[tilespmem:$0x90] =	vst v22;
	v18 =	vsel vm14, v26, v18;
	v56, _, _ =	vpop (xrf0)  }
0x262: {  	[tilespmem:$0xA0] =	vst v23;
	v18 =	vsel vm7, v29, v18;
	v19 =	vbroadcast v56, $0xF  }
0x263: {  	[tilespmem:$0xE0] =	vst v27;
	v10 =	vsel vm1, v10, v18  }
0x264: {  	[tilespmem:$0x80] =	vst v30;
	v10 =	vxor.u32 $0x80000000, v10;
	vm1 =	veq.f32 v14, v19  }
0x265: {  	[tilespmem:$0x90] =	vst v31;
	v10 =	vnsel vm1, $0x80000800, v10  }
0x266: {  	[tilespmem:$0xA0] =	vst v32;
	(xrf0) =	vmin.scan.msk.u32 $0xffff, v10  }
0x267: {  	[tilespmem:$0xB0] =	vst v33  }
0x268: {  	[tilespmem:$0xC0] =	vst v34  }
0x269: {  	[tilespmem:$0xD0] =	vst v35  }
0x26a: {  	[tilespmem:$0xE0] =	vst v36  }
0x26b: {  	[tilespmem:$0xF0] =	vst v37  }
0x26c: {  	[tilespmem:$0x80] =	vst v39;
	v10, _, _ =	vpop (xrf0)  }
0x26d: {  	[tilespmem:$0x90] =	vst v40;
	(v2sf) =	vpush v10, $0xF  }
0x26e: {  	[tilespmem:$0xA0] =	vst v41  }
0x26f: {  	[tilespmem:$0xB0] =	vst v42  }
0x270: {  	[tilespmem:$0xC0] =	vst v43  }
0x271: {  	[tilespmem:$0xD0] =	vst v44  }
0x272: {  	[tilespmem:$0xE0] =	vst v45  }
0x273: {  	[tilespmem:$0xF0] =	vst v46  }
0x274: {  	[tilespmem:$0x80] =	vst v48  }
0x275: {  	[tilespmem:$0x90] =	vst v49  }
0x276: {  	[tilespmem:$0xA0] =	vst v50  }
0x277: {  	[tilespmem:$0xE0] =	vst v54  }
0x278: {  	[tilespmem:$0xF0] =	vst v55  }
0x279: {  	[tilespmem:$0x80] =	vst v57  }
0x27a: {  	[tilespmem:$0x90] =	vst v58;
	v10 =	vld [tilespmem:$0x110]  }
0x27b: {  	[tilespmem:$0xA0] =	vst v59  }
0x27c: {  	[tilespmem:$0xF0] =	vst v0;
	v0 =	vld [tilespmem:$0x120];
	s29 =	spop (v2sf)  }
0x27d: {  	[tilespmem:$0xE0] =	vst v63;
	s29 =	sxor.u32 $0x80000000, s29  }
0x27e: {  	[tilespmem:$0x80] =	vst v4;
	vm1 =	veq.s32 v15, s29  }
0x27f: {  	[tilespmem:$0x90] =	vst v2;
	v63 =	vld [tilespmem:$0x1FFB0];
	v4 =	vsel vm1, $0xFF800000, v4;
	vm1 =	veq.s32 v10, s29  }
0x280: {  	[tilespmem:$0x80] =	vst v4;
	v4 =	vld [tilespmem:$0x130];
	v2 =	vsel vm1, $0xFF800000, v2  }
0x281: {  	vm7 =	vcmask $0x300;
	v10 =	vld [tilespmem:$0x1FFA0];
	vm1 =	veq.s32 v0, s29;
	[tilespmem:$0x90] =	vst v2;
	v2 =	vmov s21  }
0x282: {  	[tilespmem:$0xA0] =	vst v3;
	v0 =	vnsel vm7, $0x0, v2;
	v2 =	vsel vm1, $0xFF800000, v3;
	v3 =	vld [tilespmem:$0x140]  }
0x283: {  	[tilespmem:$0xB0] =	vst v51  }
0x284: {  	[tilespmem:$0xC0] =	vst v52  }
0x285: {  	[tilespmem:$0xD0] =	vst v53;
	vm1 =	veq.s32 v4, s29  }
0x286: {  	[tilespmem:$0xA0] =	vst v2;
	v2 =	vld [tilespmem:$0x150];
	v10 =	vnsel vm0, $0x0, v10;
	v4 =	vsel vm1, $0xFF800000, v5;
	vm1 =	vcmask $0x320  }
0x287: {  	[tilespmem:$0xB0] =	vst v60;
	v10 =	vsel vm1, v10, v63;
	vm1 =	veq.s32 v3, s29;
	v3 =	vld [tilespmem:$0x1FFC0]  }
0x288: {  	[tilespmem:$0xC0] =	vst v61  }
0x289: {  	[tilespmem:$0xD0] =	vst v62  }
0x28a: {  	[tilespmem:$0xB0] =	vst v5;
	v0 =	vsel vm8, s22, v0;
	v5 =	vld [tilespmem:$0x160]  }
0x28b: {  	[tilespmem:$0xC0] =	vst v9;
	v0 =	vnsel vm2, s23, v0;
	v9 =	vsel vm1, $0xFF800000, v9;
	vm1 =	veq.s32 v2, s29;
	v2 =	vld [tilespmem:$0x1FFD0]  }
0x28c: {  	[tilespmem:$0xD0] =	vst v16;
	v0 =	vnsel vm3, s24, v0;
	v3 =	vsel vm2, v10, v3;
	v10 =	vld [tilespmem:$0x1FFE0]  }
0x28d: {  	v0 =	vnsel vm4, s25, v0;
	[tilespmem:$0xB0] =	vst v4;
	v4 =	vld [tilespmem:$0x170]  }
0x28e: {  	[tilespmem:$0xE0] =	vst v13;
	v0 =	vnsel vm5, s26, v0  }
0x28f: {  	[tilespmem:$0xF0] =	vst v17;
	v0 =	vnsel vm6, s28, v0  }
0x290: {  	[tilespmem:$0xC0] =	vst v9;
	v0 =	vnsel vm15, s29, v0;
	v2 =	vsel vm3, v3, v2  }
0x291: {  	[tilespmem:$0x280] =	vst v0;
	v3 =	vsel vm1, $0xFF800000, v16;
	vm1 =	veq.s32 v5, s29;
	v2 =	vsel vm4, v2, v10  }
0x292: {  	[tilespmem:$0xD0] =	vst v3;
	v3 =	vsel vm1, $0xFF800000, v13;
	vm1 =	veq.s32 v4, s29;
	v2 =	vsel vm5, v2, v47  }
0x293: {  	[tilespmem:$0xE0] =	vst v3;
	v3 =	vsel vm1, $0xFF800000, v17;
	v1 =	vsel vm6, v2, v1  }
0x294: {  	[tilespmem:$0xF0] =	vst v3;
	v1 =	vsel vm15, v1, v19  }
0x295: {  	[tilespmem:$0x300] =	vst v1  }
0x296: {  	[hbm4b:s10+s3] =	stream.linear.scatter [tilespmem:s18], [sflag:$0x2], $0x10, $0x38;
	[tilespmem:$0xC3A0] =	vst v63  }
0x297: {  	_ =	swait.ge [sflag:s13], $0x10  }
0x298: {  	[sflag:s13] =	ssyncset.done $0x0  }
0x299: {  	[sflag:s13] =	ssyncadd.s32 $0xFFFFFFF0  }
0x29a: {  	v0 =	vld.msk [tilespmem:$0x280], $0xff;
	_ =	sdelay $0x4  }
0x29b: {  	v0 =	vmul.u32 $0x1800, v0  }
0x29c: {  	v1 =	vlaneseq.u32  }
0x29d: {  	v0 =	vperm.xlane v0, v1;
	_ =	sdelay $0x4  }
0x29e: {  	vm1 =	vmmov $0xff  }
0x29f: {  	[tilespmem:s19], [sflag:$0x1] =	stream.indirect_vreg.gather [hbm4b:s1+s3], $0x1800, v0, vm1, $0x38;
	[tilespmem:$0xC3A0] =	vst v63  }
0x2a0: {  	v1 =	vld [tilespmem:$0x1FFF0];
	_ =	swait.ge [sflag:s20], $0xC000  }
0x2a1: {  	[sflag:s20] =	ssyncset.done $0x0  }
.Ltmp3:
0x2a2: {  	[sflag:s20] =	ssyncadd.s32 $0xFFFF4000;
	(pc) =	sbr.rel .LBB2_3-.Ltmp3, $4  }
0x2a3: {  	[hbm4b:s11+s3] =	stream.linear.scatter [tilespmem:s19], [sflag:$0x2], $0xC000, $0x38;
	[tilespmem:$0xC3A0] =	vst v63  }
0x2a4: {  	_ =	swait.ge [sflag:s13], $0xC000  }
0x2a5: {  	[sflag:s13] =	ssyncset.done $0x0  }
0x2a6: {  	v9 =	vimm.f32 $-Inf;
	v5 =	vmovc v11;
	v4 =	vmovc v12;
	v3 =	vmov v38;
	v2 =	vmov v28;
	[sflag:s13] =	ssyncadd.s32 $0xFFFF4000  }
.LBB2_4:
0x2a7: {  	_ =	sfence.sel $0x180000  }
0x2a8: {  	[bflag:$0x0] =	sbarrier.arrive $0xFFFF  }
0x2a9: {  	p0 =	sne.s32 s0, $0x0;
	_ =	strace $0x90000047  }
0x2aa: {  	s0 =	sadd.s32 @!p0 $0x100000, s2;
	[bflag:$0x2] =	sbarrier.arrive $0xFFFF  }
0x2ab: {  	[sflag:s0] =	ssyncadd.tile.s32 @!p0 $0x1;
	_ =	shalt  }
.Lfunc_end2:
_tile_overlayer_lowered:
.L_overlay_start_2:
0x2ac: {  	(tag) =	ssettag $0x2  }
0x2ad: {  	s0 =	rddreg [dreg:$0x0];
	s2 =	stileid.u32  }
0x2ae: {  	s1 =	rddreg [dreg:$0x1];
	p0 =	sne.s32 s2, $0x0  }
0x2af: {  	s3 =	rddreg [dreg:$0x2];
	[bflag:$0x3] =	sbarrier.arrive $0xFFFF;
	s2 =	simm.s32 @!p0 $0x1C02  }
0x2b0: {  	[timem:s3], [sflag:s2] =	dma.local @!p0 [hbm:s0], s1  }
0x2b1: {  	s0 =	simm.s32 @!p0 $0x2  }
0x2b2: {  	_ =	swait.ge @!p0 [sflag:s0], s1  }
0x2b3: {  	s1 =	ssub.s32 @!p0 $0x0, s1;
	[sflag:s0] =	ssyncset.done @!p0 $0x0  }
0x2b4: {  	[sflag:s0] =	ssyncadd.s32 @!p0 s1  }
0x2b5: {  	[bflag:$0x3] =	sbarrier.arrive $0xFFFF  }
0x2b6: {  	_ =	shalt  }

</sc_bundles>
